<compile_context>
chip_gen: v7x
topology: tpu7x:2x2x1
jax: 0.10.2.dev20260603
libtpu: 0.0.44.dev20260713+nightly
codegen_flags: <defaults>
</compile_context>

<pallas_src>
import functools

import jax
import jax.numpy as jnp
from jax import lax
from jax.experimental import pallas as pl
from jax.experimental.pallas import tpu as pltpu
from jax.experimental.pallas import tpu_sc as plsc

RES = 5000
D = 128
BATCH = 4096
SEQ = 200
B_TOTAL = BATCH * SEQ
NUM_CORES = 2
NUM_SUBCORES = 16
NW = NUM_CORES * NUM_SUBCORES
B_PER_W = B_TOTAL // NW
CHUNK = 128
G_ROWS = 128
G_PER_CHUNK = CHUNK // G_ROWS
N_CHUNKS = B_PER_W // CHUNK
LANES = 16
MAGIC = 12582912.0


def _sc_encode(r_flat, pe):
    mesh = plsc.VectorSubcoreMesh(
        core_axis_name="c", subcore_axis_name="s",
        num_cores=NUM_CORES, num_subcores=NUM_SUBCORES)

    @functools.partial(
        pl.kernel,
        out_type=jax.ShapeDtypeStruct((B_TOTAL, D), jnp.float32),
        mesh=mesh,
        scratch_types=[
            pltpu.VMEM((B_PER_W,), jnp.float32),
            pltpu.VMEM((3, G_PER_CHUNK, G_ROWS), jnp.int32),
            pltpu.VMEM((3, CHUNK, D), jnp.float32),
            pltpu.VMEM_SHARED((RES, D), jnp.float32),
            pltpu.SemaphoreType.DMA,
            pltpu.SemaphoreType.DMA,
            pltpu.SemaphoreType.DMA,
            pltpu.SemaphoreType.DMA,
            pltpu.SemaphoreType.DMA,
            pltpu.SemaphoreType.DMA,
        ],
    )
    def k(r_hbm, pe_hbm, out_hbm, r_v, idx_v, rows_v, pe_sh,
          sg0, sg1, sg2, sw0, sw1, sw2):
        sg = (sg0, sg1, sg2)
        sw = (sw0, sw1, sw2)
        wid = lax.axis_index("s") * NUM_CORES + lax.axis_index("c")
        w_base = wid * B_PER_W

        @pl.when(lax.axis_index("s") == 0)
        def _stage_table():
            pltpu.sync_copy(pe_hbm, pe_sh)

        pltpu.sync_copy(r_hbm.at[pl.ds(pl.multiple_of(w_base, B_PER_W),
                                       B_PER_W)], r_v)
        plsc.subcore_barrier()

        def fill(g, b):
            lo = g * CHUNK
            for i in range(CHUNK // LANES):
                x = r_v[pl.ds(lo + i * LANES, LANES)]
                x = jnp.maximum(x, 1.0 / RES) * float(RES)
                y = (x + MAGIC) - MAGIC
                j, jj = divmod(i, G_ROWS // LANES)
                idx_v[b, j, pl.ds(jj * LANES, LANES)] = y.astype(jnp.int32) - 1
            for j in range(G_PER_CHUNK):
                pltpu.async_copy(pe_hbm.at[idx_v.at[b, j]],
                                 rows_v.at[b, pl.ds(j * G_ROWS, G_ROWS)],
                                 sg[b])

        def wait_gather(b):
            for j in range(G_PER_CHUNK):
                pltpu.make_async_copy(
                    pe_hbm.at[idx_v.at[b, j]],
                    rows_v.at[b, pl.ds(j * G_ROWS, G_ROWS)], sg[b]).wait()

        def start_write(g, b):
            pltpu.async_copy(rows_v.at[b],
                             out_hbm.at[pl.ds(w_base + g * CHUNK, CHUNK)],
                             sw[b])

        def wait_write(g, b):
            pltpu.make_async_copy(
                rows_v.at[b],
                out_hbm.at[pl.ds(w_base + g * CHUNK, CHUNK)], sw[b]).wait()

        N = N_CHUNKS

        fill(0, 0)
        wait_gather(0)
        start_write(0, 0)
        fill(1, 1)
        wait_gather(1)
        start_write(1, 1)
        fill(2, 2)

        def body(t, carry):
            g0 = 2 + 3 * t
            for i in range(3):
                g = g0 + i
                b = (2 + i) % 3
                nb = i
                wait_gather(b)
                start_write(g, b)
                wait_write(g - 2, nb)
                fill(g + 1, nb)
            return carry

        lax.fori_loop(0, (N - 5) // 3, body, 0)

        wait_gather(2)
        start_write(N - 3, 2)
        wait_write(N - 5, 0)
        fill(N - 2, 0)
        wait_gather(0)
        start_write(N - 2, 0)
        wait_write(N - 4, 1)
        fill(N - 1, 1)
        wait_gather(1)
        start_write(N - 1, 1)
        wait_write(N - 3, 2)
        wait_write(N - 2, 0)
        wait_write(N - 1, 1)

    return k(r_flat, pe)


def kernel(r, pe):
    out = _sc_encode(r.reshape(B_TOTAL), pe)
    return out.reshape(BATCH, SEQ, D)

# --- scband reference (transcript-rebuilt; emitter-appended) ---
"""Pipeline reference for scband-fractional-encoder-28278064677438 (READ-ONLY COPY).

The authoritative reference and input builder live on the scoring server;
editing this copy changes nothing except your own understanding.
"""

import jax, jax.numpy as jnp
import numpy as np

D_MODEL = 256
RES = 5000
D_HALF = D_MODEL // 2


def _build_pe():
    x = jnp.linspace(0.0, RES - 1, RES).reshape(RES, 1)
    f = jnp.tile(jnp.linspace(0.0, D_HALF - 1, D_HALF).reshape(1, D_HALF), (RES, 1))
    pe = jnp.zeros((RES, D_HALF), dtype=jnp.float32)
    pe = pe.at[:, 0::2].set(jnp.sin(x / jnp.power(50.0, 2.0 * f[:, 0::2] / D_HALF)))
    pe = pe.at[:, 1::2].set(jnp.cos(x / jnp.power(50.0, 2.0 * f[:, 1::2] / D_HALF)))
    return pe.astype(jnp.float32)


def setup_inputs(seed: int = 0) -> dict:
    key = jax.random.key(seed)
    r = jax.random.uniform(key, (4096, 200), dtype=jnp.float32)
    pe = _build_pe()
    return {"r": r, "pe": pe}


def reference(r, pe):
    # log10=False branch skipped
    r = jnp.clip(r, 1.0 / RES, None)
    idx = jnp.round(r * RES).astype(jnp.int32) - 1
    return jnp.take(pe, idx, axis=0)

if __name__ == "__main__":
    import jax
    _d = setup_inputs()
    print(jax.jit(kernel)(*tuple(_d.values())))

</pallas_src>

<mosaic_0001>
#map = affine_map<(d0, d1) -> (0)>
#map1 = affine_map<(d0, d1) -> (0, 0)>
module attributes {stable_mosaic.version = 14 : i64} {
  func.func @k(%arg0: i32, %arg1: i32, %arg2: memref<819200xf32, #tpu.memory_space<hbm>>, %arg3: memref<5000x128xf32, #tpu.memory_space<hbm>>, %arg4: memref<819200x128xf32, #tpu.memory_space<hbm>>, %arg5: memref<25600xf32, #tpu.memory_space<vmem>>, %arg6: memref<3x1x128xi32, #tpu.memory_space<vmem>>, %arg7: memref<3x128x128xf32, #tpu.memory_space<vmem>>, %arg8: memref<5000x128xf32, #tpu.memory_space<vmem_shared>>, %arg9: memref<!tpu.dma_semaphore, #tpu.memory_space<semaphore_mem>>, %arg10: memref<!tpu.dma_semaphore, #tpu.memory_space<semaphore_mem>>, %arg11: memref<!tpu.dma_semaphore, #tpu.memory_space<semaphore_mem>>, %arg12: memref<!tpu.dma_semaphore, #tpu.memory_space<semaphore_mem>>, %arg13: memref<!tpu.dma_semaphore, #tpu.memory_space<semaphore_mem>>, %arg14: memref<!tpu.dma_semaphore, #tpu.memory_space<semaphore_mem>>) attributes {dimension_semantics = [#tpu.dimension_semantics<core_parallel>, #tpu.dimension_semantics<subcore_parallel>], iteration_bounds = array<i64: 2, 16>, scalar_prefetch = 0 : i64, scratch_operands = 10 : i64, tpu.core_type = #tpu.core_type<sc_vector_subcore>, window_params = [{transform_indices = #map}, {transform_indices = #map1}, {transform_indices = #map1}]} {
    %mul3A = arith.constant 2 : i32
    %mul3A_0 = arith.muli %arg1, %mul3A : i32
    %add3A = arith.addi %mul3A_0, %arg0 : i32
    %mul3A_1 = arith.constant 25600 : i32
    %mul3A_2 = arith.muli %add3A, %mul3A_1 : i32
    %eq3A = arith.constant 0 : i32
    %eq3A_3 = arith.cmpi eq, %arg1, %eq3A : i32
    %convert_element_type3A = arith.extui %eq3A_3 : i1 to i32
    %cond3A = arith.constant 0 : i32
    %cond3A_4 = arith.cmpi ne, %convert_element_type3A, %cond3A : i32
    scf.if %cond3A_4 {
      "tpu.region"() ({
        %run_scoped3A = tpu.sem_alloc : memref<!tpu.dma_semaphore, #tpu.memory_space<semaphore_mem>>
        tpu.enqueue_dma source(%arg3 : memref<5000x128xf32, #tpu.memory_space<hbm>>) target(%arg8 : memref<5000x128xf32, #tpu.memory_space<vmem_shared>>) target_semaphore(%run_scoped3A : memref<!tpu.dma_semaphore, #tpu.memory_space<semaphore_mem>>)
        tpu.wait_dma2 semaphore(%run_scoped3A : memref<!tpu.dma_semaphore, #tpu.memory_space<semaphore_mem>>) src(%arg3 : memref<5000x128xf32, #tpu.memory_space<hbm>>) dst(%arg8 : memref<5000x128xf32, #tpu.memory_space<vmem_shared>>)
        tpu.yield
      }) : () -> ()
    } else {
    }
    %multiple_of3A = tpu.assume_multiple %mul3A_2, 25600 : i32
    "tpu.region"() ({
      %run_scoped3A = tpu.sem_alloc : memref<!tpu.dma_semaphore, #tpu.memory_space<semaphore_mem>>
      %dma_start3A_1364 = tpu.memref_slice %arg2[%multiple_of3A] : memref<819200xf32, #tpu.memory_space<hbm>> -> memref<25600xf32, #tpu.memory_space<hbm>>
      %dma_start3A_1365 = tpu.memref_slice %arg2[%multiple_of3A] : memref<819200xf32, #tpu.memory_space<hbm>> -> memref<25600xf32, #tpu.memory_space<hbm>>
      tpu.enqueue_dma source(%dma_start3A_1365 : memref<25600xf32, #tpu.memory_space<hbm>>) target(%arg5 : memref<25600xf32, #tpu.memory_space<vmem>>) target_semaphore(%run_scoped3A : memref<!tpu.dma_semaphore, #tpu.memory_space<semaphore_mem>>)
      %dma_wait3A_1366 = tpu.memref_slice %arg2[%multiple_of3A] : memref<819200xf32, #tpu.memory_space<hbm>> -> memref<25600xf32, #tpu.memory_space<hbm>>
      %dma_wait3A_1367 = tpu.memref_slice %arg2[%multiple_of3A] : memref<819200xf32, #tpu.memory_space<hbm>> -> memref<25600xf32, #tpu.memory_space<hbm>>
      tpu.wait_dma2 semaphore(%run_scoped3A : memref<!tpu.dma_semaphore, #tpu.memory_space<semaphore_mem>>) src(%dma_wait3A_1367 : memref<25600xf32, #tpu.memory_space<hbm>>) dst(%arg5 : memref<25600xf32, #tpu.memory_space<vmem>>)
      tpu.yield
    }) : () -> ()
    %barrier3A = arith.constant 0 : index
    tpu.barrier barrier_id(%barrier3A)
    %get3A = arith.constant 0 : index
    %get3A_5 = tpu.vector_load %arg5[%get3A] {strides = array<i32>} : memref<25600xf32, #tpu.memory_space<vmem>>, vector<16xf32>,
    %get3A_6 = vector.shape_cast %get3A_5 : vector<16xf32> to vector<16xf32>
    %max3A = arith.constant 2.000000e-04 : f32
    %max3A_7 = vector.broadcast %max3A : f32 to vector<16xf32>
    %max3A_8 = arith.maximumf %get3A_6, %max3A_7 : vector<16xf32>
    %mul3A_9 = arith.constant 5.000000e+03 : f32
    %mul3A_10 = vector.broadcast %mul3A_9 : f32 to vector<16xf32>
    %mul3A_11 = arith.mulf %max3A_8, %mul3A_10 : vector<16xf32>
    %add3A_12 = arith.constant 0x4B400000 : f32
    %add3A_13 = vector.broadcast %add3A_12 : f32 to vector<16xf32>
    %add3A_14 = arith.addf %mul3A_11, %add3A_13 : vector<16xf32>
    %sub3A = arith.constant 0x4B400000 : f32
    %sub3A_15 = vector.broadcast %sub3A : f32 to vector<16xf32>
    %sub3A_16 = arith.subf %add3A_14, %sub3A_15 : vector<16xf32>
    %convert_element_type3A_17 = arith.fptosi %sub3A_16 : vector<16xf32> to vector<16xi32>
    %sub3A_18 = arith.constant 1 : i32
    %sub3A_19 = vector.broadcast %sub3A_18 : i32 to vector<16xi32>
    %sub3A_20 = arith.subi %convert_element_type3A_17, %sub3A_19 : vector<16xi32>
    %swap3A = arith.constant 0 : i32
    %swap3A_21 = arith.constant 0 : i32
    %swap3A_22 = arith.index_cast %swap3A : i32 to index
    %swap3A_23 = arith.index_cast %swap3A_21 : i32 to index
    %swap3A_24 = arith.constant 0 : index
    %swap3A_25 = tpu.vector_load %arg6[%swap3A_22, %swap3A_23, %swap3A_24] {strides = array<i32>} : memref<3x1x128xi32, #tpu.memory_space<vmem>>, vector<1x1x16xi32>,
    %swap3A_26 = vector.shape_cast %swap3A_25 : vector<1x1x16xi32> to vector<16xi32>
    %swap3A_27 = vector.shape_cast %sub3A_20 : vector<16xi32> to vector<1x1x16xi32>
    tpu.vector_store %arg6[%swap3A_22, %swap3A_23, %swap3A_24], %swap3A_27 {strides = array<i32>} : memref<3x1x128xi32, #tpu.memory_space<vmem>>, vector<1x1x16xi32>,
    %get3A_28 = arith.constant 16 : index
    %get3A_29 = tpu.vector_load %arg5[%get3A_28] {strides = array<i32>} : memref<25600xf32, #tpu.memory_space<vmem>>, vector<16xf32>,
    %get3A_30 = vector.shape_cast %get3A_29 : vector<16xf32> to vector<16xf32>
    %max3A_31 = arith.constant 2.000000e-04 : f32
    %max3A_32 = vector.broadcast %max3A_31 : f32 to vector<16xf32>
    %max3A_33 = arith.maximumf %get3A_30, %max3A_32 : vector<16xf32>
    %mul3A_34 = arith.constant 5.000000e+03 : f32
    %mul3A_35 = vector.broadcast %mul3A_34 : f32 to vector<16xf32>
    %mul3A_36 = arith.mulf %max3A_33, %mul3A_35 : vector<16xf32>
    %add3A_37 = arith.constant 0x4B400000 : f32
    %add3A_38 = vector.broadcast %add3A_37 : f32 to vector<16xf32>
    %add3A_39 = arith.addf %mul3A_36, %add3A_38 : vector<16xf32>
    %sub3A_40 = arith.constant 0x4B400000 : f32
    %sub3A_41 = vector.broadcast %sub3A_40 : f32 to vector<16xf32>
    %sub3A_42 = arith.subf %add3A_39, %sub3A_41 : vector<16xf32>
    %convert_element_type3A_43 = arith.fptosi %sub3A_42 : vector<16xf32> to vector<16xi32>
    %sub3A_44 = arith.constant 1 : i32
    %sub3A_45 = vector.broadcast %sub3A_44 : i32 to vector<16xi32>
    %sub3A_46 = arith.subi %convert_element_type3A_43, %sub3A_45 : vector<16xi32>
    %swap3A_47 = arith.constant 0 : i32
    %swap3A_48 = arith.constant 0 : i32
    %swap3A_49 = arith.index_cast %swap3A_47 : i32 to index
    %swap3A_50 = arith.index_cast %swap3A_48 : i32 to index
    %swap3A_51 = arith.constant 16 : index
    %swap3A_52 = tpu.vector_load %arg6[%swap3A_49, %swap3A_50, %swap3A_51] {strides = array<i32>} : memref<3x1x128xi32, #tpu.memory_space<vmem>>, vector<1x1x16xi32>,
    %swap3A_53 = vector.shape_cast %swap3A_52 : vector<1x1x16xi32> to vector<16xi32>
    %swap3A_54 = vector.shape_cast %sub3A_46 : vector<16xi32> to vector<1x1x16xi32>
    tpu.vector_store %arg6[%swap3A_49, %swap3A_50, %swap3A_51], %swap3A_54 {strides = array<i32>} : memref<3x1x128xi32, #tpu.memory_space<vmem>>, vector<1x1x16xi32>,
    %get3A_55 = arith.constant 32 : index
    %get3A_56 = tpu.vector_load %arg5[%get3A_55] {strides = array<i32>} : memref<25600xf32, #tpu.memory_space<vmem>>, vector<16xf32>,
    %get3A_57 = vector.shape_cast %get3A_56 : vector<16xf32> to vector<16xf32>
    %max3A_58 = arith.constant 2.000000e-04 : f32
    %max3A_59 = vector.broadcast %max3A_58 : f32 to vector<16xf32>
    %max3A_60 = arith.maximumf %get3A_57, %max3A_59 : vector<16xf32>
    %mul3A_61 = arith.constant 5.000000e+03 : f32
    %mul3A_62 = vector.broadcast %mul3A_61 : f32 to vector<16xf32>
    %mul3A_63 = arith.mulf %max3A_60, %mul3A_62 : vector<16xf32>
    %add3A_64 = arith.constant 0x4B400000 : f32
    %add3A_65 = vector.broadcast %add3A_64 : f32 to vector<16xf32>
    %add3A_66 = arith.addf %mul3A_63, %add3A_65 : vector<16xf32>
    %sub3A_67 = arith.constant 0x4B400000 : f32
    %sub3A_68 = vector.broadcast %sub3A_67 : f32 to vector<16xf32>
    %sub3A_69 = arith.subf %add3A_66, %sub3A_68 : vector<16xf32>
    %convert_element_type3A_70 = arith.fptosi %sub3A_69 : vector<16xf32> to vector<16xi32>
    %sub3A_71 = arith.constant 1 : i32
    %sub3A_72 = vector.broadcast %sub3A_71 : i32 to vector<16xi32>
    %sub3A_73 = arith.subi %convert_element_type3A_70, %sub3A_72 : vector<16xi32>
    %swap3A_74 = arith.constant 0 : i32
    %swap3A_75 = arith.constant 0 : i32
    %swap3A_76 = arith.index_cast %swap3A_74 : i32 to index
    %swap3A_77 = arith.index_cast %swap3A_75 : i32 to index
    %swap3A_78 = arith.constant 32 : index
    %swap3A_79 = tpu.vector_load %arg6[%swap3A_76, %swap3A_77, %swap3A_78] {strides = array<i32>} : memref<3x1x128xi32, #tpu.memory_space<vmem>>, vector<1x1x16xi32>,
    %swap3A_80 = vector.shape_cast %swap3A_79 : vector<1x1x16xi32> to vector<16xi32>
    %swap3A_81 = vector.shape_cast %sub3A_73 : vector<16xi32> to vector<1x1x16xi32>
    tpu.vector_store %arg6[%swap3A_76, %swap3A_77, %swap3A_78], %swap3A_81 {strides = array<i32>} : memref<3x1x128xi32, #tpu.memory_space<vmem>>, vector<1x1x16xi32>,
    %get3A_82 = arith.constant 48 : index
    %get3A_83 = tpu.vector_load %arg5[%get3A_82] {strides = array<i32>} : memref<25600xf32, #tpu.memory_space<vmem>>, vector<16xf32>,
    %get3A_84 = vector.shape_cast %get3A_83 : vector<16xf32> to vector<16xf32>
    %max3A_85 = arith.constant 2.000000e-04 : f32
    %max3A_86 = vector.broadcast %max3A_85 : f32 to vector<16xf32>
    %max3A_87 = arith.maximumf %get3A_84, %max3A_86 : vector<16xf32>
    %mul3A_88 = arith.constant 5.000000e+03 : f32
    %mul3A_89 = vector.broadcast %mul3A_88 : f32 to vector<16xf32>
    %mul3A_90 = arith.mulf %max3A_87, %mul3A_89 : vector<16xf32>
    %add3A_91 = arith.constant 0x4B400000 : f32
    %add3A_92 = vector.broadcast %add3A_91 : f32 to vector<16xf32>
    %add3A_93 = arith.addf %mul3A_90, %add3A_92 : vector<16xf32>
    %sub3A_94 = arith.constant 0x4B400000 : f32
    %sub3A_95 = vector.broadcast %sub3A_94 : f32 to vector<16xf32>
    %sub3A_96 = arith.subf %add3A_93, %sub3A_95 : vector<16xf32>
    %convert_element_type3A_97 = arith.fptosi %sub3A_96 : vector<16xf32> to vector<16xi32>
    %sub3A_98 = arith.constant 1 : i32
    %sub3A_99 = vector.broadcast %sub3A_98 : i32 to vector<16xi32>
    %sub3A_100 = arith.subi %convert_element_type3A_97, %sub3A_99 : vector<16xi32>
    %swap3A_101 = arith.constant 0 : i32
    %swap3A_102 = arith.constant 0 : i32
    %swap3A_103 = arith.index_cast %swap3A_101 : i32 to index
    %swap3A_104 = arith.index_cast %swap3A_102 : i32 to index
    %swap3A_105 = arith.constant 48 : index
    %swap3A_106 = tpu.vector_load %arg6[%swap3A_103, %swap3A_104, %swap3A_105] {strides = array<i32>} : memref<3x1x128xi32, #tpu.memory_space<vmem>>, vector<1x1x16xi32>,
    %swap3A_107 = vector.shape_cast %swap3A_106 : vector<1x1x16xi32> to vector<16xi32>
    %swap3A_108 = vector.shape_cast %sub3A_100 : vector<16xi32> to vector<1x1x16xi32>
    tpu.vector_store %arg6[%swap3A_103, %swap3A_104, %swap3A_105], %swap3A_108 {strides = array<i32>} : memref<3x1x128xi32, #tpu.memory_space<vmem>>, vector<1x1x16xi32>,
    %get3A_109 = arith.constant 64 : index
    %get3A_110 = tpu.vector_load %arg5[%get3A_109] {strides = array<i32>} : memref<25600xf32, #tpu.memory_space<vmem>>, vector<16xf32>,
    %get3A_111 = vector.shape_cast %get3A_110 : vector<16xf32> to vector<16xf32>
    %max3A_112 = arith.constant 2.000000e-04 : f32
    %max3A_113 = vector.broadcast %max3A_112 : f32 to vector<16xf32>
    %max3A_114 = arith.maximumf %get3A_111, %max3A_113 : vector<16xf32>
    %mul3A_115 = arith.constant 5.000000e+03 : f32
    %mul3A_116 = vector.broadcast %mul3A_115 : f32 to vector<16xf32>
    %mul3A_117 = arith.mulf %max3A_114, %mul3A_116 : vector<16xf32>
    %add3A_118 = arith.constant 0x4B400000 : f32
    %add3A_119 = vector.broadcast %add3A_118 : f32 to vector<16xf32>
    %add3A_120 = arith.addf %mul3A_117, %add3A_119 : vector<16xf32>
    %sub3A_121 = arith.constant 0x4B400000 : f32
    %sub3A_122 = vector.broadcast %sub3A_121 : f32 to vector<16xf32>
    %sub3A_123 = arith.subf %add3A_120, %sub3A_122 : vector<16xf32>
    %convert_element_type3A_124 = arith.fptosi %sub3A_123 : vector<16xf32> to vector<16xi32>
    %sub3A_125 = arith.constant 1 : i32
    %sub3A_126 = vector.broadcast %sub3A_125 : i32 to vector<16xi32>
    %sub3A_127 = arith.subi %convert_element_type3A_124, %sub3A_126 : vector<16xi32>
    %swap3A_128 = arith.constant 0 : i32
    %swap3A_129 = arith.constant 0 : i32
    %swap3A_130 = arith.index_cast %swap3A_128 : i32 to index
    %swap3A_131 = arith.index_cast %swap3A_129 : i32 to index
    %swap3A_132 = arith.constant 64 : index
    %swap3A_133 = tpu.vector_load %arg6[%swap3A_130, %swap3A_131, %swap3A_132] {strides = array<i32>} : memref<3x1x128xi32, #tpu.memory_space<vmem>>, vector<1x1x16xi32>,
    %swap3A_134 = vector.shape_cast %swap3A_133 : vector<1x1x16xi32> to vector<16xi32>
    %swap3A_135 = vector.shape_cast %sub3A_127 : vector<16xi32> to vector<1x1x16xi32>
    tpu.vector_store %arg6[%swap3A_130, %swap3A_131, %swap3A_132], %swap3A_135 {strides = array<i32>} : memref<3x1x128xi32, #tpu.memory_space<vmem>>, vector<1x1x16xi32>,
    %get3A_136 = arith.constant 80 : index
    %get3A_137 = tpu.vector_load %arg5[%get3A_136] {strides = array<i32>} : memref<25600xf32, #tpu.memory_space<vmem>>, vector<16xf32>,
    %get3A_138 = vector.shape_cast %get3A_137 : vector<16xf32> to vector<16xf32>
    %max3A_139 = arith.constant 2.000000e-04 : f32
    %max3A_140 = vector.broadcast %max3A_139 : f32 to vector<16xf32>
    %max3A_141 = arith.maximumf %get3A_138, %max3A_140 : vector<16xf32>
    %mul3A_142 = arith.constant 5.000000e+03 : f32
    %mul3A_143 = vector.broadcast %mul3A_142 : f32 to vector<16xf32>
    %mul3A_144 = arith.mulf %max3A_141, %mul3A_143 : vector<16xf32>
    %add3A_145 = arith.constant 0x4B400000 : f32
    %add3A_146 = vector.broadcast %add3A_145 : f32 to vector<16xf32>
    %add3A_147 = arith.addf %mul3A_144, %add3A_146 : vector<16xf32>
    %sub3A_148 = arith.constant 0x4B400000 : f32
    %sub3A_149 = vector.broadcast %sub3A_148 : f32 to vector<16xf32>
    %sub3A_150 = arith.subf %add3A_147, %sub3A_149 : vector<16xf32>
    %convert_element_type3A_151 = arith.fptosi %sub3A_150 : vector<16xf32> to vector<16xi32>
    %sub3A_152 = arith.constant 1 : i32
    %sub3A_153 = vector.broadcast %sub3A_152 : i32 to vector<16xi32>
    %sub3A_154 = arith.subi %convert_element_type3A_151, %sub3A_153 : vector<16xi32>
    %swap3A_155 = arith.constant 0 : i32
    %swap3A_156 = arith.constant 0 : i32
    %swap3A_157 = arith.index_cast %swap3A_155 : i32 to index
    %swap3A_158 = arith.index_cast %swap3A_156 : i32 to index
    %swap3A_159 = arith.constant 80 : index
    %swap3A_160 = tpu.vector_load %arg6[%swap3A_157, %swap3A_158, %swap3A_159] {strides = array<i32>} : memref<3x1x128xi32, #tpu.memory_space<vmem>>, vector<1x1x16xi32>,
    %swap3A_161 = vector.shape_cast %swap3A_160 : vector<1x1x16xi32> to vector<16xi32>
    %swap3A_162 = vector.shape_cast %sub3A_154 : vector<16xi32> to vector<1x1x16xi32>
    tpu.vector_store %arg6[%swap3A_157, %swap3A_158, %swap3A_159], %swap3A_162 {strides = array<i32>} : memref<3x1x128xi32, #tpu.memory_space<vmem>>, vector<1x1x16xi32>,
    %get3A_163 = arith.constant 96 : index
    %get3A_164 = tpu.vector_load %arg5[%get3A_163] {strides = array<i32>} : memref<25600xf32, #tpu.memory_space<vmem>>, vector<16xf32>,
    %get3A_165 = vector.shape_cast %get3A_164 : vector<16xf32> to vector<16xf32>
    %max3A_166 = arith.constant 2.000000e-04 : f32
    %max3A_167 = vector.broadcast %max3A_166 : f32 to vector<16xf32>
    %max3A_168 = arith.maximumf %get3A_165, %max3A_167 : vector<16xf32>
    %mul3A_169 = arith.constant 5.000000e+03 : f32
    %mul3A_170 = vector.broadcast %mul3A_169 : f32 to vector<16xf32>
    %mul3A_171 = arith.mulf %max3A_168, %mul3A_170 : vector<16xf32>
    %add3A_172 = arith.constant 0x4B400000 : f32
    %add3A_173 = vector.broadcast %add3A_172 : f32 to vector<16xf32>
    %add3A_174 = arith.addf %mul3A_171, %add3A_173 : vector<16xf32>
    %sub3A_175 = arith.constant 0x4B400000 : f32
    %sub3A_176 = vector.broadcast %sub3A_175 : f32 to vector<16xf32>
    %sub3A_177 = arith.subf %add3A_174, %sub3A_176 : vector<16xf32>
    %convert_element_type3A_178 = arith.fptosi %sub3A_177 : vector<16xf32> to vector<16xi32>
    %sub3A_179 = arith.constant 1 : i32
    %sub3A_180 = vector.broadcast %sub3A_179 : i32 to vector<16xi32>
    %sub3A_181 = arith.subi %convert_element_type3A_178, %sub3A_180 : vector<16xi32>
    %swap3A_182 = arith.constant 0 : i32
    %swap3A_183 = arith.constant 0 : i32
    %swap3A_184 = arith.index_cast %swap3A_182 : i32 to index
    %swap3A_185 = arith.index_cast %swap3A_183 : i32 to index
    %swap3A_186 = arith.constant 96 : index
    %swap3A_187 = tpu.vector_load %arg6[%swap3A_184, %swap3A_185, %swap3A_186] {strides = array<i32>} : memref<3x1x128xi32, #tpu.memory_space<vmem>>, vector<1x1x16xi32>,
    %swap3A_188 = vector.shape_cast %swap3A_187 : vector<1x1x16xi32> to vector<16xi32>
    %swap3A_189 = vector.shape_cast %sub3A_181 : vector<16xi32> to vector<1x1x16xi32>
    tpu.vector_store %arg6[%swap3A_184, %swap3A_185, %swap3A_186], %swap3A_189 {strides = array<i32>} : memref<3x1x128xi32, #tpu.memory_space<vmem>>, vector<1x1x16xi32>,
    %get3A_190 = arith.constant 112 : index
    %get3A_191 = tpu.vector_load %arg5[%get3A_190] {strides = array<i32>} : memref<25600xf32, #tpu.memory_space<vmem>>, vector<16xf32>,
    %get3A_192 = vector.shape_cast %get3A_191 : vector<16xf32> to vector<16xf32>
    %max3A_193 = arith.constant 2.000000e-04 : f32
    %max3A_194 = vector.broadcast %max3A_193 : f32 to vector<16xf32>
    %max3A_195 = arith.maximumf %get3A_192, %max3A_194 : vector<16xf32>
    %mul3A_196 = arith.constant 5.000000e+03 : f32
    %mul3A_197 = vector.broadcast %mul3A_196 : f32 to vector<16xf32>
    %mul3A_198 = arith.mulf %max3A_195, %mul3A_197 : vector<16xf32>
    %add3A_199 = arith.constant 0x4B400000 : f32
    %add3A_200 = vector.broadcast %add3A_199 : f32 to vector<16xf32>
    %add3A_201 = arith.addf %mul3A_198, %add3A_200 : vector<16xf32>
    %sub3A_202 = arith.constant 0x4B400000 : f32
    %sub3A_203 = vector.broadcast %sub3A_202 : f32 to vector<16xf32>
    %sub3A_204 = arith.subf %add3A_201, %sub3A_203 : vector<16xf32>
    %convert_element_type3A_205 = arith.fptosi %sub3A_204 : vector<16xf32> to vector<16xi32>
    %sub3A_206 = arith.constant 1 : i32
    %sub3A_207 = vector.broadcast %sub3A_206 : i32 to vector<16xi32>
    %sub3A_208 = arith.subi %convert_element_type3A_205, %sub3A_207 : vector<16xi32>
    %swap3A_209 = arith.constant 0 : i32
    %swap3A_210 = arith.constant 0 : i32
    %swap3A_211 = arith.index_cast %swap3A_209 : i32 to index
    %swap3A_212 = arith.index_cast %swap3A_210 : i32 to index
    %swap3A_213 = arith.constant 112 : index
    %swap3A_214 = tpu.vector_load %arg6[%swap3A_211, %swap3A_212, %swap3A_213] {strides = array<i32>} : memref<3x1x128xi32, #tpu.memory_space<vmem>>, vector<1x1x16xi32>,
    %swap3A_215 = vector.shape_cast %swap3A_214 : vector<1x1x16xi32> to vector<16xi32>
    %swap3A_216 = vector.shape_cast %sub3A_208 : vector<16xi32> to vector<1x1x16xi32>
    tpu.vector_store %arg6[%swap3A_211, %swap3A_212, %swap3A_213], %swap3A_216 {strides = array<i32>} : memref<3x1x128xi32, #tpu.memory_space<vmem>>, vector<1x1x16xi32>,
    %dma_start3A = arith.constant 0 : i32
    %dma_start3A_217 = arith.constant 0 : i32
    %dma_start3A_218 = arith.constant 0 : i32
    %dma_start3A_219 = arith.constant 0 : i32
    %dma_start3A_220 = arith.constant 0 : i32
    %dma_start3A_221 = tpu.memref_slice %arg7[%dma_start3A_218, %dma_start3A_219, %dma_start3A_220] : memref<3x128x128xf32, #tpu.memory_space<vmem>> -> memref<1x128x128xf32, #tpu.memory_space<vmem>>
    %dma_start3A_222 = tpu.memref_squeeze %dma_start3A_221 : memref<1x128x128xf32, #tpu.memory_space<vmem>> -> memref<128x128xf32, #tpu.memory_space<vmem>>
    %dma_start3A_223 = arith.constant 0 : i32
    %dma_start3A_224 = tpu.memref_slice %arg6[%dma_start3A, %dma_start3A_217, %dma_start3A_223] : memref<3x1x128xi32, #tpu.memory_space<vmem>> -> memref<1x1x128xi32, #tpu.memory_space<vmem>>
    %dma_start3A_225 = tpu.memref_squeeze %dma_start3A_224 : memref<1x1x128xi32, #tpu.memory_space<vmem>> -> memref<128xi32, #tpu.memory_space<vmem>>
    %dma_start3A_226 = arith.constant 0 : i32
    %dma_start3A_227 = arith.constant 0 : i32
    %dma_start3A_228 = tpu.memref_slice %arg3[%dma_start3A_226, %dma_start3A_227] : memref<5000x128xf32, #tpu.memory_space<hbm>> -> memref<5000x128xf32, #tpu.memory_space<hbm>>
    tpu.enqueue_indirect_dma source(%dma_start3A_228 : memref<5000x128xf32, #tpu.memory_space<hbm>>) target(%dma_start3A_222 : memref<128x128xf32, #tpu.memory_space<vmem>>) offsets(%dma_start3A_225 : memref<128xi32, #tpu.memory_space<vmem>>) semaphore(%arg9 : memref<!tpu.dma_semaphore, #tpu.memory_space<semaphore_mem>>)
    %dma_wait3A = arith.constant 0 : i32
    %dma_wait3A_229 = arith.constant 0 : i32
    %dma_wait3A_230 = arith.constant 0 : i32
    %dma_wait3A_231 = arith.constant 0 : i32
    %dma_wait3A_232 = arith.constant 0 : i32
    %dma_wait3A_233 = tpu.memref_slice %arg7[%dma_wait3A_230, %dma_wait3A_231, %dma_wait3A_232] : memref<3x128x128xf32, #tpu.memory_space<vmem>> -> memref<1x128x128xf32, #tpu.memory_space<vmem>>
    %dma_wait3A_234 = tpu.memref_squeeze %dma_wait3A_233 : memref<1x128x128xf32, #tpu.memory_space<vmem>> -> memref<128x128xf32, #tpu.memory_space<vmem>>
    %dma_wait3A_235 = arith.constant 0 : i32
    %dma_wait3A_236 = tpu.memref_slice %arg6[%dma_wait3A, %dma_wait3A_229, %dma_wait3A_235] : memref<3x1x128xi32, #tpu.memory_space<vmem>> -> memref<1x1x128xi32, #tpu.memory_space<vmem>>
    %dma_wait3A_237 = tpu.memref_squeeze %dma_wait3A_236 : memref<1x1x128xi32, #tpu.memory_space<vmem>> -> memref<128xi32, #tpu.memory_space<vmem>>
    %dma_wait3A_238 = arith.constant 0 : i32
    %dma_wait3A_239 = arith.constant 0 : i32
    %dma_wait3A_240 = tpu.memref_slice %arg3[%dma_wait3A_238, %dma_wait3A_239] : memref<5000x128xf32, #tpu.memory_space<hbm>> -> memref<5000x128xf32, #tpu.memory_space<hbm>>
    tpu.wait_indirect_dma semaphore(%arg9 : memref<!tpu.dma_semaphore, #tpu.memory_space<semaphore_mem>>) src(%dma_wait3A_240 : memref<5000x128xf32, #tpu.memory_space<hbm>>) dst(%dma_wait3A_234 : memref<128x128xf32, #tpu.memory_space<vmem>>)
    %add3A_241 = arith.constant 0 : i32
    %add3A_242 = arith.addi %mul3A_2, %add3A_241 : i32
    %dma_start3A_243 = arith.constant 0 : i32
    %dma_start3A_244 = arith.constant 0 : i32
    %dma_start3A_245 = arith.constant 0 : i32
    %dma_start3A_246 = tpu.memref_slice %arg7[%dma_start3A_243, %dma_start3A_244, %dma_start3A_245] : memref<3x128x128xf32, #tpu.memory_space<vmem>> -> memref<1x128x128xf32, #tpu.memory_space<vmem>>
    %dma_start3A_247 = tpu.memref_squeeze %dma_start3A_246 : memref<1x128x128xf32, #tpu.memory_space<vmem>> -> memref<128x128xf32, #tpu.memory_space<vmem>>
    %dma_start3A_248 = arith.constant 0 : i32
    %dma_start3A_249 = tpu.memref_slice %arg4[%add3A_242, %dma_start3A_248] : memref<819200x128xf32, #tpu.memory_space<hbm>> -> memref<128x128xf32, #tpu.memory_space<hbm>>
    %dma_start3A_250 = arith.constant 0 : i32
    %dma_start3A_251 = tpu.memref_slice %arg4[%add3A_242, %dma_start3A_250] : memref<819200x128xf32, #tpu.memory_space<hbm>> -> memref<128x128xf32, #tpu.memory_space<hbm>>
    %dma_start3A_252 = arith.constant 0 : i32
    %dma_start3A_253 = arith.constant 0 : i32
    %dma_start3A_254 = tpu.memref_slice %arg7[%dma_start3A_243, %dma_start3A_252, %dma_start3A_253] : memref<3x128x128xf32, #tpu.memory_space<vmem>> -> memref<1x128x128xf32, #tpu.memory_space<vmem>>
    %dma_start3A_255 = tpu.memref_squeeze %dma_start3A_254 : memref<1x128x128xf32, #tpu.memory_space<vmem>> -> memref<128x128xf32, #tpu.memory_space<vmem>>
    tpu.enqueue_dma source(%dma_start3A_255 : memref<128x128xf32, #tpu.memory_space<vmem>>) target(%dma_start3A_251 : memref<128x128xf32, #tpu.memory_space<hbm>>) target_semaphore(%arg12 : memref<!tpu.dma_semaphore, #tpu.memory_space<semaphore_mem>>)
    %get3A_256 = arith.constant 128 : index
    %get3A_257 = tpu.vector_load %arg5[%get3A_256] {strides = array<i32>} : memref<25600xf32, #tpu.memory_space<vmem>>, vector<16xf32>,
    %get3A_258 = vector.shape_cast %get3A_257 : vector<16xf32> to vector<16xf32>
    %max3A_259 = arith.constant 2.000000e-04 : f32
    %max3A_260 = vector.broadcast %max3A_259 : f32 to vector<16xf32>
    %max3A_261 = arith.maximumf %get3A_258, %max3A_260 : vector<16xf32>
    %mul3A_262 = arith.constant 5.000000e+03 : f32
    %mul3A_263 = vector.broadcast %mul3A_262 : f32 to vector<16xf32>
    %mul3A_264 = arith.mulf %max3A_261, %mul3A_263 : vector<16xf32>
    %add3A_265 = arith.constant 0x4B400000 : f32
    %add3A_266 = vector.broadcast %add3A_265 : f32 to vector<16xf32>
    %add3A_267 = arith.addf %mul3A_264, %add3A_266 : vector<16xf32>
    %sub3A_268 = arith.constant 0x4B400000 : f32
    %sub3A_269 = vector.broadcast %sub3A_268 : f32 to vector<16xf32>
    %sub3A_270 = arith.subf %add3A_267, %sub3A_269 : vector<16xf32>
    %convert_element_type3A_271 = arith.fptosi %sub3A_270 : vector<16xf32> to vector<16xi32>
    %sub3A_272 = arith.constant 1 : i32
    %sub3A_273 = vector.broadcast %sub3A_272 : i32 to vector<16xi32>
    %sub3A_274 = arith.subi %convert_element_type3A_271, %sub3A_273 : vector<16xi32>
    %swap3A_275 = arith.constant 1 : i32
    %swap3A_276 = arith.constant 0 : i32
    %swap3A_277 = arith.index_cast %swap3A_275 : i32 to index
    %swap3A_278 = arith.index_cast %swap3A_276 : i32 to index
    %swap3A_279 = arith.constant 0 : index
    %swap3A_280 = tpu.vector_load %arg6[%swap3A_277, %swap3A_278, %swap3A_279] {strides = array<i32>} : memref<3x1x128xi32, #tpu.memory_space<vmem>>, vector<1x1x16xi32>,
    %swap3A_281 = vector.shape_cast %swap3A_280 : vector<1x1x16xi32> to vector<16xi32>
    %swap3A_282 = vector.shape_cast %sub3A_274 : vector<16xi32> to vector<1x1x16xi32>
    tpu.vector_store %arg6[%swap3A_277, %swap3A_278, %swap3A_279], %swap3A_282 {strides = array<i32>} : memref<3x1x128xi32, #tpu.memory_space<vmem>>, vector<1x1x16xi32>,
    %get3A_283 = arith.constant 144 : index
    %get3A_284 = tpu.vector_load %arg5[%get3A_283] {strides = array<i32>} : memref<25600xf32, #tpu.memory_space<vmem>>, vector<16xf32>,
    %get3A_285 = vector.shape_cast %get3A_284 : vector<16xf32> to vector<16xf32>
    %max3A_286 = arith.constant 2.000000e-04 : f32
    %max3A_287 = vector.broadcast %max3A_286 : f32 to vector<16xf32>
    %max3A_288 = arith.maximumf %get3A_285, %max3A_287 : vector<16xf32>
    %mul3A_289 = arith.constant 5.000000e+03 : f32
    %mul3A_290 = vector.broadcast %mul3A_289 : f32 to vector<16xf32>
    %mul3A_291 = arith.mulf %max3A_288, %mul3A_290 : vector<16xf32>
    %add3A_292 = arith.constant 0x4B400000 : f32
    %add3A_293 = vector.broadcast %add3A_292 : f32 to vector<16xf32>
    %add3A_294 = arith.addf %mul3A_291, %add3A_293 : vector<16xf32>
    %sub3A_295 = arith.constant 0x4B400000 : f32
    %sub3A_296 = vector.broadcast %sub3A_295 : f32 to vector<16xf32>
    %sub3A_297 = arith.subf %add3A_294, %sub3A_296 : vector<16xf32>
    %convert_element_type3A_298 = arith.fptosi %sub3A_297 : vector<16xf32> to vector<16xi32>
    %sub3A_299 = arith.constant 1 : i32
    %sub3A_300 = vector.broadcast %sub3A_299 : i32 to vector<16xi32>
    %sub3A_301 = arith.subi %convert_element_type3A_298, %sub3A_300 : vector<16xi32>
    %swap3A_302 = arith.constant 1 : i32
    %swap3A_303 = arith.constant 0 : i32
    %swap3A_304 = arith.index_cast %swap3A_302 : i32 to index
    %swap3A_305 = arith.index_cast %swap3A_303 : i32 to index
    %swap3A_306 = arith.constant 16 : index
    %swap3A_307 = tpu.vector_load %arg6[%swap3A_304, %swap3A_305, %swap3A_306] {strides = array<i32>} : memref<3x1x128xi32, #tpu.memory_space<vmem>>, vector<1x1x16xi32>,
    %swap3A_308 = vector.shape_cast %swap3A_307 : vector<1x1x16xi32> to vector<16xi32>
    %swap3A_309 = vector.shape_cast %sub3A_301 : vector<16xi32> to vector<1x1x16xi32>
    tpu.vector_store %arg6[%swap3A_304, %swap3A_305, %swap3A_306], %swap3A_309 {strides = array<i32>} : memref<3x1x128xi32, #tpu.memory_space<vmem>>, vector<1x1x16xi32>,
    %get3A_310 = arith.constant 160 : index
    %get3A_311 = tpu.vector_load %arg5[%get3A_310] {strides = array<i32>} : memref<25600xf32, #tpu.memory_space<vmem>>, vector<16xf32>,
    %get3A_312 = vector.shape_cast %get3A_311 : vector<16xf32> to vector<16xf32>
    %max3A_313 = arith.constant 2.000000e-04 : f32
    %max3A_314 = vector.broadcast %max3A_313 : f32 to vector<16xf32>
    %max3A_315 = arith.maximumf %get3A_312, %max3A_314 : vector<16xf32>
    %mul3A_316 = arith.constant 5.000000e+03 : f32
    %mul3A_317 = vector.broadcast %mul3A_316 : f32 to vector<16xf32>
    %mul3A_318 = arith.mulf %max3A_315, %mul3A_317 : vector<16xf32>
    %add3A_319 = arith.constant 0x4B400000 : f32
    %add3A_320 = vector.broadcast %add3A_319 : f32 to vector<16xf32>
    %add3A_321 = arith.addf %mul3A_318, %add3A_320 : vector<16xf32>
    %sub3A_322 = arith.constant 0x4B400000 : f32
    %sub3A_323 = vector.broadcast %sub3A_322 : f32 to vector<16xf32>
    %sub3A_324 = arith.subf %add3A_321, %sub3A_323 : vector<16xf32>
    %convert_element_type3A_325 = arith.fptosi %sub3A_324 : vector<16xf32> to vector<16xi32>
    %sub3A_326 = arith.constant 1 : i32
    %sub3A_327 = vector.broadcast %sub3A_326 : i32 to vector<16xi32>
    %sub3A_328 = arith.subi %convert_element_type3A_325, %sub3A_327 : vector<16xi32>
    %swap3A_329 = arith.constant 1 : i32
    %swap3A_330 = arith.constant 0 : i32
    %swap3A_331 = arith.index_cast %swap3A_329 : i32 to index
    %swap3A_332 = arith.index_cast %swap3A_330 : i32 to index
    %swap3A_333 = arith.constant 32 : index
    %swap3A_334 = tpu.vector_load %arg6[%swap3A_331, %swap3A_332, %swap3A_333] {strides = array<i32>} : memref<3x1x128xi32, #tpu.memory_space<vmem>>, vector<1x1x16xi32>,
    %swap3A_335 = vector.shape_cast %swap3A_334 : vector<1x1x16xi32> to vector<16xi32>
    %swap3A_336 = vector.shape_cast %sub3A_328 : vector<16xi32> to vector<1x1x16xi32>
    tpu.vector_store %arg6[%swap3A_331, %swap3A_332, %swap3A_333], %swap3A_336 {strides = array<i32>} : memref<3x1x128xi32, #tpu.memory_space<vmem>>, vector<1x1x16xi32>,
    %get3A_337 = arith.constant 176 : index
    %get3A_338 = tpu.vector_load %arg5[%get3A_337] {strides = array<i32>} : memref<25600xf32, #tpu.memory_space<vmem>>, vector<16xf32>,
    %get3A_339 = vector.shape_cast %get3A_338 : vector<16xf32> to vector<16xf32>
    %max3A_340 = arith.constant 2.000000e-04 : f32
    %max3A_341 = vector.broadcast %max3A_340 : f32 to vector<16xf32>
    %max3A_342 = arith.maximumf %get3A_339, %max3A_341 : vector<16xf32>
    %mul3A_343 = arith.constant 5.000000e+03 : f32
    %mul3A_344 = vector.broadcast %mul3A_343 : f32 to vector<16xf32>
    %mul3A_345 = arith.mulf %max3A_342, %mul3A_344 : vector<16xf32>
    %add3A_346 = arith.constant 0x4B400000 : f32
    %add3A_347 = vector.broadcast %add3A_346 : f32 to vector<16xf32>
    %add3A_348 = arith.addf %mul3A_345, %add3A_347 : vector<16xf32>
    %sub3A_349 = arith.constant 0x4B400000 : f32
    %sub3A_350 = vector.broadcast %sub3A_349 : f32 to vector<16xf32>
    %sub3A_351 = arith.subf %add3A_348, %sub3A_350 : vector<16xf32>
    %convert_element_type3A_352 = arith.fptosi %sub3A_351 : vector<16xf32> to vector<16xi32>
    %sub3A_353 = arith.constant 1 : i32
    %sub3A_354 = vector.broadcast %sub3A_353 : i32 to vector<16xi32>
    %sub3A_355 = arith.subi %convert_element_type3A_352, %sub3A_354 : vector<16xi32>
    %swap3A_356 = arith.constant 1 : i32
    %swap3A_357 = arith.constant 0 : i32
    %swap3A_358 = arith.index_cast %swap3A_356 : i32 to index
    %swap3A_359 = arith.index_cast %swap3A_357 : i32 to index
    %swap3A_360 = arith.constant 48 : index
    %swap3A_361 = tpu.vector_load %arg6[%swap3A_358, %swap3A_359, %swap3A_360] {strides = array<i32>} : memref<3x1x128xi32, #tpu.memory_space<vmem>>, vector<1x1x16xi32>,
    %swap3A_362 = vector.shape_cast %swap3A_361 : vector<1x1x16xi32> to vector<16xi32>
    %swap3A_363 = vector.shape_cast %sub3A_355 : vector<16xi32> to vector<1x1x16xi32>
    tpu.vector_store %arg6[%swap3A_358, %swap3A_359, %swap3A_360], %swap3A_363 {strides = array<i32>} : memref<3x1x128xi32, #tpu.memory_space<vmem>>, vector<1x1x16xi32>,
    %get3A_364 = arith.constant 192 : index
    %get3A_365 = tpu.vector_load %arg5[%get3A_364] {strides = array<i32>} : memref<25600xf32, #tpu.memory_space<vmem>>, vector<16xf32>,
    %get3A_366 = vector.shape_cast %get3A_365 : vector<16xf32> to vector<16xf32>
    %max3A_367 = arith.constant 2.000000e-04 : f32
    %max3A_368 = vector.broadcast %max3A_367 : f32 to vector<16xf32>
    %max3A_369 = arith.maximumf %get3A_366, %max3A_368 : vector<16xf32>
    %mul3A_370 = arith.constant 5.000000e+03 : f32
    %mul3A_371 = vector.broadcast %mul3A_370 : f32 to vector<16xf32>
    %mul3A_372 = arith.mulf %max3A_369, %mul3A_371 : vector<16xf32>
    %add3A_373 = arith.constant 0x4B400000 : f32
    %add3A_374 = vector.broadcast %add3A_373 : f32 to vector<16xf32>
    %add3A_375 = arith.addf %mul3A_372, %add3A_374 : vector<16xf32>
    %sub3A_376 = arith.constant 0x4B400000 : f32
    %sub3A_377 = vector.broadcast %sub3A_376 : f32 to vector<16xf32>
    %sub3A_378 = arith.subf %add3A_375, %sub3A_377 : vector<16xf32>
    %convert_element_type3A_379 = arith.fptosi %sub3A_378 : vector<16xf32> to vector<16xi32>
    %sub3A_380 = arith.constant 1 : i32
    %sub3A_381 = vector.broadcast %sub3A_380 : i32 to vector<16xi32>
    %sub3A_382 = arith.subi %convert_element_type3A_379, %sub3A_381 : vector<16xi32>
    %swap3A_383 = arith.constant 1 : i32
    %swap3A_384 = arith.constant 0 : i32
    %swap3A_385 = arith.index_cast %swap3A_383 : i32 to index
    %swap3A_386 = arith.index_cast %swap3A_384 : i32 to index
    %swap3A_387 = arith.constant 64 : index
    %swap3A_388 = tpu.vector_load %arg6[%swap3A_385, %swap3A_386, %swap3A_387] {strides = array<i32>} : memref<3x1x128xi32, #tpu.memory_space<vmem>>, vector<1x1x16xi32>,
    %swap3A_389 = vector.shape_cast %swap3A_388 : vector<1x1x16xi32> to vector<16xi32>
    %swap3A_390 = vector.shape_cast %sub3A_382 : vector<16xi32> to vector<1x1x16xi32>
    tpu.vector_store %arg6[%swap3A_385, %swap3A_386, %swap3A_387], %swap3A_390 {strides = array<i32>} : memref<3x1x128xi32, #tpu.memory_space<vmem>>, vector<1x1x16xi32>,
    %get3A_391 = arith.constant 208 : index
    %get3A_392 = tpu.vector_load %arg5[%get3A_391] {strides = array<i32>} : memref<25600xf32, #tpu.memory_space<vmem>>, vector<16xf32>,
    %get3A_393 = vector.shape_cast %get3A_392 : vector<16xf32> to vector<16xf32>
    %max3A_394 = arith.constant 2.000000e-04 : f32
    %max3A_395 = vector.broadcast %max3A_394 : f32 to vector<16xf32>
    %max3A_396 = arith.maximumf %get3A_393, %max3A_395 : vector<16xf32>
    %mul3A_397 = arith.constant 5.000000e+03 : f32
    %mul3A_398 = vector.broadcast %mul3A_397 : f32 to vector<16xf32>
    %mul3A_399 = arith.mulf %max3A_396, %mul3A_398 : vector<16xf32>
    %add3A_400 = arith.constant 0x4B400000 : f32
    %add3A_401 = vector.broadcast %add3A_400 : f32 to vector<16xf32>
    %add3A_402 = arith.addf %mul3A_399, %add3A_401 : vector<16xf32>
    %sub3A_403 = arith.constant 0x4B400000 : f32
    %sub3A_404 = vector.broadcast %sub3A_403 : f32 to vector<16xf32>
    %sub3A_405 = arith.subf %add3A_402, %sub3A_404 : vector<16xf32>
    %convert_element_type3A_406 = arith.fptosi %sub3A_405 : vector<16xf32> to vector<16xi32>
    %sub3A_407 = arith.constant 1 : i32
    %sub3A_408 = vector.broadcast %sub3A_407 : i32 to vector<16xi32>
    %sub3A_409 = arith.subi %convert_element_type3A_406, %sub3A_408 : vector<16xi32>
    %swap3A_410 = arith.constant 1 : i32
    %swap3A_411 = arith.constant 0 : i32
    %swap3A_412 = arith.index_cast %swap3A_410 : i32 to index
    %swap3A_413 = arith.index_cast %swap3A_411 : i32 to index
    %swap3A_414 = arith.constant 80 : index
    %swap3A_415 = tpu.vector_load %arg6[%swap3A_412, %swap3A_413, %swap3A_414] {strides = array<i32>} : memref<3x1x128xi32, #tpu.memory_space<vmem>>, vector<1x1x16xi32>,
    %swap3A_416 = vector.shape_cast %swap3A_415 : vector<1x1x16xi32> to vector<16xi32>
    %swap3A_417 = vector.shape_cast %sub3A_409 : vector<16xi32> to vector<1x1x16xi32>
    tpu.vector_store %arg6[%swap3A_412, %swap3A_413, %swap3A_414], %swap3A_417 {strides = array<i32>} : memref<3x1x128xi32, #tpu.memory_space<vmem>>, vector<1x1x16xi32>,
    %get3A_418 = arith.constant 224 : index
    %get3A_419 = tpu.vector_load %arg5[%get3A_418] {strides = array<i32>} : memref<25600xf32, #tpu.memory_space<vmem>>, vector<16xf32>,
    %get3A_420 = vector.shape_cast %get3A_419 : vector<16xf32> to vector<16xf32>
    %max3A_421 = arith.constant 2.000000e-04 : f32
    %max3A_422 = vector.broadcast %max3A_421 : f32 to vector<16xf32>
    %max3A_423 = arith.maximumf %get3A_420, %max3A_422 : vector<16xf32>
    %mul3A_424 = arith.constant 5.000000e+03 : f32
    %mul3A_425 = vector.broadcast %mul3A_424 : f32 to vector<16xf32>
    %mul3A_426 = arith.mulf %max3A_423, %mul3A_425 : vector<16xf32>
    %add3A_427 = arith.constant 0x4B400000 : f32
    %add3A_428 = vector.broadcast %add3A_427 : f32 to vector<16xf32>
    %add3A_429 = arith.addf %mul3A_426, %add3A_428 : vector<16xf32>
    %sub3A_430 = arith.constant 0x4B400000 : f32
    %sub3A_431 = vector.broadcast %sub3A_430 : f32 to vector<16xf32>
    %sub3A_432 = arith.subf %add3A_429, %sub3A_431 : vector<16xf32>
    %convert_element_type3A_433 = arith.fptosi %sub3A_432 : vector<16xf32> to vector<16xi32>
    %sub3A_434 = arith.constant 1 : i32
    %sub3A_435 = vector.broadcast %sub3A_434 : i32 to vector<16xi32>
    %sub3A_436 = arith.subi %convert_element_type3A_433, %sub3A_435 : vector<16xi32>
    %swap3A_437 = arith.constant 1 : i32
    %swap3A_438 = arith.constant 0 : i32
    %swap3A_439 = arith.index_cast %swap3A_437 : i32 to index
    %swap3A_440 = arith.index_cast %swap3A_438 : i32 to index
    %swap3A_441 = arith.constant 96 : index
    %swap3A_442 = tpu.vector_load %arg6[%swap3A_439, %swap3A_440, %swap3A_441] {strides = array<i32>} : memref<3x1x128xi32, #tpu.memory_space<vmem>>, vector<1x1x16xi32>,
    %swap3A_443 = vector.shape_cast %swap3A_442 : vector<1x1x16xi32> to vector<16xi32>
    %swap3A_444 = vector.shape_cast %sub3A_436 : vector<16xi32> to vector<1x1x16xi32>
    tpu.vector_store %arg6[%swap3A_439, %swap3A_440, %swap3A_441], %swap3A_444 {strides = array<i32>} : memref<3x1x128xi32, #tpu.memory_space<vmem>>, vector<1x1x16xi32>,
    %get3A_445 = arith.constant 240 : index
    %get3A_446 = tpu.vector_load %arg5[%get3A_445] {strides = array<i32>} : memref<25600xf32, #tpu.memory_space<vmem>>, vector<16xf32>,
    %get3A_447 = vector.shape_cast %get3A_446 : vector<16xf32> to vector<16xf32>
    %max3A_448 = arith.constant 2.000000e-04 : f32
    %max3A_449 = vector.broadcast %max3A_448 : f32 to vector<16xf32>
    %max3A_450 = arith.maximumf %get3A_447, %max3A_449 : vector<16xf32>
    %mul3A_451 = arith.constant 5.000000e+03 : f32
    %mul3A_452 = vector.broadcast %mul3A_451 : f32 to vector<16xf32>
    %mul3A_453 = arith.mulf %max3A_450, %mul3A_452 : vector<16xf32>
    %add3A_454 = arith.constant 0x4B400000 : f32
    %add3A_455 = vector.broadcast %add3A_454 : f32 to vector<16xf32>
    %add3A_456 = arith.addf %mul3A_453, %add3A_455 : vector<16xf32>
    %sub3A_457 = arith.constant 0x4B400000 : f32
    %sub3A_458 = vector.broadcast %sub3A_457 : f32 to vector<16xf32>
    %sub3A_459 = arith.subf %add3A_456, %sub3A_458 : vector<16xf32>
    %convert_element_type3A_460 = arith.fptosi %sub3A_459 : vector<16xf32> to vector<16xi32>
    %sub3A_461 = arith.constant 1 : i32
    %sub3A_462 = vector.broadcast %sub3A_461 : i32 to vector<16xi32>
    %sub3A_463 = arith.subi %convert_element_type3A_460, %sub3A_462 : vector<16xi32>
    %swap3A_464 = arith.constant 1 : i32
    %swap3A_465 = arith.constant 0 : i32
    %swap3A_466 = arith.index_cast %swap3A_464 : i32 to index
    %swap3A_467 = arith.index_cast %swap3A_465 : i32 to index
    %swap3A_468 = arith.constant 112 : index
    %swap3A_469 = tpu.vector_load %arg6[%swap3A_466, %swap3A_467, %swap3A_468] {strides = array<i32>} : memref<3x1x128xi32, #tpu.memory_space<vmem>>, vector<1x1x16xi32>,
    %swap3A_470 = vector.shape_cast %swap3A_469 : vector<1x1x16xi32> to vector<16xi32>
    %swap3A_471 = vector.shape_cast %sub3A_463 : vector<16xi32> to vector<1x1x16xi32>
    tpu.vector_store %arg6[%swap3A_466, %swap3A_467, %swap3A_468], %swap3A_471 {strides = array<i32>} : memref<3x1x128xi32, #tpu.memory_space<vmem>>, vector<1x1x16xi32>,
    %dma_start3A_472 = arith.constant 1 : i32
    %dma_start3A_473 = arith.constant 0 : i32
    %dma_start3A_474 = arith.constant 1 : i32
    %dma_start3A_475 = arith.constant 0 : i32
    %dma_start3A_476 = arith.constant 0 : i32
    %dma_start3A_477 = tpu.memref_slice %arg7[%dma_start3A_474, %dma_start3A_475, %dma_start3A_476] : memref<3x128x128xf32, #tpu.memory_space<vmem>> -> memref<1x128x128xf32, #tpu.memory_space<vmem>>
    %dma_start3A_478 = tpu.memref_squeeze %dma_start3A_477 : memref<1x128x128xf32, #tpu.memory_space<vmem>> -> memref<128x128xf32, #tpu.memory_space<vmem>>
    %dma_start3A_479 = arith.constant 0 : i32
    %dma_start3A_480 = tpu.memref_slice %arg6[%dma_start3A_472, %dma_start3A_473, %dma_start3A_479] : memref<3x1x128xi32, #tpu.memory_space<vmem>> -> memref<1x1x128xi32, #tpu.memory_space<vmem>>
    %dma_start3A_481 = tpu.memref_squeeze %dma_start3A_480 : memref<1x1x128xi32, #tpu.memory_space<vmem>> -> memref<128xi32, #tpu.memory_space<vmem>>
    %dma_start3A_482 = arith.constant 0 : i32
    %dma_start3A_483 = arith.constant 0 : i32
    %dma_start3A_484 = tpu.memref_slice %arg3[%dma_start3A_482, %dma_start3A_483] : memref<5000x128xf32, #tpu.memory_space<hbm>> -> memref<5000x128xf32, #tpu.memory_space<hbm>>
    tpu.enqueue_indirect_dma source(%dma_start3A_484 : memref<5000x128xf32, #tpu.memory_space<hbm>>) target(%dma_start3A_478 : memref<128x128xf32, #tpu.memory_space<vmem>>) offsets(%dma_start3A_481 : memref<128xi32, #tpu.memory_space<vmem>>) semaphore(%arg10 : memref<!tpu.dma_semaphore, #tpu.memory_space<semaphore_mem>>)
    %dma_wait3A_485 = arith.constant 1 : i32
    %dma_wait3A_486 = arith.constant 0 : i32
    %dma_wait3A_487 = arith.constant 1 : i32
    %dma_wait3A_488 = arith.constant 0 : i32
    %dma_wait3A_489 = arith.constant 0 : i32
    %dma_wait3A_490 = tpu.memref_slice %arg7[%dma_wait3A_487, %dma_wait3A_488, %dma_wait3A_489] : memref<3x128x128xf32, #tpu.memory_space<vmem>> -> memref<1x128x128xf32, #tpu.memory_space<vmem>>
    %dma_wait3A_491 = tpu.memref_squeeze %dma_wait3A_490 : memref<1x128x128xf32, #tpu.memory_space<vmem>> -> memref<128x128xf32, #tpu.memory_space<vmem>>
    %dma_wait3A_492 = arith.constant 0 : i32
    %dma_wait3A_493 = tpu.memref_slice %arg6[%dma_wait3A_485, %dma_wait3A_486, %dma_wait3A_492] : memref<3x1x128xi32, #tpu.memory_space<vmem>> -> memref<1x1x128xi32, #tpu.memory_space<vmem>>
    %dma_wait3A_494 = tpu.memref_squeeze %dma_wait3A_493 : memref<1x1x128xi32, #tpu.memory_space<vmem>> -> memref<128xi32, #tpu.memory_space<vmem>>
    %dma_wait3A_495 = arith.constant 0 : i32
    %dma_wait3A_496 = arith.constant 0 : i32
    %dma_wait3A_497 = tpu.memref_slice %arg3[%dma_wait3A_495, %dma_wait3A_496] : memref<5000x128xf32, #tpu.memory_space<hbm>> -> memref<5000x128xf32, #tpu.memory_space<hbm>>
    tpu.wait_indirect_dma semaphore(%arg10 : memref<!tpu.dma_semaphore, #tpu.memory_space<semaphore_mem>>) src(%dma_wait3A_497 : memref<5000x128xf32, #tpu.memory_space<hbm>>) dst(%dma_wait3A_491 : memref<128x128xf32, #tpu.memory_space<vmem>>)
    %add3A_498 = arith.constant 128 : i32
    %add3A_499 = arith.addi %mul3A_2, %add3A_498 : i32
    %dma_start3A_500 = arith.constant 1 : i32
    %dma_start3A_501 = arith.constant 0 : i32
    %dma_start3A_502 = arith.constant 0 : i32
    %dma_start3A_503 = tpu.memref_slice %arg7[%dma_start3A_500, %dma_start3A_501, %dma_start3A_502] : memref<3x128x128xf32, #tpu.memory_space<vmem>> -> memref<1x128x128xf32, #tpu.memory_space<vmem>>
    %dma_start3A_504 = tpu.memref_squeeze %dma_start3A_503 : memref<1x128x128xf32, #tpu.memory_space<vmem>> -> memref<128x128xf32, #tpu.memory_space<vmem>>
    %dma_start3A_505 = arith.constant 0 : i32
    %dma_start3A_506 = tpu.memref_slice %arg4[%add3A_499, %dma_start3A_505] : memref<819200x128xf32, #tpu.memory_space<hbm>> -> memref<128x128xf32, #tpu.memory_space<hbm>>
    %dma_start3A_507 = arith.constant 0 : i32
    %dma_start3A_508 = tpu.memref_slice %arg4[%add3A_499, %dma_start3A_507] : memref<819200x128xf32, #tpu.memory_space<hbm>> -> memref<128x128xf32, #tpu.memory_space<hbm>>
    %dma_start3A_509 = arith.constant 0 : i32
    %dma_start3A_510 = arith.constant 0 : i32
    %dma_start3A_511 = tpu.memref_slice %arg7[%dma_start3A_500, %dma_start3A_509, %dma_start3A_510] : memref<3x128x128xf32, #tpu.memory_space<vmem>> -> memref<1x128x128xf32, #tpu.memory_space<vmem>>
    %dma_start3A_512 = tpu.memref_squeeze %dma_start3A_511 : memref<1x128x128xf32, #tpu.memory_space<vmem>> -> memref<128x128xf32, #tpu.memory_space<vmem>>
    tpu.enqueue_dma source(%dma_start3A_512 : memref<128x128xf32, #tpu.memory_space<vmem>>) target(%dma_start3A_508 : memref<128x128xf32, #tpu.memory_space<hbm>>) target_semaphore(%arg13 : memref<!tpu.dma_semaphore, #tpu.memory_space<semaphore_mem>>)
    %get3A_513 = arith.constant 256 : index
    %get3A_514 = tpu.vector_load %arg5[%get3A_513] {strides = array<i32>} : memref<25600xf32, #tpu.memory_space<vmem>>, vector<16xf32>,
    %get3A_515 = vector.shape_cast %get3A_514 : vector<16xf32> to vector<16xf32>
    %max3A_516 = arith.constant 2.000000e-04 : f32
    %max3A_517 = vector.broadcast %max3A_516 : f32 to vector<16xf32>
    %max3A_518 = arith.maximumf %get3A_515, %max3A_517 : vector<16xf32>
    %mul3A_519 = arith.constant 5.000000e+03 : f32
    %mul3A_520 = vector.broadcast %mul3A_519 : f32 to vector<16xf32>
    %mul3A_521 = arith.mulf %max3A_518, %mul3A_520 : vector<16xf32>
    %add3A_522 = arith.constant 0x4B400000 : f32
    %add3A_523 = vector.broadcast %add3A_522 : f32 to vector<16xf32>
    %add3A_524 = arith.addf %mul3A_521, %add3A_523 : vector<16xf32>
    %sub3A_525 = arith.constant 0x4B400000 : f32
    %sub3A_526 = vector.broadcast %sub3A_525 : f32 to vector<16xf32>
    %sub3A_527 = arith.subf %add3A_524, %sub3A_526 : vector<16xf32>
    %convert_element_type3A_528 = arith.fptosi %sub3A_527 : vector<16xf32> to vector<16xi32>
    %sub3A_529 = arith.constant 1 : i32
    %sub3A_530 = vector.broadcast %sub3A_529 : i32 to vector<16xi32>
    %sub3A_531 = arith.subi %convert_element_type3A_528, %sub3A_530 : vector<16xi32>
    %swap3A_532 = arith.constant 2 : i32
    %swap3A_533 = arith.constant 0 : i32
    %swap3A_534 = arith.index_cast %swap3A_532 : i32 to index
    %swap3A_535 = arith.index_cast %swap3A_533 : i32 to index
    %swap3A_536 = arith.constant 0 : index
    %swap3A_537 = tpu.vector_load %arg6[%swap3A_534, %swap3A_535, %swap3A_536] {strides = array<i32>} : memref<3x1x128xi32, #tpu.memory_space<vmem>>, vector<1x1x16xi32>,
    %swap3A_538 = vector.shape_cast %swap3A_537 : vector<1x1x16xi32> to vector<16xi32>
    %swap3A_539 = vector.shape_cast %sub3A_531 : vector<16xi32> to vector<1x1x16xi32>
    tpu.vector_store %arg6[%swap3A_534, %swap3A_535, %swap3A_536], %swap3A_539 {strides = array<i32>} : memref<3x1x128xi32, #tpu.memory_space<vmem>>, vector<1x1x16xi32>,
    %get3A_540 = arith.constant 272 : index
    %get3A_541 = tpu.vector_load %arg5[%get3A_540] {strides = array<i32>} : memref<25600xf32, #tpu.memory_space<vmem>>, vector<16xf32>,
    %get3A_542 = vector.shape_cast %get3A_541 : vector<16xf32> to vector<16xf32>
    %max3A_543 = arith.constant 2.000000e-04 : f32
    %max3A_544 = vector.broadcast %max3A_543 : f32 to vector<16xf32>
    %max3A_545 = arith.maximumf %get3A_542, %max3A_544 : vector<16xf32>
    %mul3A_546 = arith.constant 5.000000e+03 : f32
    %mul3A_547 = vector.broadcast %mul3A_546 : f32 to vector<16xf32>
    %mul3A_548 = arith.mulf %max3A_545, %mul3A_547 : vector<16xf32>
    %add3A_549 = arith.constant 0x4B400000 : f32
    %add3A_550 = vector.broadcast %add3A_549 : f32 to vector<16xf32>
    %add3A_551 = arith.addf %mul3A_548, %add3A_550 : vector<16xf32>
    %sub3A_552 = arith.constant 0x4B400000 : f32
    %sub3A_553 = vector.broadcast %sub3A_552 : f32 to vector<16xf32>
    %sub3A_554 = arith.subf %add3A_551, %sub3A_553 : vector<16xf32>
    %convert_element_type3A_555 = arith.fptosi %sub3A_554 : vector<16xf32> to vector<16xi32>
    %sub3A_556 = arith.constant 1 : i32
    %sub3A_557 = vector.broadcast %sub3A_556 : i32 to vector<16xi32>
    %sub3A_558 = arith.subi %convert_element_type3A_555, %sub3A_557 : vector<16xi32>
    %swap3A_559 = arith.constant 2 : i32
    %swap3A_560 = arith.constant 0 : i32
    %swap3A_561 = arith.index_cast %swap3A_559 : i32 to index
    %swap3A_562 = arith.index_cast %swap3A_560 : i32 to index
    %swap3A_563 = arith.constant 16 : index
    %swap3A_564 = tpu.vector_load %arg6[%swap3A_561, %swap3A_562, %swap3A_563] {strides = array<i32>} : memref<3x1x128xi32, #tpu.memory_space<vmem>>, vector<1x1x16xi32>,
    %swap3A_565 = vector.shape_cast %swap3A_564 : vector<1x1x16xi32> to vector<16xi32>
    %swap3A_566 = vector.shape_cast %sub3A_558 : vector<16xi32> to vector<1x1x16xi32>
    tpu.vector_store %arg6[%swap3A_561, %swap3A_562, %swap3A_563], %swap3A_566 {strides = array<i32>} : memref<3x1x128xi32, #tpu.memory_space<vmem>>, vector<1x1x16xi32>,
    %get3A_567 = arith.constant 288 : index
    %get3A_568 = tpu.vector_load %arg5[%get3A_567] {strides = array<i32>} : memref<25600xf32, #tpu.memory_space<vmem>>, vector<16xf32>,
    %get3A_569 = vector.shape_cast %get3A_568 : vector<16xf32> to vector<16xf32>
    %max3A_570 = arith.constant 2.000000e-04 : f32
    %max3A_571 = vector.broadcast %max3A_570 : f32 to vector<16xf32>
    %max3A_572 = arith.maximumf %get3A_569, %max3A_571 : vector<16xf32>
    %mul3A_573 = arith.constant 5.000000e+03 : f32
    %mul3A_574 = vector.broadcast %mul3A_573 : f32 to vector<16xf32>
    %mul3A_575 = arith.mulf %max3A_572, %mul3A_574 : vector<16xf32>
    %add3A_576 = arith.constant 0x4B400000 : f32
    %add3A_577 = vector.broadcast %add3A_576 : f32 to vector<16xf32>
    %add3A_578 = arith.addf %mul3A_575, %add3A_577 : vector<16xf32>
    %sub3A_579 = arith.constant 0x4B400000 : f32
    %sub3A_580 = vector.broadcast %sub3A_579 : f32 to vector<16xf32>
    %sub3A_581 = arith.subf %add3A_578, %sub3A_580 : vector<16xf32>
    %convert_element_type3A_582 = arith.fptosi %sub3A_581 : vector<16xf32> to vector<16xi32>
    %sub3A_583 = arith.constant 1 : i32
    %sub3A_584 = vector.broadcast %sub3A_583 : i32 to vector<16xi32>
    %sub3A_585 = arith.subi %convert_element_type3A_582, %sub3A_584 : vector<16xi32>
    %swap3A_586 = arith.constant 2 : i32
    %swap3A_587 = arith.constant 0 : i32
    %swap3A_588 = arith.index_cast %swap3A_586 : i32 to index
    %swap3A_589 = arith.index_cast %swap3A_587 : i32 to index
    %swap3A_590 = arith.constant 32 : index
    %swap3A_591 = tpu.vector_load %arg6[%swap3A_588, %swap3A_589, %swap3A_590] {strides = array<i32>} : memref<3x1x128xi32, #tpu.memory_space<vmem>>, vector<1x1x16xi32>,
    %swap3A_592 = vector.shape_cast %swap3A_591 : vector<1x1x16xi32> to vector<16xi32>
    %swap3A_593 = vector.shape_cast %sub3A_585 : vector<16xi32> to vector<1x1x16xi32>
    tpu.vector_store %arg6[%swap3A_588, %swap3A_589, %swap3A_590], %swap3A_593 {strides = array<i32>} : memref<3x1x128xi32, #tpu.memory_space<vmem>>, vector<1x1x16xi32>,
    %get3A_594 = arith.constant 304 : index
    %get3A_595 = tpu.vector_load %arg5[%get3A_594] {strides = array<i32>} : memref<25600xf32, #tpu.memory_space<vmem>>, vector<16xf32>,
    %get3A_596 = vector.shape_cast %get3A_595 : vector<16xf32> to vector<16xf32>
    %max3A_597 = arith.constant 2.000000e-04 : f32
    %max3A_598 = vector.broadcast %max3A_597 : f32 to vector<16xf32>
    %max3A_599 = arith.maximumf %get3A_596, %max3A_598 : vector<16xf32>
    %mul3A_600 = arith.constant 5.000000e+03 : f32
    %mul3A_601 = vector.broadcast %mul3A_600 : f32 to vector<16xf32>
    %mul3A_602 = arith.mulf %max3A_599, %mul3A_601 : vector<16xf32>
    %add3A_603 = arith.constant 0x4B400000 : f32
    %add3A_604 = vector.broadcast %add3A_603 : f32 to vector<16xf32>
    %add3A_605 = arith.addf %mul3A_602, %add3A_604 : vector<16xf32>
    %sub3A_606 = arith.constant 0x4B400000 : f32
    %sub3A_607 = vector.broadcast %sub3A_606 : f32 to vector<16xf32>
    %sub3A_608 = arith.subf %add3A_605, %sub3A_607 : vector<16xf32>
    %convert_element_type3A_609 = arith.fptosi %sub3A_608 : vector<16xf32> to vector<16xi32>
    %sub3A_610 = arith.constant 1 : i32
    %sub3A_611 = vector.broadcast %sub3A_610 : i32 to vector<16xi32>
    %sub3A_612 = arith.subi %convert_element_type3A_609, %sub3A_611 : vector<16xi32>
    %swap3A_613 = arith.constant 2 : i32
    %swap3A_614 = arith.constant 0 : i32
    %swap3A_615 = arith.index_cast %swap3A_613 : i32 to index
    %swap3A_616 = arith.index_cast %swap3A_614 : i32 to index
    %swap3A_617 = arith.constant 48 : index
    %swap3A_618 = tpu.vector_load %arg6[%swap3A_615, %swap3A_616, %swap3A_617] {strides = array<i32>} : memref<3x1x128xi32, #tpu.memory_space<vmem>>, vector<1x1x16xi32>,
    %swap3A_619 = vector.shape_cast %swap3A_618 : vector<1x1x16xi32> to vector<16xi32>
    %swap3A_620 = vector.shape_cast %sub3A_612 : vector<16xi32> to vector<1x1x16xi32>
    tpu.vector_store %arg6[%swap3A_615, %swap3A_616, %swap3A_617], %swap3A_620 {strides = array<i32>} : memref<3x1x128xi32, #tpu.memory_space<vmem>>, vector<1x1x16xi32>,
    %get3A_621 = arith.constant 320 : index
    %get3A_622 = tpu.vector_load %arg5[%get3A_621] {strides = array<i32>} : memref<25600xf32, #tpu.memory_space<vmem>>, vector<16xf32>,
    %get3A_623 = vector.shape_cast %get3A_622 : vector<16xf32> to vector<16xf32>
    %max3A_624 = arith.constant 2.000000e-04 : f32
    %max3A_625 = vector.broadcast %max3A_624 : f32 to vector<16xf32>
    %max3A_626 = arith.maximumf %get3A_623, %max3A_625 : vector<16xf32>
    %mul3A_627 = arith.constant 5.000000e+03 : f32
    %mul3A_628 = vector.broadcast %mul3A_627 : f32 to vector<16xf32>
    %mul3A_629 = arith.mulf %max3A_626, %mul3A_628 : vector<16xf32>
    %add3A_630 = arith.constant 0x4B400000 : f32
    %add3A_631 = vector.broadcast %add3A_630 : f32 to vector<16xf32>
    %add3A_632 = arith.addf %mul3A_629, %add3A_631 : vector<16xf32>
    %sub3A_633 = arith.constant 0x4B400000 : f32
    %sub3A_634 = vector.broadcast %sub3A_633 : f32 to vector<16xf32>
    %sub3A_635 = arith.subf %add3A_632, %sub3A_634 : vector<16xf32>
    %convert_element_type3A_636 = arith.fptosi %sub3A_635 : vector<16xf32> to vector<16xi32>
    %sub3A_637 = arith.constant 1 : i32
    %sub3A_638 = vector.broadcast %sub3A_637 : i32 to vector<16xi32>
    %sub3A_639 = arith.subi %convert_element_type3A_636, %sub3A_638 : vector<16xi32>
    %swap3A_640 = arith.constant 2 : i32
    %swap3A_641 = arith.constant 0 : i32
    %swap3A_642 = arith.index_cast %swap3A_640 : i32 to index
    %swap3A_643 = arith.index_cast %swap3A_641 : i32 to index
    %swap3A_644 = arith.constant 64 : index
    %swap3A_645 = tpu.vector_load %arg6[%swap3A_642, %swap3A_643, %swap3A_644] {strides = array<i32>} : memref<3x1x128xi32, #tpu.memory_space<vmem>>, vector<1x1x16xi32>,
    %swap3A_646 = vector.shape_cast %swap3A_645 : vector<1x1x16xi32> to vector<16xi32>
    %swap3A_647 = vector.shape_cast %sub3A_639 : vector<16xi32> to vector<1x1x16xi32>
    tpu.vector_store %arg6[%swap3A_642, %swap3A_643, %swap3A_644], %swap3A_647 {strides = array<i32>} : memref<3x1x128xi32, #tpu.memory_space<vmem>>, vector<1x1x16xi32>,
    %get3A_648 = arith.constant 336 : index
    %get3A_649 = tpu.vector_load %arg5[%get3A_648] {strides = array<i32>} : memref<25600xf32, #tpu.memory_space<vmem>>, vector<16xf32>,
    %get3A_650 = vector.shape_cast %get3A_649 : vector<16xf32> to vector<16xf32>
    %max3A_651 = arith.constant 2.000000e-04 : f32
    %max3A_652 = vector.broadcast %max3A_651 : f32 to vector<16xf32>
    %max3A_653 = arith.maximumf %get3A_650, %max3A_652 : vector<16xf32>
    %mul3A_654 = arith.constant 5.000000e+03 : f32
    %mul3A_655 = vector.broadcast %mul3A_654 : f32 to vector<16xf32>
    %mul3A_656 = arith.mulf %max3A_653, %mul3A_655 : vector<16xf32>
    %add3A_657 = arith.constant 0x4B400000 : f32
    %add3A_658 = vector.broadcast %add3A_657 : f32 to vector<16xf32>
    %add3A_659 = arith.addf %mul3A_656, %add3A_658 : vector<16xf32>
    %sub3A_660 = arith.constant 0x4B400000 : f32
    %sub3A_661 = vector.broadcast %sub3A_660 : f32 to vector<16xf32>
    %sub3A_662 = arith.subf %add3A_659, %sub3A_661 : vector<16xf32>
    %convert_element_type3A_663 = arith.fptosi %sub3A_662 : vector<16xf32> to vector<16xi32>
    %sub3A_664 = arith.constant 1 : i32
    %sub3A_665 = vector.broadcast %sub3A_664 : i32 to vector<16xi32>
    %sub3A_666 = arith.subi %convert_element_type3A_663, %sub3A_665 : vector<16xi32>
    %swap3A_667 = arith.constant 2 : i32
    %swap3A_668 = arith.constant 0 : i32
    %swap3A_669 = arith.index_cast %swap3A_667 : i32 to index
    %swap3A_670 = arith.index_cast %swap3A_668 : i32 to index
    %swap3A_671 = arith.constant 80 : index
    %swap3A_672 = tpu.vector_load %arg6[%swap3A_669, %swap3A_670, %swap3A_671] {strides = array<i32>} : memref<3x1x128xi32, #tpu.memory_space<vmem>>, vector<1x1x16xi32>,
    %swap3A_673 = vector.shape_cast %swap3A_672 : vector<1x1x16xi32> to vector<16xi32>
    %swap3A_674 = vector.shape_cast %sub3A_666 : vector<16xi32> to vector<1x1x16xi32>
    tpu.vector_store %arg6[%swap3A_669, %swap3A_670, %swap3A_671], %swap3A_674 {strides = array<i32>} : memref<3x1x128xi32, #tpu.memory_space<vmem>>, vector<1x1x16xi32>,
    %get3A_675 = arith.constant 352 : index
    %get3A_676 = tpu.vector_load %arg5[%get3A_675] {strides = array<i32>} : memref<25600xf32, #tpu.memory_space<vmem>>, vector<16xf32>,
    %get3A_677 = vector.shape_cast %get3A_676 : vector<16xf32> to vector<16xf32>
    %max3A_678 = arith.constant 2.000000e-04 : f32
    %max3A_679 = vector.broadcast %max3A_678 : f32 to vector<16xf32>
    %max3A_680 = arith.maximumf %get3A_677, %max3A_679 : vector<16xf32>
    %mul3A_681 = arith.constant 5.000000e+03 : f32
    %mul3A_682 = vector.broadcast %mul3A_681 : f32 to vector<16xf32>
    %mul3A_683 = arith.mulf %max3A_680, %mul3A_682 : vector<16xf32>
    %add3A_684 = arith.constant 0x4B400000 : f32
    %add3A_685 = vector.broadcast %add3A_684 : f32 to vector<16xf32>
    %add3A_686 = arith.addf %mul3A_683, %add3A_685 : vector<16xf32>
    %sub3A_687 = arith.constant 0x4B400000 : f32
    %sub3A_688 = vector.broadcast %sub3A_687 : f32 to vector<16xf32>
    %sub3A_689 = arith.subf %add3A_686, %sub3A_688 : vector<16xf32>
    %convert_element_type3A_690 = arith.fptosi %sub3A_689 : vector<16xf32> to vector<16xi32>
    %sub3A_691 = arith.constant 1 : i32
    %sub3A_692 = vector.broadcast %sub3A_691 : i32 to vector<16xi32>
    %sub3A_693 = arith.subi %convert_element_type3A_690, %sub3A_692 : vector<16xi32>
    %swap3A_694 = arith.constant 2 : i32
    %swap3A_695 = arith.constant 0 : i32
    %swap3A_696 = arith.index_cast %swap3A_694 : i32 to index
    %swap3A_697 = arith.index_cast %swap3A_695 : i32 to index
    %swap3A_698 = arith.constant 96 : index
    %swap3A_699 = tpu.vector_load %arg6[%swap3A_696, %swap3A_697, %swap3A_698] {strides = array<i32>} : memref<3x1x128xi32, #tpu.memory_space<vmem>>, vector<1x1x16xi32>,
    %swap3A_700 = vector.shape_cast %swap3A_699 : vector<1x1x16xi32> to vector<16xi32>
    %swap3A_701 = vector.shape_cast %sub3A_693 : vector<16xi32> to vector<1x1x16xi32>
    tpu.vector_store %arg6[%swap3A_696, %swap3A_697, %swap3A_698], %swap3A_701 {strides = array<i32>} : memref<3x1x128xi32, #tpu.memory_space<vmem>>, vector<1x1x16xi32>,
    %get3A_702 = arith.constant 368 : index
    %get3A_703 = tpu.vector_load %arg5[%get3A_702] {strides = array<i32>} : memref<25600xf32, #tpu.memory_space<vmem>>, vector<16xf32>,
    %get3A_704 = vector.shape_cast %get3A_703 : vector<16xf32> to vector<16xf32>
    %max3A_705 = arith.constant 2.000000e-04 : f32
    %max3A_706 = vector.broadcast %max3A_705 : f32 to vector<16xf32>
    %max3A_707 = arith.maximumf %get3A_704, %max3A_706 : vector<16xf32>
    %mul3A_708 = arith.constant 5.000000e+03 : f32
    %mul3A_709 = vector.broadcast %mul3A_708 : f32 to vector<16xf32>
    %mul3A_710 = arith.mulf %max3A_707, %mul3A_709 : vector<16xf32>
    %add3A_711 = arith.constant 0x4B400000 : f32
    %add3A_712 = vector.broadcast %add3A_711 : f32 to vector<16xf32>
    %add3A_713 = arith.addf %mul3A_710, %add3A_712 : vector<16xf32>
    %sub3A_714 = arith.constant 0x4B400000 : f32
    %sub3A_715 = vector.broadcast %sub3A_714 : f32 to vector<16xf32>
    %sub3A_716 = arith.subf %add3A_713, %sub3A_715 : vector<16xf32>
    %convert_element_type3A_717 = arith.fptosi %sub3A_716 : vector<16xf32> to vector<16xi32>
    %sub3A_718 = arith.constant 1 : i32
    %sub3A_719 = vector.broadcast %sub3A_718 : i32 to vector<16xi32>
    %sub3A_720 = arith.subi %convert_element_type3A_717, %sub3A_719 : vector<16xi32>
    %swap3A_721 = arith.constant 2 : i32
    %swap3A_722 = arith.constant 0 : i32
    %swap3A_723 = arith.index_cast %swap3A_721 : i32 to index
    %swap3A_724 = arith.index_cast %swap3A_722 : i32 to index
    %swap3A_725 = arith.constant 112 : index
    %swap3A_726 = tpu.vector_load %arg6[%swap3A_723, %swap3A_724, %swap3A_725] {strides = array<i32>} : memref<3x1x128xi32, #tpu.memory_space<vmem>>, vector<1x1x16xi32>,
    %swap3A_727 = vector.shape_cast %swap3A_726 : vector<1x1x16xi32> to vector<16xi32>
    %swap3A_728 = vector.shape_cast %sub3A_720 : vector<16xi32> to vector<1x1x16xi32>
    tpu.vector_store %arg6[%swap3A_723, %swap3A_724, %swap3A_725], %swap3A_728 {strides = array<i32>} : memref<3x1x128xi32, #tpu.memory_space<vmem>>, vector<1x1x16xi32>,
    %dma_start3A_729 = arith.constant 2 : i32
    %dma_start3A_730 = arith.constant 0 : i32
    %dma_start3A_731 = arith.constant 2 : i32
    %dma_start3A_732 = arith.constant 0 : i32
    %dma_start3A_733 = arith.constant 0 : i32
    %dma_start3A_734 = tpu.memref_slice %arg7[%dma_start3A_731, %dma_start3A_732, %dma_start3A_733] : memref<3x128x128xf32, #tpu.memory_space<vmem>> -> memref<1x128x128xf32, #tpu.memory_space<vmem>>
    %dma_start3A_735 = tpu.memref_squeeze %dma_start3A_734 : memref<1x128x128xf32, #tpu.memory_space<vmem>> -> memref<128x128xf32, #tpu.memory_space<vmem>>
    %dma_start3A_736 = arith.constant 0 : i32
    %dma_start3A_737 = tpu.memref_slice %arg6[%dma_start3A_729, %dma_start3A_730, %dma_start3A_736] : memref<3x1x128xi32, #tpu.memory_space<vmem>> -> memref<1x1x128xi32, #tpu.memory_space<vmem>>
    %dma_start3A_738 = tpu.memref_squeeze %dma_start3A_737 : memref<1x1x128xi32, #tpu.memory_space<vmem>> -> memref<128xi32, #tpu.memory_space<vmem>>
    %dma_start3A_739 = arith.constant 0 : i32
    %dma_start3A_740 = arith.constant 0 : i32
    %dma_start3A_741 = tpu.memref_slice %arg3[%dma_start3A_739, %dma_start3A_740] : memref<5000x128xf32, #tpu.memory_space<hbm>> -> memref<5000x128xf32, #tpu.memory_space<hbm>>
    tpu.enqueue_indirect_dma source(%dma_start3A_741 : memref<5000x128xf32, #tpu.memory_space<hbm>>) target(%dma_start3A_735 : memref<128x128xf32, #tpu.memory_space<vmem>>) offsets(%dma_start3A_738 : memref<128xi32, #tpu.memory_space<vmem>>) semaphore(%arg11 : memref<!tpu.dma_semaphore, #tpu.memory_space<semaphore_mem>>)
    %scan3A = arith.constant 0 : i32
    %scan3A_742 = arith.constant 0 : i32
    %scan3A_743 = arith.constant 65 : i32
    %scan3A_744 = arith.addi %scan3A_742, %scan3A_743 : i32
    %scan3A_745 = arith.constant 1 : i32
    scf.for %scan3A_1364 = %scan3A_742 to %scan3A_744 step %scan3A_745  : i32 {
      %mul3A_1365 = arith.constant 3 : i32
      %mul3A_1366 = arith.muli %mul3A_1365, %scan3A_1364 : i32
      %add3A_1367 = arith.constant 2 : i32
      %add3A_1368 = arith.addi %add3A_1367, %mul3A_1366 : i32
      %add3A_1369 = arith.constant 0 : i32
      %add3A_1370 = arith.addi %add3A_1368, %add3A_1369 : i32
      %dma_wait3A_1371 = arith.constant 2 : i32
      %dma_wait3A_1372 = arith.constant 0 : i32
      %dma_wait3A_1373 = arith.constant 2 : i32
      %dma_wait3A_1374 = arith.constant 0 : i32
      %dma_wait3A_1375 = arith.constant 0 : i32
      %dma_wait3A_1376 = tpu.memref_slice %arg7[%dma_wait3A_1373, %dma_wait3A_1374, %dma_wait3A_1375] : memref<3x128x128xf32, #tpu.memory_space<vmem>> -> memref<1x128x128xf32, #tpu.memory_space<vmem>>
      %dma_wait3A_1377 = tpu.memref_squeeze %dma_wait3A_1376 : memref<1x128x128xf32, #tpu.memory_space<vmem>> -> memref<128x128xf32, #tpu.memory_space<vmem>>
      %dma_wait3A_1378 = arith.constant 0 : i32
      %dma_wait3A_1379 = tpu.memref_slice %arg6[%dma_wait3A_1371, %dma_wait3A_1372, %dma_wait3A_1378] : memref<3x1x128xi32, #tpu.memory_space<vmem>> -> memref<1x1x128xi32, #tpu.memory_space<vmem>>
      %dma_wait3A_1380 = tpu.memref_squeeze %dma_wait3A_1379 : memref<1x1x128xi32, #tpu.memory_space<vmem>> -> memref<128xi32, #tpu.memory_space<vmem>>
      %dma_wait3A_1381 = arith.constant 0 : i32
      %dma_wait3A_1382 = arith.constant 0 : i32
      %dma_wait3A_1383 = tpu.memref_slice %arg3[%dma_wait3A_1381, %dma_wait3A_1382] : memref<5000x128xf32, #tpu.memory_space<hbm>> -> memref<5000x128xf32, #tpu.memory_space<hbm>>
      tpu.wait_indirect_dma semaphore(%arg11 : memref<!tpu.dma_semaphore, #tpu.memory_space<semaphore_mem>>) src(%dma_wait3A_1383 : memref<5000x128xf32, #tpu.memory_space<hbm>>) dst(%dma_wait3A_1377 : memref<128x128xf32, #tpu.memory_space<vmem>>)
      %mul3A_1384 = arith.constant 128 : i32
      %mul3A_1385 = arith.muli %add3A_1370, %mul3A_1384 : i32
      %add3A_1386 = arith.addi %mul3A_2, %mul3A_1385 : i32
      %dma_start3A_1387 = arith.constant 2 : i32
      %dma_start3A_1388 = arith.constant 0 : i32
      %dma_start3A_1389 = arith.constant 0 : i32
      %dma_start3A_1390 = tpu.memref_slice %arg7[%dma_start3A_1387, %dma_start3A_1388, %dma_start3A_1389] : memref<3x128x128xf32, #tpu.memory_space<vmem>> -> memref<1x128x128xf32, #tpu.memory_space<vmem>>
      %dma_start3A_1391 = tpu.memref_squeeze %dma_start3A_1390 : memref<1x128x128xf32, #tpu.memory_space<vmem>> -> memref<128x128xf32, #tpu.memory_space<vmem>>
      %dma_start3A_1392 = arith.constant 0 : i32
      %dma_start3A_1393 = tpu.memref_slice %arg4[%add3A_1386, %dma_start3A_1392] : memref<819200x128xf32, #tpu.memory_space<hbm>> -> memref<128x128xf32, #tpu.memory_space<hbm>>
      %dma_start3A_1394 = arith.constant 0 : i32
      %dma_start3A_1395 = tpu.memref_slice %arg4[%add3A_1386, %dma_start3A_1394] : memref<819200x128xf32, #tpu.memory_space<hbm>> -> memref<128x128xf32, #tpu.memory_space<hbm>>
      %dma_start3A_1396 = arith.constant 0 : i32
      %dma_start3A_1397 = arith.constant 0 : i32
      %dma_start3A_1398 = tpu.memref_slice %arg7[%dma_start3A_1387, %dma_start3A_1396, %dma_start3A_1397] : memref<3x128x128xf32, #tpu.memory_space<vmem>> -> memref<1x128x128xf32, #tpu.memory_space<vmem>>
      %dma_start3A_1399 = tpu.memref_squeeze %dma_start3A_1398 : memref<1x128x128xf32, #tpu.memory_space<vmem>> -> memref<128x128xf32, #tpu.memory_space<vmem>>
      tpu.enqueue_dma source(%dma_start3A_1399 : memref<128x128xf32, #tpu.memory_space<vmem>>) target(%dma_start3A_1395 : memref<128x128xf32, #tpu.memory_space<hbm>>) target_semaphore(%arg14 : memref<!tpu.dma_semaphore, #tpu.memory_space<semaphore_mem>>)
      %sub3A_1400 = arith.constant 2 : i32
      %sub3A_1401 = arith.subi %add3A_1370, %sub3A_1400 : i32
      %mul3A_1402 = arith.constant 128 : i32
      %mul3A_1403 = arith.muli %sub3A_1401, %mul3A_1402 : i32
      %add3A_1404 = arith.addi %mul3A_2, %mul3A_1403 : i32
      %dma_wait3A_1405 = arith.constant 0 : i32
      %dma_wait3A_1406 = arith.constant 0 : i32
      %dma_wait3A_1407 = arith.constant 0 : i32
      %dma_wait3A_1408 = tpu.memref_slice %arg7[%dma_wait3A_1405, %dma_wait3A_1406, %dma_wait3A_1407] : memref<3x128x128xf32, #tpu.memory_space<vmem>> -> memref<1x128x128xf32, #tpu.memory_space<vmem>>
      %dma_wait3A_1409 = tpu.memref_squeeze %dma_wait3A_1408 : memref<1x128x128xf32, #tpu.memory_space<vmem>> -> memref<128x128xf32, #tpu.memory_space<vmem>>
      %dma_wait3A_1410 = arith.constant 0 : i32
      %dma_wait3A_1411 = tpu.memref_slice %arg4[%add3A_1404, %dma_wait3A_1410] : memref<819200x128xf32, #tpu.memory_space<hbm>> -> memref<128x128xf32, #tpu.memory_space<hbm>>
      %dma_wait3A_1412 = arith.constant 0 : i32
      %dma_wait3A_1413 = tpu.memref_slice %arg4[%add3A_1404, %dma_wait3A_1412] : memref<819200x128xf32, #tpu.memory_space<hbm>> -> memref<128x128xf32, #tpu.memory_space<hbm>>
      %dma_wait3A_1414 = arith.constant 0 : i32
      %dma_wait3A_1415 = arith.constant 0 : i32
      %dma_wait3A_1416 = tpu.memref_slice %arg7[%dma_wait3A_1405, %dma_wait3A_1414, %dma_wait3A_1415] : memref<3x128x128xf32, #tpu.memory_space<vmem>> -> memref<1x128x128xf32, #tpu.memory_space<vmem>>
      %dma_wait3A_1417 = tpu.memref_squeeze %dma_wait3A_1416 : memref<1x128x128xf32, #tpu.memory_space<vmem>> -> memref<128x128xf32, #tpu.memory_space<vmem>>
      tpu.wait_dma2 semaphore(%arg12 : memref<!tpu.dma_semaphore, #tpu.memory_space<semaphore_mem>>) src(%dma_wait3A_1417 : memref<128x128xf32, #tpu.memory_space<vmem>>) dst(%dma_wait3A_1413 : memref<128x128xf32, #tpu.memory_space<hbm>>)
      %add3A_1418 = arith.constant 1 : i32
      %add3A_1419 = arith.addi %add3A_1370, %add3A_1418 : i32
      %mul3A_1420 = arith.constant 128 : i32
      %mul3A_1421 = arith.muli %add3A_1419, %mul3A_1420 : i32
      %add3A_1422 = arith.constant 0 : i32
      %add3A_1423 = arith.addi %mul3A_1421, %add3A_1422 : i32
      %get3A_1424 = arith.index_cast %add3A_1423 : i32 to index
      %get3A_1425 = tpu.vector_load %arg5[%get3A_1424] {strides = array<i32>} : memref<25600xf32, #tpu.memory_space<vmem>>, vector<16xf32>,
      %get3A_1426 = vector.shape_cast %get3A_1425 : vector<16xf32> to vector<16xf32>
      %max3A_1427 = arith.constant 2.000000e-04 : f32
      %max3A_1428 = vector.broadcast %max3A_1427 : f32 to vector<16xf32>
      %max3A_1429 = arith.maximumf %get3A_1426, %max3A_1428 : vector<16xf32>
      %mul3A_1430 = arith.constant 5.000000e+03 : f32
      %mul3A_1431 = vector.broadcast %mul3A_1430 : f32 to vector<16xf32>
      %mul3A_1432 = arith.mulf %max3A_1429, %mul3A_1431 : vector<16xf32>
      %add3A_1433 = arith.constant 0x4B400000 : f32
      %add3A_1434 = vector.broadcast %add3A_1433 : f32 to vector<16xf32>
      %add3A_1435 = arith.addf %mul3A_1432, %add3A_1434 : vector<16xf32>
      %sub3A_1436 = arith.constant 0x4B400000 : f32
      %sub3A_1437 = vector.broadcast %sub3A_1436 : f32 to vector<16xf32>
      %sub3A_1438 = arith.subf %add3A_1435, %sub3A_1437 : vector<16xf32>
      %convert_element_type3A_1439 = arith.fptosi %sub3A_1438 : vector<16xf32> to vector<16xi32>
      %sub3A_1440 = arith.constant 1 : i32
      %sub3A_1441 = vector.broadcast %sub3A_1440 : i32 to vector<16xi32>
      %sub3A_1442 = arith.subi %convert_element_type3A_1439, %sub3A_1441 : vector<16xi32>
      %swap3A_1443 = arith.constant 0 : i32
      %swap3A_1444 = arith.constant 0 : i32
      %swap3A_1445 = arith.index_cast %swap3A_1443 : i32 to index
      %swap3A_1446 = arith.index_cast %swap3A_1444 : i32 to index
      %swap3A_1447 = arith.constant 0 : index
      %swap3A_1448 = tpu.vector_load %arg6[%swap3A_1445, %swap3A_1446, %swap3A_1447] {strides = array<i32>} : memref<3x1x128xi32, #tpu.memory_space<vmem>>, vector<1x1x16xi32>,
      %swap3A_1449 = vector.shape_cast %swap3A_1448 : vector<1x1x16xi32> to vector<16xi32>
      %swap3A_1450 = vector.shape_cast %sub3A_1442 : vector<16xi32> to vector<1x1x16xi32>
      tpu.vector_store %arg6[%swap3A_1445, %swap3A_1446, %swap3A_1447], %swap3A_1450 {strides = array<i32>} : memref<3x1x128xi32, #tpu.memory_space<vmem>>, vector<1x1x16xi32>,
      %add3A_1451 = arith.constant 16 : i32
      %add3A_1452 = arith.addi %mul3A_1421, %add3A_1451 : i32
      %get3A_1453 = arith.index_cast %add3A_1452 : i32 to index
      %get3A_1454 = tpu.vector_load %arg5[%get3A_1453] {strides = array<i32>} : memref<25600xf32, #tpu.memory_space<vmem>>, vector<16xf32>,
      %get3A_1455 = vector.shape_cast %get3A_1454 : vector<16xf32> to vector<16xf32>
      %max3A_1456 = arith.constant 2.000000e-04 : f32
      %max3A_1457 = vector.broadcast %max3A_1456 : f32 to vector<16xf32>
      %max3A_1458 = arith.maximumf %get3A_1455, %max3A_1457 : vector<16xf32>
      %mul3A_1459 = arith.constant 5.000000e+03 : f32
      %mul3A_1460 = vector.broadcast %mul3A_1459 : f32 to vector<16xf32>
      %mul3A_1461 = arith.mulf %max3A_1458, %mul3A_1460 : vector<16xf32>
      %add3A_1462 = arith.constant 0x4B400000 : f32
      %add3A_1463 = vector.broadcast %add3A_1462 : f32 to vector<16xf32>
      %add3A_1464 = arith.addf %mul3A_1461, %add3A_1463 : vector<16xf32>
      %sub3A_1465 = arith.constant 0x4B400000 : f32
      %sub3A_1466 = vector.broadcast %sub3A_1465 : f32 to vector<16xf32>
      %sub3A_1467 = arith.subf %add3A_1464, %sub3A_1466 : vector<16xf32>
      %convert_element_type3A_1468 = arith.fptosi %sub3A_1467 : vector<16xf32> to vector<16xi32>
      %sub3A_1469 = arith.constant 1 : i32
      %sub3A_1470 = vector.broadcast %sub3A_1469 : i32 to vector<16xi32>
      %sub3A_1471 = arith.subi %convert_element_type3A_1468, %sub3A_1470 : vector<16xi32>
      %swap3A_1472 = arith.constant 0 : i32
      %swap3A_1473 = arith.constant 0 : i32
      %swap3A_1474 = arith.index_cast %swap3A_1472 : i32 to index
      %swap3A_1475 = arith.index_cast %swap3A_1473 : i32 to index
      %swap3A_1476 = arith.constant 16 : index
      %swap3A_1477 = tpu.vector_load %arg6[%swap3A_1474, %swap3A_1475, %swap3A_1476] {strides = array<i32>} : memref<3x1x128xi32, #tpu.memory_space<vmem>>, vector<1x1x16xi32>,
      %swap3A_1478 = vector.shape_cast %swap3A_1477 : vector<1x1x16xi32> to vector<16xi32>
      %swap3A_1479 = vector.shape_cast %sub3A_1471 : vector<16xi32> to vector<1x1x16xi32>
      tpu.vector_store %arg6[%swap3A_1474, %swap3A_1475, %swap3A_1476], %swap3A_1479 {strides = array<i32>} : memref<3x1x128xi32, #tpu.memory_space<vmem>>, vector<1x1x16xi32>,
      %add3A_1480 = arith.constant 32 : i32
      %add3A_1481 = arith.addi %mul3A_1421, %add3A_1480 : i32
      %get3A_1482 = arith.index_cast %add3A_1481 : i32 to index
      %get3A_1483 = tpu.vector_load %arg5[%get3A_1482] {strides = array<i32>} : memref<25600xf32, #tpu.memory_space<vmem>>, vector<16xf32>,
      %get3A_1484 = vector.shape_cast %get3A_1483 : vector<16xf32> to vector<16xf32>
      %max3A_1485 = arith.constant 2.000000e-04 : f32
      %max3A_1486 = vector.broadcast %max3A_1485 : f32 to vector<16xf32>
      %max3A_1487 = arith.maximumf %get3A_1484, %max3A_1486 : vector<16xf32>
      %mul3A_1488 = arith.constant 5.000000e+03 : f32
      %mul3A_1489 = vector.broadcast %mul3A_1488 : f32 to vector<16xf32>
      %mul3A_1490 = arith.mulf %max3A_1487, %mul3A_1489 : vector<16xf32>
      %add3A_1491 = arith.constant 0x4B400000 : f32
      %add3A_1492 = vector.broadcast %add3A_1491 : f32 to vector<16xf32>
      %add3A_1493 = arith.addf %mul3A_1490, %add3A_1492 : vector<16xf32>
      %sub3A_1494 = arith.constant 0x4B400000 : f32
      %sub3A_1495 = vector.broadcast %sub3A_1494 : f32 to vector<16xf32>
      %sub3A_1496 = arith.subf %add3A_1493, %sub3A_1495 : vector<16xf32>
      %convert_element_type3A_1497 = arith.fptosi %sub3A_1496 : vector<16xf32> to vector<16xi32>
      %sub3A_1498 = arith.constant 1 : i32
      %sub3A_1499 = vector.broadcast %sub3A_1498 : i32 to vector<16xi32>
      %sub3A_1500 = arith.subi %convert_element_type3A_1497, %sub3A_1499 : vector<16xi32>
      %swap3A_1501 = arith.constant 0 : i32
      %swap3A_1502 = arith.constant 0 : i32
      %swap3A_1503 = arith.index_cast %swap3A_1501 : i32 to index
      %swap3A_1504 = arith.index_cast %swap3A_1502 : i32 to index
      %swap3A_1505 = arith.constant 32 : index
      %swap3A_1506 = tpu.vector_load %arg6[%swap3A_1503, %swap3A_1504, %swap3A_1505] {strides = array<i32>} : memref<3x1x128xi32, #tpu.memory_space<vmem>>, vector<1x1x16xi32>,
      %swap3A_1507 = vector.shape_cast %swap3A_1506 : vector<1x1x16xi32> to vector<16xi32>
      %swap3A_1508 = vector.shape_cast %sub3A_1500 : vector<16xi32> to vector<1x1x16xi32>
      tpu.vector_store %arg6[%swap3A_1503, %swap3A_1504, %swap3A_1505], %swap3A_1508 {strides = array<i32>} : memref<3x1x128xi32, #tpu.memory_space<vmem>>, vector<1x1x16xi32>,
      %add3A_1509 = arith.constant 48 : i32
      %add3A_1510 = arith.addi %mul3A_1421, %add3A_1509 : i32
      %get3A_1511 = arith.index_cast %add3A_1510 : i32 to index
      %get3A_1512 = tpu.vector_load %arg5[%get3A_1511] {strides = array<i32>} : memref<25600xf32, #tpu.memory_space<vmem>>, vector<16xf32>,
      %get3A_1513 = vector.shape_cast %get3A_1512 : vector<16xf32> to vector<16xf32>
      %max3A_1514 = arith.constant 2.000000e-04 : f32
      %max3A_1515 = vector.broadcast %max3A_1514 : f32 to vector<16xf32>
      %max3A_1516 = arith.maximumf %get3A_1513, %max3A_1515 : vector<16xf32>
      %mul3A_1517 = arith.constant 5.000000e+03 : f32
      %mul3A_1518 = vector.broadcast %mul3A_1517 : f32 to vector<16xf32>
      %mul3A_1519 = arith.mulf %max3A_1516, %mul3A_1518 : vector<16xf32>
      %add3A_1520 = arith.constant 0x4B400000 : f32
      %add3A_1521 = vector.broadcast %add3A_1520 : f32 to vector<16xf32>
      %add3A_1522 = arith.addf %mul3A_1519, %add3A_1521 : vector<16xf32>
      %sub3A_1523 = arith.constant 0x4B400000 : f32
      %sub3A_1524 = vector.broadcast %sub3A_1523 : f32 to vector<16xf32>
      %sub3A_1525 = arith.subf %add3A_1522, %sub3A_1524 : vector<16xf32>
      %convert_element_type3A_1526 = arith.fptosi %sub3A_1525 : vector<16xf32> to vector<16xi32>
      %sub3A_1527 = arith.constant 1 : i32
      %sub3A_1528 = vector.broadcast %sub3A_1527 : i32 to vector<16xi32>
      %sub3A_1529 = arith.subi %convert_element_type3A_1526, %sub3A_1528 : vector<16xi32>
      %swap3A_1530 = arith.constant 0 : i32
      %swap3A_1531 = arith.constant 0 : i32
      %swap3A_1532 = arith.index_cast %swap3A_1530 : i32 to index
      %swap3A_1533 = arith.index_cast %swap3A_1531 : i32 to index
      %swap3A_1534 = arith.constant 48 : index
      %swap3A_1535 = tpu.vector_load %arg6[%swap3A_1532, %swap3A_1533, %swap3A_1534] {strides = array<i32>} : memref<3x1x128xi32, #tpu.memory_space<vmem>>, vector<1x1x16xi32>,
      %swap3A_1536 = vector.shape_cast %swap3A_1535 : vector<1x1x16xi32> to vector<16xi32>
      %swap3A_1537 = vector.shape_cast %sub3A_1529 : vector<16xi32> to vector<1x1x16xi32>
      tpu.vector_store %arg6[%swap3A_1532, %swap3A_1533, %swap3A_1534], %swap3A_1537 {strides = array<i32>} : memref<3x1x128xi32, #tpu.memory_space<vmem>>, vector<1x1x16xi32>,
      %add3A_1538 = arith.constant 64 : i32
      %add3A_1539 = arith.addi %mul3A_1421, %add3A_1538 : i32
      %get3A_1540 = arith.index_cast %add3A_1539 : i32 to index
      %get3A_1541 = tpu.vector_load %arg5[%get3A_1540] {strides = array<i32>} : memref<25600xf32, #tpu.memory_space<vmem>>, vector<16xf32>,
      %get3A_1542 = vector.shape_cast %get3A_1541 : vector<16xf32> to vector<16xf32>
      %max3A_1543 = arith.constant 2.000000e-04 : f32
      %max3A_1544 = vector.broadcast %max3A_1543 : f32 to vector<16xf32>
      %max3A_1545 = arith.maximumf %get3A_1542, %max3A_1544 : vector<16xf32>
      %mul3A_1546 = arith.constant 5.000000e+03 : f32
      %mul3A_1547 = vector.broadcast %mul3A_1546 : f32 to vector<16xf32>
      %mul3A_1548 = arith.mulf %max3A_1545, %mul3A_1547 : vector<16xf32>
      %add3A_1549 = arith.constant 0x4B400000 : f32
      %add3A_1550 = vector.broadcast %add3A_1549 : f32 to vector<16xf32>
      %add3A_1551 = arith.addf %mul3A_1548, %add3A_1550 : vector<16xf32>
      %sub3A_1552 = arith.constant 0x4B400000 : f32
      %sub3A_1553 = vector.broadcast %sub3A_1552 : f32 to vector<16xf32>
      %sub3A_1554 = arith.subf %add3A_1551, %sub3A_1553 : vector<16xf32>
      %convert_element_type3A_1555 = arith.fptosi %sub3A_1554 : vector<16xf32> to vector<16xi32>
      %sub3A_1556 = arith.constant 1 : i32
      %sub3A_1557 = vector.broadcast %sub3A_1556 : i32 to vector<16xi32>
      %sub3A_1558 = arith.subi %convert_element_type3A_1555, %sub3A_1557 : vector<16xi32>
      %swap3A_1559 = arith.constant 0 : i32
      %swap3A_1560 = arith.constant 0 : i32
      %swap3A_1561 = arith.index_cast %swap3A_1559 : i32 to index
      %swap3A_1562 = arith.index_cast %swap3A_1560 : i32 to index
      %swap3A_1563 = arith.constant 64 : index
      %swap3A_1564 = tpu.vector_load %arg6[%swap3A_1561, %swap3A_1562, %swap3A_1563] {strides = array<i32>} : memref<3x1x128xi32, #tpu.memory_space<vmem>>, vector<1x1x16xi32>,
      %swap3A_1565 = vector.shape_cast %swap3A_1564 : vector<1x1x16xi32> to vector<16xi32>
      %swap3A_1566 = vector.shape_cast %sub3A_1558 : vector<16xi32> to vector<1x1x16xi32>
      tpu.vector_store %arg6[%swap3A_1561, %swap3A_1562, %swap3A_1563], %swap3A_1566 {strides = array<i32>} : memref<3x1x128xi32, #tpu.memory_space<vmem>>, vector<1x1x16xi32>,
      %add3A_1567 = arith.constant 80 : i32
      %add3A_1568 = arith.addi %mul3A_1421, %add3A_1567 : i32
      %get3A_1569 = arith.index_cast %add3A_1568 : i32 to index
      %get3A_1570 = tpu.vector_load %arg5[%get3A_1569] {strides = array<i32>} : memref<25600xf32, #tpu.memory_space<vmem>>, vector<16xf32>,
      %get3A_1571 = vector.shape_cast %get3A_1570 : vector<16xf32> to vector<16xf32>
      %max3A_1572 = arith.constant 2.000000e-04 : f32
      %max3A_1573 = vector.broadcast %max3A_1572 : f32 to vector<16xf32>
      %max3A_1574 = arith.maximumf %get3A_1571, %max3A_1573 : vector<16xf32>
      %mul3A_1575 = arith.constant 5.000000e+03 : f32
      %mul3A_1576 = vector.broadcast %mul3A_1575 : f32 to vector<16xf32>
      %mul3A_1577 = arith.mulf %max3A_1574, %mul3A_1576 : vector<16xf32>
      %add3A_1578 = arith.constant 0x4B400000 : f32
      %add3A_1579 = vector.broadcast %add3A_1578 : f32 to vector<16xf32>
      %add3A_1580 = arith.addf %mul3A_1577, %add3A_1579 : vector<16xf32>
      %sub3A_1581 = arith.constant 0x4B400000 : f32
      %sub3A_1582 = vector.broadcast %sub3A_1581 : f32 to vector<16xf32>
      %sub3A_1583 = arith.subf %add3A_1580, %sub3A_1582 : vector<16xf32>
      %convert_element_type3A_1584 = arith.fptosi %sub3A_1583 : vector<16xf32> to vector<16xi32>
      %sub3A_1585 = arith.constant 1 : i32
      %sub3A_1586 = vector.broadcast %sub3A_1585 : i32 to vector<16xi32>
      %sub3A_1587 = arith.subi %convert_element_type3A_1584, %sub3A_1586 : vector<16xi32>
      %swap3A_1588 = arith.constant 0 : i32
      %swap3A_1589 = arith.constant 0 : i32
      %swap3A_1590 = arith.index_cast %swap3A_1588 : i32 to index
      %swap3A_1591 = arith.index_cast %swap3A_1589 : i32 to index
      %swap3A_1592 = arith.constant 80 : index
      %swap3A_1593 = tpu.vector_load %arg6[%swap3A_1590, %swap3A_1591, %swap3A_1592] {strides = array<i32>} : memref<3x1x128xi32, #tpu.memory_space<vmem>>, vector<1x1x16xi32>,
      %swap3A_1594 = vector.shape_cast %swap3A_1593 : vector<1x1x16xi32> to vector<16xi32>
      %swap3A_1595 = vector.shape_cast %sub3A_1587 : vector<16xi32> to vector<1x1x16xi32>
      tpu.vector_store %arg6[%swap3A_1590, %swap3A_1591, %swap3A_1592], %swap3A_1595 {strides = array<i32>} : memref<3x1x128xi32, #tpu.memory_space<vmem>>, vector<1x1x16xi32>,
      %add3A_1596 = arith.constant 96 : i32
      %add3A_1597 = arith.addi %mul3A_1421, %add3A_1596 : i32
      %get3A_1598 = arith.index_cast %add3A_1597 : i32 to index
      %get3A_1599 = tpu.vector_load %arg5[%get3A_1598] {strides = array<i32>} : memref<25600xf32, #tpu.memory_space<vmem>>, vector<16xf32>,
      %get3A_1600 = vector.shape_cast %get3A_1599 : vector<16xf32> to vector<16xf32>
      %max3A_1601 = arith.constant 2.000000e-04 : f32
      %max3A_1602 = vector.broadcast %max3A_1601 : f32 to vector<16xf32>
      %max3A_1603 = arith.maximumf %get3A_1600, %max3A_1602 : vector<16xf32>
      %mul3A_1604 = arith.constant 5.000000e+03 : f32
      %mul3A_1605 = vector.broadcast %mul3A_1604 : f32 to vector<16xf32>
      %mul3A_1606 = arith.mulf %max3A_1603, %mul3A_1605 : vector<16xf32>
      %add3A_1607 = arith.constant 0x4B400000 : f32
      %add3A_1608 = vector.broadcast %add3A_1607 : f32 to vector<16xf32>
      %add3A_1609 = arith.addf %mul3A_1606, %add3A_1608 : vector<16xf32>
      %sub3A_1610 = arith.constant 0x4B400000 : f32
      %sub3A_1611 = vector.broadcast %sub3A_1610 : f32 to vector<16xf32>
      %sub3A_1612 = arith.subf %add3A_1609, %sub3A_1611 : vector<16xf32>
      %convert_element_type3A_1613 = arith.fptosi %sub3A_1612 : vector<16xf32> to vector<16xi32>
      %sub3A_1614 = arith.constant 1 : i32
      %sub3A_1615 = vector.broadcast %sub3A_1614 : i32 to vector<16xi32>
      %sub3A_1616 = arith.subi %convert_element_type3A_1613, %sub3A_1615 : vector<16xi32>
      %swap3A_1617 = arith.constant 0 : i32
      %swap3A_1618 = arith.constant 0 : i32
      %swap3A_1619 = arith.index_cast %swap3A_1617 : i32 to index
      %swap3A_1620 = arith.index_cast %swap3A_1618 : i32 to index
      %swap3A_1621 = arith.constant 96 : index
      %swap3A_1622 = tpu.vector_load %arg6[%swap3A_1619, %swap3A_1620, %swap3A_1621] {strides = array<i32>} : memref<3x1x128xi32, #tpu.memory_space<vmem>>, vector<1x1x16xi32>,
      %swap3A_1623 = vector.shape_cast %swap3A_1622 : vector<1x1x16xi32> to vector<16xi32>
      %swap3A_1624 = vector.shape_cast %sub3A_1616 : vector<16xi32> to vector<1x1x16xi32>
      tpu.vector_store %arg6[%swap3A_1619, %swap3A_1620, %swap3A_1621], %swap3A_1624 {strides = array<i32>} : memref<3x1x128xi32, #tpu.memory_space<vmem>>, vector<1x1x16xi32>,
      %add3A_1625 = arith.constant 112 : i32
      %add3A_1626 = arith.addi %mul3A_1421, %add3A_1625 : i32
      %get3A_1627 = arith.index_cast %add3A_1626 : i32 to index
      %get3A_1628 = tpu.vector_load %arg5[%get3A_1627] {strides = array<i32>} : memref<25600xf32, #tpu.memory_space<vmem>>, vector<16xf32>,
      %get3A_1629 = vector.shape_cast %get3A_1628 : vector<16xf32> to vector<16xf32>
      %max3A_1630 = arith.constant 2.000000e-04 : f32
      %max3A_1631 = vector.broadcast %max3A_1630 : f32 to vector<16xf32>
      %max3A_1632 = arith.maximumf %get3A_1629, %max3A_1631 : vector<16xf32>
      %mul3A_1633 = arith.constant 5.000000e+03 : f32
      %mul3A_1634 = vector.broadcast %mul3A_1633 : f32 to vector<16xf32>
      %mul3A_1635 = arith.mulf %max3A_1632, %mul3A_1634 : vector<16xf32>
      %add3A_1636 = arith.constant 0x4B400000 : f32
      %add3A_1637 = vector.broadcast %add3A_1636 : f32 to vector<16xf32>
      %add3A_1638 = arith.addf %mul3A_1635, %add3A_1637 : vector<16xf32>
      %sub3A_1639 = arith.constant 0x4B400000 : f32
      %sub3A_1640 = vector.broadcast %sub3A_1639 : f32 to vector<16xf32>
      %sub3A_1641 = arith.subf %add3A_1638, %sub3A_1640 : vector<16xf32>
      %convert_element_type3A_1642 = arith.fptosi %sub3A_1641 : vector<16xf32> to vector<16xi32>
      %sub3A_1643 = arith.constant 1 : i32
      %sub3A_1644 = vector.broadcast %sub3A_1643 : i32 to vector<16xi32>
      %sub3A_1645 = arith.subi %convert_element_type3A_1642, %sub3A_1644 : vector<16xi32>
      %swap3A_1646 = arith.constant 0 : i32
      %swap3A_1647 = arith.constant 0 : i32
      %swap3A_1648 = arith.index_cast %swap3A_1646 : i32 to index
      %swap3A_1649 = arith.index_cast %swap3A_1647 : i32 to index
      %swap3A_1650 = arith.constant 112 : index
      %swap3A_1651 = tpu.vector_load %arg6[%swap3A_1648, %swap3A_1649, %swap3A_1650] {strides = array<i32>} : memref<3x1x128xi32, #tpu.memory_space<vmem>>, vector<1x1x16xi32>,
      %swap3A_1652 = vector.shape_cast %swap3A_1651 : vector<1x1x16xi32> to vector<16xi32>
      %swap3A_1653 = vector.shape_cast %sub3A_1645 : vector<16xi32> to vector<1x1x16xi32>
      tpu.vector_store %arg6[%swap3A_1648, %swap3A_1649, %swap3A_1650], %swap3A_1653 {strides = array<i32>} : memref<3x1x128xi32, #tpu.memory_space<vmem>>, vector<1x1x16xi32>,
      %dma_start3A_1654 = arith.constant 0 : i32
      %dma_start3A_1655 = arith.constant 0 : i32
      %dma_start3A_1656 = arith.constant 0 : i32
      %dma_start3A_1657 = arith.constant 0 : i32
      %dma_start3A_1658 = arith.constant 0 : i32
      %dma_start3A_1659 = tpu.memref_slice %arg7[%dma_start3A_1656, %dma_start3A_1657, %dma_start3A_1658] : memref<3x128x128xf32, #tpu.memory_space<vmem>> -> memref<1x128x128xf32, #tpu.memory_space<vmem>>
      %dma_start3A_1660 = tpu.memref_squeeze %dma_start3A_1659 : memref<1x128x128xf32, #tpu.memory_space<vmem>> -> memref<128x128xf32, #tpu.memory_space<vmem>>
      %dma_start3A_1661 = arith.constant 0 : i32
      %dma_start3A_1662 = tpu.memref_slice %arg6[%dma_start3A_1654, %dma_start3A_1655, %dma_start3A_1661] : memref<3x1x128xi32, #tpu.memory_space<vmem>> -> memref<1x1x128xi32, #tpu.memory_space<vmem>>
      %dma_start3A_1663 = tpu.memref_squeeze %dma_start3A_1662 : memref<1x1x128xi32, #tpu.memory_space<vmem>> -> memref<128xi32, #tpu.memory_space<vmem>>
      %dma_start3A_1664 = arith.constant 0 : i32
      %dma_start3A_1665 = arith.constant 0 : i32
      %dma_start3A_1666 = tpu.memref_slice %arg3[%dma_start3A_1664, %dma_start3A_1665] : memref<5000x128xf32, #tpu.memory_space<hbm>> -> memref<5000x128xf32, #tpu.memory_space<hbm>>
      tpu.enqueue_indirect_dma source(%dma_start3A_1666 : memref<5000x128xf32, #tpu.memory_space<hbm>>) target(%dma_start3A_1660 : memref<128x128xf32, #tpu.memory_space<vmem>>) offsets(%dma_start3A_1663 : memref<128xi32, #tpu.memory_space<vmem>>) semaphore(%arg9 : memref<!tpu.dma_semaphore, #tpu.memory_space<semaphore_mem>>)
      %add3A_1667 = arith.constant 1 : i32
      %add3A_1668 = arith.addi %add3A_1368, %add3A_1667 : i32
      %dma_wait3A_1669 = arith.constant 0 : i32
      %dma_wait3A_1670 = arith.constant 0 : i32
      %dma_wait3A_1671 = arith.constant 0 : i32
      %dma_wait3A_1672 = arith.constant 0 : i32
      %dma_wait3A_1673 = arith.constant 0 : i32
      %dma_wait3A_1674 = tpu.memref_slice %arg7[%dma_wait3A_1671, %dma_wait3A_1672, %dma_wait3A_1673] : memref<3x128x128xf32, #tpu.memory_space<vmem>> -> memref<1x128x128xf32, #tpu.memory_space<vmem>>
      %dma_wait3A_1675 = tpu.memref_squeeze %dma_wait3A_1674 : memref<1x128x128xf32, #tpu.memory_space<vmem>> -> memref<128x128xf32, #tpu.memory_space<vmem>>
      %dma_wait3A_1676 = arith.constant 0 : i32
      %dma_wait3A_1677 = tpu.memref_slice %arg6[%dma_wait3A_1669, %dma_wait3A_1670, %dma_wait3A_1676] : memref<3x1x128xi32, #tpu.memory_space<vmem>> -> memref<1x1x128xi32, #tpu.memory_space<vmem>>
      %dma_wait3A_1678 = tpu.memref_squeeze %dma_wait3A_1677 : memref<1x1x128xi32, #tpu.memory_space<vmem>> -> memref<128xi32, #tpu.memory_space<vmem>>
      %dma_wait3A_1679 = arith.constant 0 : i32
      %dma_wait3A_1680 = arith.constant 0 : i32
      %dma_wait3A_1681 = tpu.memref_slice %arg3[%dma_wait3A_1679, %dma_wait3A_1680] : memref<5000x128xf32, #tpu.memory_space<hbm>> -> memref<5000x128xf32, #tpu.memory_space<hbm>>
      tpu.wait_indirect_dma semaphore(%arg9 : memref<!tpu.dma_semaphore, #tpu.memory_space<semaphore_mem>>) src(%dma_wait3A_1681 : memref<5000x128xf32, #tpu.memory_space<hbm>>) dst(%dma_wait3A_1675 : memref<128x128xf32, #tpu.memory_space<vmem>>)
      %mul3A_1682 = arith.constant 128 : i32
      %mul3A_1683 = arith.muli %add3A_1668, %mul3A_1682 : i32
      %add3A_1684 = arith.addi %mul3A_2, %mul3A_1683 : i32
      %dma_start3A_1685 = arith.constant 0 : i32
      %dma_start3A_1686 = arith.constant 0 : i32
      %dma_start3A_1687 = arith.constant 0 : i32
      %dma_start3A_1688 = tpu.memref_slice %arg7[%dma_start3A_1685, %dma_start3A_1686, %dma_start3A_1687] : memref<3x128x128xf32, #tpu.memory_space<vmem>> -> memref<1x128x128xf32, #tpu.memory_space<vmem>>
      %dma_start3A_1689 = tpu.memref_squeeze %dma_start3A_1688 : memref<1x128x128xf32, #tpu.memory_space<vmem>> -> memref<128x128xf32, #tpu.memory_space<vmem>>
      %dma_start3A_1690 = arith.constant 0 : i32
      %dma_start3A_1691 = tpu.memref_slice %arg4[%add3A_1684, %dma_start3A_1690] : memref<819200x128xf32, #tpu.memory_space<hbm>> -> memref<128x128xf32, #tpu.memory_space<hbm>>
      %dma_start3A_1692 = arith.constant 0 : i32
      %dma_start3A_1693 = tpu.memref_slice %arg4[%add3A_1684, %dma_start3A_1692] : memref<819200x128xf32, #tpu.memory_space<hbm>> -> memref<128x128xf32, #tpu.memory_space<hbm>>
      %dma_start3A_1694 = arith.constant 0 : i32
      %dma_start3A_1695 = arith.constant 0 : i32
      %dma_start3A_1696 = tpu.memref_slice %arg7[%dma_start3A_1685, %dma_start3A_1694, %dma_start3A_1695] : memref<3x128x128xf32, #tpu.memory_space<vmem>> -> memref<1x128x128xf32, #tpu.memory_space<vmem>>
      %dma_start3A_1697 = tpu.memref_squeeze %dma_start3A_1696 : memref<1x128x128xf32, #tpu.memory_space<vmem>> -> memref<128x128xf32, #tpu.memory_space<vmem>>
      tpu.enqueue_dma source(%dma_start3A_1697 : memref<128x128xf32, #tpu.memory_space<vmem>>) target(%dma_start3A_1693 : memref<128x128xf32, #tpu.memory_space<hbm>>) target_semaphore(%arg12 : memref<!tpu.dma_semaphore, #tpu.memory_space<semaphore_mem>>)
      %sub3A_1698 = arith.constant 2 : i32
      %sub3A_1699 = arith.subi %add3A_1668, %sub3A_1698 : i32
      %mul3A_1700 = arith.constant 128 : i32
      %mul3A_1701 = arith.muli %sub3A_1699, %mul3A_1700 : i32
      %add3A_1702 = arith.addi %mul3A_2, %mul3A_1701 : i32
      %dma_wait3A_1703 = arith.constant 1 : i32
      %dma_wait3A_1704 = arith.constant 0 : i32
      %dma_wait3A_1705 = arith.constant 0 : i32
      %dma_wait3A_1706 = tpu.memref_slice %arg7[%dma_wait3A_1703, %dma_wait3A_1704, %dma_wait3A_1705] : memref<3x128x128xf32, #tpu.memory_space<vmem>> -> memref<1x128x128xf32, #tpu.memory_space<vmem>>
      %dma_wait3A_1707 = tpu.memref_squeeze %dma_wait3A_1706 : memref<1x128x128xf32, #tpu.memory_space<vmem>> -> memref<128x128xf32, #tpu.memory_space<vmem>>
      %dma_wait3A_1708 = arith.constant 0 : i32
      %dma_wait3A_1709 = tpu.memref_slice %arg4[%add3A_1702, %dma_wait3A_1708] : memref<819200x128xf32, #tpu.memory_space<hbm>> -> memref<128x128xf32, #tpu.memory_space<hbm>>
      %dma_wait3A_1710 = arith.constant 0 : i32
      %dma_wait3A_1711 = tpu.memref_slice %arg4[%add3A_1702, %dma_wait3A_1710] : memref<819200x128xf32, #tpu.memory_space<hbm>> -> memref<128x128xf32, #tpu.memory_space<hbm>>
      %dma_wait3A_1712 = arith.constant 0 : i32
      %dma_wait3A_1713 = arith.constant 0 : i32
      %dma_wait3A_1714 = tpu.memref_slice %arg7[%dma_wait3A_1703, %dma_wait3A_1712, %dma_wait3A_1713] : memref<3x128x128xf32, #tpu.memory_space<vmem>> -> memref<1x128x128xf32, #tpu.memory_space<vmem>>
      %dma_wait3A_1715 = tpu.memref_squeeze %dma_wait3A_1714 : memref<1x128x128xf32, #tpu.memory_space<vmem>> -> memref<128x128xf32, #tpu.memory_space<vmem>>
      tpu.wait_dma2 semaphore(%arg13 : memref<!tpu.dma_semaphore, #tpu.memory_space<semaphore_mem>>) src(%dma_wait3A_1715 : memref<128x128xf32, #tpu.memory_space<vmem>>) dst(%dma_wait3A_1711 : memref<128x128xf32, #tpu.memory_space<hbm>>)
      %add3A_1716 = arith.constant 1 : i32
      %add3A_1717 = arith.addi %add3A_1668, %add3A_1716 : i32
      %mul3A_1718 = arith.constant 128 : i32
      %mul3A_1719 = arith.muli %add3A_1717, %mul3A_1718 : i32
      %add3A_1720 = arith.constant 0 : i32
      %add3A_1721 = arith.addi %mul3A_1719, %add3A_1720 : i32
      %get3A_1722 = arith.index_cast %add3A_1721 : i32 to index
      %get3A_1723 = tpu.vector_load %arg5[%get3A_1722] {strides = array<i32>} : memref<25600xf32, #tpu.memory_space<vmem>>, vector<16xf32>,
      %get3A_1724 = vector.shape_cast %get3A_1723 : vector<16xf32> to vector<16xf32>
      %max3A_1725 = arith.constant 2.000000e-04 : f32
      %max3A_1726 = vector.broadcast %max3A_1725 : f32 to vector<16xf32>
      %max3A_1727 = arith.maximumf %get3A_1724, %max3A_1726 : vector<16xf32>
      %mul3A_1728 = arith.constant 5.000000e+03 : f32
      %mul3A_1729 = vector.broadcast %mul3A_1728 : f32 to vector<16xf32>
      %mul3A_1730 = arith.mulf %max3A_1727, %mul3A_1729 : vector<16xf32>
      %add3A_1731 = arith.constant 0x4B400000 : f32
      %add3A_1732 = vector.broadcast %add3A_1731 : f32 to vector<16xf32>
      %add3A_1733 = arith.addf %mul3A_1730, %add3A_1732 : vector<16xf32>
      %sub3A_1734 = arith.constant 0x4B400000 : f32
      %sub3A_1735 = vector.broadcast %sub3A_1734 : f32 to vector<16xf32>
      %sub3A_1736 = arith.subf %add3A_1733, %sub3A_1735 : vector<16xf32>
      %convert_element_type3A_1737 = arith.fptosi %sub3A_1736 : vector<16xf32> to vector<16xi32>
      %sub3A_1738 = arith.constant 1 : i32
      %sub3A_1739 = vector.broadcast %sub3A_1738 : i32 to vector<16xi32>
      %sub3A_1740 = arith.subi %convert_element_type3A_1737, %sub3A_1739 : vector<16xi32>
      %swap3A_1741 = arith.constant 1 : i32
      %swap3A_1742 = arith.constant 0 : i32
      %swap3A_1743 = arith.index_cast %swap3A_1741 : i32 to index
      %swap3A_1744 = arith.index_cast %swap3A_1742 : i32 to index
      %swap3A_1745 = arith.constant 0 : index
      %swap3A_1746 = tpu.vector_load %arg6[%swap3A_1743, %swap3A_1744, %swap3A_1745] {strides = array<i32>} : memref<3x1x128xi32, #tpu.memory_space<vmem>>, vector<1x1x16xi32>,
      %swap3A_1747 = vector.shape_cast %swap3A_1746 : vector<1x1x16xi32> to vector<16xi32>
      %swap3A_1748 = vector.shape_cast %sub3A_1740 : vector<16xi32> to vector<1x1x16xi32>
      tpu.vector_store %arg6[%swap3A_1743, %swap3A_1744, %swap3A_1745], %swap3A_1748 {strides = array<i32>} : memref<3x1x128xi32, #tpu.memory_space<vmem>>, vector<1x1x16xi32>,
      %add3A_1749 = arith.constant 16 : i32
      %add3A_1750 = arith.addi %mul3A_1719, %add3A_1749 : i32
      %get3A_1751 = arith.index_cast %add3A_1750 : i32 to index
      %get3A_1752 = tpu.vector_load %arg5[%get3A_1751] {strides = array<i32>} : memref<25600xf32, #tpu.memory_space<vmem>>, vector<16xf32>,
      %get3A_1753 = vector.shape_cast %get3A_1752 : vector<16xf32> to vector<16xf32>
      %max3A_1754 = arith.constant 2.000000e-04 : f32
      %max3A_1755 = vector.broadcast %max3A_1754 : f32 to vector<16xf32>
      %max3A_1756 = arith.maximumf %get3A_1753, %max3A_1755 : vector<16xf32>
      %mul3A_1757 = arith.constant 5.000000e+03 : f32
      %mul3A_1758 = vector.broadcast %mul3A_1757 : f32 to vector<16xf32>
      %mul3A_1759 = arith.mulf %max3A_1756, %mul3A_1758 : vector<16xf32>
      %add3A_1760 = arith.constant 0x4B400000 : f32
      %add3A_1761 = vector.broadcast %add3A_1760 : f32 to vector<16xf32>
      %add3A_1762 = arith.addf %mul3A_1759, %add3A_1761 : vector<16xf32>
      %sub3A_1763 = arith.constant 0x4B400000 : f32
      %sub3A_1764 = vector.broadcast %sub3A_1763 : f32 to vector<16xf32>
      %sub3A_1765 = arith.subf %add3A_1762, %sub3A_1764 : vector<16xf32>
      %convert_element_type3A_1766 = arith.fptosi %sub3A_1765 : vector<16xf32> to vector<16xi32>
      %sub3A_1767 = arith.constant 1 : i32
      %sub3A_1768 = vector.broadcast %sub3A_1767 : i32 to vector<16xi32>
      %sub3A_1769 = arith.subi %convert_element_type3A_1766, %sub3A_1768 : vector<16xi32>
      %swap3A_1770 = arith.constant 1 : i32
      %swap3A_1771 = arith.constant 0 : i32
      %swap3A_1772 = arith.index_cast %swap3A_1770 : i32 to index
      %swap3A_1773 = arith.index_cast %swap3A_1771 : i32 to index
      %swap3A_1774 = arith.constant 16 : index
      %swap3A_1775 = tpu.vector_load %arg6[%swap3A_1772, %swap3A_1773, %swap3A_1774] {strides = array<i32>} : memref<3x1x128xi32, #tpu.memory_space<vmem>>, vector<1x1x16xi32>,
      %swap3A_1776 = vector.shape_cast %swap3A_1775 : vector<1x1x16xi32> to vector<16xi32>
      %swap3A_1777 = vector.shape_cast %sub3A_1769 : vector<16xi32> to vector<1x1x16xi32>
      tpu.vector_store %arg6[%swap3A_1772, %swap3A_1773, %swap3A_1774], %swap3A_1777 {strides = array<i32>} : memref<3x1x128xi32, #tpu.memory_space<vmem>>, vector<1x1x16xi32>,
      %add3A_1778 = arith.constant 32 : i32
      %add3A_1779 = arith.addi %mul3A_1719, %add3A_1778 : i32
      %get3A_1780 = arith.index_cast %add3A_1779 : i32 to index
      %get3A_1781 = tpu.vector_load %arg5[%get3A_1780] {strides = array<i32>} : memref<25600xf32, #tpu.memory_space<vmem>>, vector<16xf32>,
      %get3A_1782 = vector.shape_cast %get3A_1781 : vector<16xf32> to vector<16xf32>
      %max3A_1783 = arith.constant 2.000000e-04 : f32
      %max3A_1784 = vector.broadcast %max3A_1783 : f32 to vector<16xf32>
      %max3A_1785 = arith.maximumf %get3A_1782, %max3A_1784 : vector<16xf32>
      %mul3A_1786 = arith.constant 5.000000e+03 : f32
      %mul3A_1787 = vector.broadcast %mul3A_1786 : f32 to vector<16xf32>
      %mul3A_1788 = arith.mulf %max3A_1785, %mul3A_1787 : vector<16xf32>
      %add3A_1789 = arith.constant 0x4B400000 : f32
      %add3A_1790 = vector.broadcast %add3A_1789 : f32 to vector<16xf32>
      %add3A_1791 = arith.addf %mul3A_1788, %add3A_1790 : vector<16xf32>
      %sub3A_1792 = arith.constant 0x4B400000 : f32
      %sub3A_1793 = vector.broadcast %sub3A_1792 : f32 to vector<16xf32>
      %sub3A_1794 = arith.subf %add3A_1791, %sub3A_1793 : vector<16xf32>
      %convert_element_type3A_1795 = arith.fptosi %sub3A_1794 : vector<16xf32> to vector<16xi32>
      %sub3A_1796 = arith.constant 1 : i32
      %sub3A_1797 = vector.broadcast %sub3A_1796 : i32 to vector<16xi32>
      %sub3A_1798 = arith.subi %convert_element_type3A_1795, %sub3A_1797 : vector<16xi32>
      %swap3A_1799 = arith.constant 1 : i32
      %swap3A_1800 = arith.constant 0 : i32
      %swap3A_1801 = arith.index_cast %swap3A_1799 : i32 to index
      %swap3A_1802 = arith.index_cast %swap3A_1800 : i32 to index
      %swap3A_1803 = arith.constant 32 : index
      %swap3A_1804 = tpu.vector_load %arg6[%swap3A_1801, %swap3A_1802, %swap3A_1803] {strides = array<i32>} : memref<3x1x128xi32, #tpu.memory_space<vmem>>, vector<1x1x16xi32>,
      %swap3A_1805 = vector.shape_cast %swap3A_1804 : vector<1x1x16xi32> to vector<16xi32>
      %swap3A_1806 = vector.shape_cast %sub3A_1798 : vector<16xi32> to vector<1x1x16xi32>
      tpu.vector_store %arg6[%swap3A_1801, %swap3A_1802, %swap3A_1803], %swap3A_1806 {strides = array<i32>} : memref<3x1x128xi32, #tpu.memory_space<vmem>>, vector<1x1x16xi32>,
      %add3A_1807 = arith.constant 48 : i32
      %add3A_1808 = arith.addi %mul3A_1719, %add3A_1807 : i32
      %get3A_1809 = arith.index_cast %add3A_1808 : i32 to index
      %get3A_1810 = tpu.vector_load %arg5[%get3A_1809] {strides = array<i32>} : memref<25600xf32, #tpu.memory_space<vmem>>, vector<16xf32>,
      %get3A_1811 = vector.shape_cast %get3A_1810 : vector<16xf32> to vector<16xf32>
      %max3A_1812 = arith.constant 2.000000e-04 : f32
      %max3A_1813 = vector.broadcast %max3A_1812 : f32 to vector<16xf32>
      %max3A_1814 = arith.maximumf %get3A_1811, %max3A_1813 : vector<16xf32>
      %mul3A_1815 = arith.constant 5.000000e+03 : f32
      %mul3A_1816 = vector.broadcast %mul3A_1815 : f32 to vector<16xf32>
      %mul3A_1817 = arith.mulf %max3A_1814, %mul3A_1816 : vector<16xf32>
      %add3A_1818 = arith.constant 0x4B400000 : f32
      %add3A_1819 = vector.broadcast %add3A_1818 : f32 to vector<16xf32>
      %add3A_1820 = arith.addf %mul3A_1817, %add3A_1819 : vector<16xf32>
      %sub3A_1821 = arith.constant 0x4B400000 : f32
      %sub3A_1822 = vector.broadcast %sub3A_1821 : f32 to vector<16xf32>
      %sub3A_1823 = arith.subf %add3A_1820, %sub3A_1822 : vector<16xf32>
      %convert_element_type3A_1824 = arith.fptosi %sub3A_1823 : vector<16xf32> to vector<16xi32>
      %sub3A_1825 = arith.constant 1 : i32
      %sub3A_1826 = vector.broadcast %sub3A_1825 : i32 to vector<16xi32>
      %sub3A_1827 = arith.subi %convert_element_type3A_1824, %sub3A_1826 : vector<16xi32>
      %swap3A_1828 = arith.constant 1 : i32
      %swap3A_1829 = arith.constant 0 : i32
      %swap3A_1830 = arith.index_cast %swap3A_1828 : i32 to index
      %swap3A_1831 = arith.index_cast %swap3A_1829 : i32 to index
      %swap3A_1832 = arith.constant 48 : index
      %swap3A_1833 = tpu.vector_load %arg6[%swap3A_1830, %swap3A_1831, %swap3A_1832] {strides = array<i32>} : memref<3x1x128xi32, #tpu.memory_space<vmem>>, vector<1x1x16xi32>,
      %swap3A_1834 = vector.shape_cast %swap3A_1833 : vector<1x1x16xi32> to vector<16xi32>
      %swap3A_1835 = vector.shape_cast %sub3A_1827 : vector<16xi32> to vector<1x1x16xi32>
      tpu.vector_store %arg6[%swap3A_1830, %swap3A_1831, %swap3A_1832], %swap3A_1835 {strides = array<i32>} : memref<3x1x128xi32, #tpu.memory_space<vmem>>, vector<1x1x16xi32>,
      %add3A_1836 = arith.constant 64 : i32
      %add3A_1837 = arith.addi %mul3A_1719, %add3A_1836 : i32
      %get3A_1838 = arith.index_cast %add3A_1837 : i32 to index
      %get3A_1839 = tpu.vector_load %arg5[%get3A_1838] {strides = array<i32>} : memref<25600xf32, #tpu.memory_space<vmem>>, vector<16xf32>,
      %get3A_1840 = vector.shape_cast %get3A_1839 : vector<16xf32> to vector<16xf32>
      %max3A_1841 = arith.constant 2.000000e-04 : f32
      %max3A_1842 = vector.broadcast %max3A_1841 : f32 to vector<16xf32>
      %max3A_1843 = arith.maximumf %get3A_1840, %max3A_1842 : vector<16xf32>
      %mul3A_1844 = arith.constant 5.000000e+03 : f32
      %mul3A_1845 = vector.broadcast %mul3A_1844 : f32 to vector<16xf32>
      %mul3A_1846 = arith.mulf %max3A_1843, %mul3A_1845 : vector<16xf32>
      %add3A_1847 = arith.constant 0x4B400000 : f32
      %add3A_1848 = vector.broadcast %add3A_1847 : f32 to vector<16xf32>
      %add3A_1849 = arith.addf %mul3A_1846, %add3A_1848 : vector<16xf32>
      %sub3A_1850 = arith.constant 0x4B400000 : f32
      %sub3A_1851 = vector.broadcast %sub3A_1850 : f32 to vector<16xf32>
      %sub3A_1852 = arith.subf %add3A_1849, %sub3A_1851 : vector<16xf32>
      %convert_element_type3A_1853 = arith.fptosi %sub3A_1852 : vector<16xf32> to vector<16xi32>
      %sub3A_1854 = arith.constant 1 : i32
      %sub3A_1855 = vector.broadcast %sub3A_1854 : i32 to vector<16xi32>
      %sub3A_1856 = arith.subi %convert_element_type3A_1853, %sub3A_1855 : vector<16xi32>
      %swap3A_1857 = arith.constant 1 : i32
      %swap3A_1858 = arith.constant 0 : i32
      %swap3A_1859 = arith.index_cast %swap3A_1857 : i32 to index
      %swap3A_1860 = arith.index_cast %swap3A_1858 : i32 to index
      %swap3A_1861 = arith.constant 64 : index
      %swap3A_1862 = tpu.vector_load %arg6[%swap3A_1859, %swap3A_1860, %swap3A_1861] {strides = array<i32>} : memref<3x1x128xi32, #tpu.memory_space<vmem>>, vector<1x1x16xi32>,
      %swap3A_1863 = vector.shape_cast %swap3A_1862 : vector<1x1x16xi32> to vector<16xi32>
      %swap3A_1864 = vector.shape_cast %sub3A_1856 : vector<16xi32> to vector<1x1x16xi32>
      tpu.vector_store %arg6[%swap3A_1859, %swap3A_1860, %swap3A_1861], %swap3A_1864 {strides = array<i32>} : memref<3x1x128xi32, #tpu.memory_space<vmem>>, vector<1x1x16xi32>,
      %add3A_1865 = arith.constant 80 : i32
      %add3A_1866 = arith.addi %mul3A_1719, %add3A_1865 : i32
      %get3A_1867 = arith.index_cast %add3A_1866 : i32 to index
      %get3A_1868 = tpu.vector_load %arg5[%get3A_1867] {strides = array<i32>} : memref<25600xf32, #tpu.memory_space<vmem>>, vector<16xf32>,
      %get3A_1869 = vector.shape_cast %get3A_1868 : vector<16xf32> to vector<16xf32>
      %max3A_1870 = arith.constant 2.000000e-04 : f32
      %max3A_1871 = vector.broadcast %max3A_1870 : f32 to vector<16xf32>
      %max3A_1872 = arith.maximumf %get3A_1869, %max3A_1871 : vector<16xf32>
      %mul3A_1873 = arith.constant 5.000000e+03 : f32
      %mul3A_1874 = vector.broadcast %mul3A_1873 : f32 to vector<16xf32>
      %mul3A_1875 = arith.mulf %max3A_1872, %mul3A_1874 : vector<16xf32>
      %add3A_1876 = arith.constant 0x4B400000 : f32
      %add3A_1877 = vector.broadcast %add3A_1876 : f32 to vector<16xf32>
      %add3A_1878 = arith.addf %mul3A_1875, %add3A_1877 : vector<16xf32>
      %sub3A_1879 = arith.constant 0x4B400000 : f32
      %sub3A_1880 = vector.broadcast %sub3A_1879 : f32 to vector<16xf32>
      %sub3A_1881 = arith.subf %add3A_1878, %sub3A_1880 : vector<16xf32>
      %convert_element_type3A_1882 = arith.fptosi %sub3A_1881 : vector<16xf32> to vector<16xi32>
      %sub3A_1883 = arith.constant 1 : i32
      %sub3A_1884 = vector.broadcast %sub3A_1883 : i32 to vector<16xi32>
      %sub3A_1885 = arith.subi %convert_element_type3A_1882, %sub3A_1884 : vector<16xi32>
      %swap3A_1886 = arith.constant 1 : i32
      %swap3A_1887 = arith.constant 0 : i32
      %swap3A_1888 = arith.index_cast %swap3A_1886 : i32 to index
      %swap3A_1889 = arith.index_cast %swap3A_1887 : i32 to index
      %swap3A_1890 = arith.constant 80 : index
      %swap3A_1891 = tpu.vector_load %arg6[%swap3A_1888, %swap3A_1889, %swap3A_1890] {strides = array<i32>} : memref<3x1x128xi32, #tpu.memory_space<vmem>>, vector<1x1x16xi32>,
      %swap3A_1892 = vector.shape_cast %swap3A_1891 : vector<1x1x16xi32> to vector<16xi32>
      %swap3A_1893 = vector.shape_cast %sub3A_1885 : vector<16xi32> to vector<1x1x16xi32>
      tpu.vector_store %arg6[%swap3A_1888, %swap3A_1889, %swap3A_1890], %swap3A_1893 {strides = array<i32>} : memref<3x1x128xi32, #tpu.memory_space<vmem>>, vector<1x1x16xi32>,
      %add3A_1894 = arith.constant 96 : i32
      %add3A_1895 = arith.addi %mul3A_1719, %add3A_1894 : i32
      %get3A_1896 = arith.index_cast %add3A_1895 : i32 to index
      %get3A_1897 = tpu.vector_load %arg5[%get3A_1896] {strides = array<i32>} : memref<25600xf32, #tpu.memory_space<vmem>>, vector<16xf32>,
      %get3A_1898 = vector.shape_cast %get3A_1897 : vector<16xf32> to vector<16xf32>
      %max3A_1899 = arith.constant 2.000000e-04 : f32
      %max3A_1900 = vector.broadcast %max3A_1899 : f32 to vector<16xf32>
      %max3A_1901 = arith.maximumf %get3A_1898, %max3A_1900 : vector<16xf32>
      %mul3A_1902 = arith.constant 5.000000e+03 : f32
      %mul3A_1903 = vector.broadcast %mul3A_1902 : f32 to vector<16xf32>
      %mul3A_1904 = arith.mulf %max3A_1901, %mul3A_1903 : vector<16xf32>
      %add3A_1905 = arith.constant 0x4B400000 : f32
      %add3A_1906 = vector.broadcast %add3A_1905 : f32 to vector<16xf32>
      %add3A_1907 = arith.addf %mul3A_1904, %add3A_1906 : vector<16xf32>
      %sub3A_1908 = arith.constant 0x4B400000 : f32
      %sub3A_1909 = vector.broadcast %sub3A_1908 : f32 to vector<16xf32>
      %sub3A_1910 = arith.subf %add3A_1907, %sub3A_1909 : vector<16xf32>
      %convert_element_type3A_1911 = arith.fptosi %sub3A_1910 : vector<16xf32> to vector<16xi32>
      %sub3A_1912 = arith.constant 1 : i32
      %sub3A_1913 = vector.broadcast %sub3A_1912 : i32 to vector<16xi32>
      %sub3A_1914 = arith.subi %convert_element_type3A_1911, %sub3A_1913 : vector<16xi32>
      %swap3A_1915 = arith.constant 1 : i32
      %swap3A_1916 = arith.constant 0 : i32
      %swap3A_1917 = arith.index_cast %swap3A_1915 : i32 to index
      %swap3A_1918 = arith.index_cast %swap3A_1916 : i32 to index
      %swap3A_1919 = arith.constant 96 : index
      %swap3A_1920 = tpu.vector_load %arg6[%swap3A_1917, %swap3A_1918, %swap3A_1919] {strides = array<i32>} : memref<3x1x128xi32, #tpu.memory_space<vmem>>, vector<1x1x16xi32>,
      %swap3A_1921 = vector.shape_cast %swap3A_1920 : vector<1x1x16xi32> to vector<16xi32>
      %swap3A_1922 = vector.shape_cast %sub3A_1914 : vector<16xi32> to vector<1x1x16xi32>
      tpu.vector_store %arg6[%swap3A_1917, %swap3A_1918, %swap3A_1919], %swap3A_1922 {strides = array<i32>} : memref<3x1x128xi32, #tpu.memory_space<vmem>>, vector<1x1x16xi32>,
      %add3A_1923 = arith.constant 112 : i32
      %add3A_1924 = arith.addi %mul3A_1719, %add3A_1923 : i32
      %get3A_1925 = arith.index_cast %add3A_1924 : i32 to index
      %get3A_1926 = tpu.vector_load %arg5[%get3A_1925] {strides = array<i32>} : memref<25600xf32, #tpu.memory_space<vmem>>, vector<16xf32>,
      %get3A_1927 = vector.shape_cast %get3A_1926 : vector<16xf32> to vector<16xf32>
      %max3A_1928 = arith.constant 2.000000e-04 : f32
      %max3A_1929 = vector.broadcast %max3A_1928 : f32 to vector<16xf32>
      %max3A_1930 = arith.maximumf %get3A_1927, %max3A_1929 : vector<16xf32>
      %mul3A_1931 = arith.constant 5.000000e+03 : f32
      %mul3A_1932 = vector.broadcast %mul3A_1931 : f32 to vector<16xf32>
      %mul3A_1933 = arith.mulf %max3A_1930, %mul3A_1932 : vector<16xf32>
      %add3A_1934 = arith.constant 0x4B400000 : f32
      %add3A_1935 = vector.broadcast %add3A_1934 : f32 to vector<16xf32>
      %add3A_1936 = arith.addf %mul3A_1933, %add3A_1935 : vector<16xf32>
      %sub3A_1937 = arith.constant 0x4B400000 : f32
      %sub3A_1938 = vector.broadcast %sub3A_1937 : f32 to vector<16xf32>
      %sub3A_1939 = arith.subf %add3A_1936, %sub3A_1938 : vector<16xf32>
      %convert_element_type3A_1940 = arith.fptosi %sub3A_1939 : vector<16xf32> to vector<16xi32>
      %sub3A_1941 = arith.constant 1 : i32
      %sub3A_1942 = vector.broadcast %sub3A_1941 : i32 to vector<16xi32>
      %sub3A_1943 = arith.subi %convert_element_type3A_1940, %sub3A_1942 : vector<16xi32>
      %swap3A_1944 = arith.constant 1 : i32
      %swap3A_1945 = arith.constant 0 : i32
      %swap3A_1946 = arith.index_cast %swap3A_1944 : i32 to index
      %swap3A_1947 = arith.index_cast %swap3A_1945 : i32 to index
      %swap3A_1948 = arith.constant 112 : index
      %swap3A_1949 = tpu.vector_load %arg6[%swap3A_1946, %swap3A_1947, %swap3A_1948] {strides = array<i32>} : memref<3x1x128xi32, #tpu.memory_space<vmem>>, vector<1x1x16xi32>,
      %swap3A_1950 = vector.shape_cast %swap3A_1949 : vector<1x1x16xi32> to vector<16xi32>
      %swap3A_1951 = vector.shape_cast %sub3A_1943 : vector<16xi32> to vector<1x1x16xi32>
      tpu.vector_store %arg6[%swap3A_1946, %swap3A_1947, %swap3A_1948], %swap3A_1951 {strides = array<i32>} : memref<3x1x128xi32, #tpu.memory_space<vmem>>, vector<1x1x16xi32>,
      %dma_start3A_1952 = arith.constant 1 : i32
      %dma_start3A_1953 = arith.constant 0 : i32
      %dma_start3A_1954 = arith.constant 1 : i32
      %dma_start3A_1955 = arith.constant 0 : i32
      %dma_start3A_1956 = arith.constant 0 : i32
      %dma_start3A_1957 = tpu.memref_slice %arg7[%dma_start3A_1954, %dma_start3A_1955, %dma_start3A_1956] : memref<3x128x128xf32, #tpu.memory_space<vmem>> -> memref<1x128x128xf32, #tpu.memory_space<vmem>>
      %dma_start3A_1958 = tpu.memref_squeeze %dma_start3A_1957 : memref<1x128x128xf32, #tpu.memory_space<vmem>> -> memref<128x128xf32, #tpu.memory_space<vmem>>
      %dma_start3A_1959 = arith.constant 0 : i32
      %dma_start3A_1960 = tpu.memref_slice %arg6[%dma_start3A_1952, %dma_start3A_1953, %dma_start3A_1959] : memref<3x1x128xi32, #tpu.memory_space<vmem>> -> memref<1x1x128xi32, #tpu.memory_space<vmem>>
      %dma_start3A_1961 = tpu.memref_squeeze %dma_start3A_1960 : memref<1x1x128xi32, #tpu.memory_space<vmem>> -> memref<128xi32, #tpu.memory_space<vmem>>
      %dma_start3A_1962 = arith.constant 0 : i32
      %dma_start3A_1963 = arith.constant 0 : i32
      %dma_start3A_1964 = tpu.memref_slice %arg3[%dma_start3A_1962, %dma_start3A_1963] : memref<5000x128xf32, #tpu.memory_space<hbm>> -> memref<5000x128xf32, #tpu.memory_space<hbm>>
      tpu.enqueue_indirect_dma source(%dma_start3A_1964 : memref<5000x128xf32, #tpu.memory_space<hbm>>) target(%dma_start3A_1958 : memref<128x128xf32, #tpu.memory_space<vmem>>) offsets(%dma_start3A_1961 : memref<128xi32, #tpu.memory_space<vmem>>) semaphore(%arg10 : memref<!tpu.dma_semaphore, #tpu.memory_space<semaphore_mem>>)
      %add3A_1965 = arith.constant 2 : i32
      %add3A_1966 = arith.addi %add3A_1368, %add3A_1965 : i32
      %dma_wait3A_1967 = arith.constant 1 : i32
      %dma_wait3A_1968 = arith.constant 0 : i32
      %dma_wait3A_1969 = arith.constant 1 : i32
      %dma_wait3A_1970 = arith.constant 0 : i32
      %dma_wait3A_1971 = arith.constant 0 : i32
      %dma_wait3A_1972 = tpu.memref_slice %arg7[%dma_wait3A_1969, %dma_wait3A_1970, %dma_wait3A_1971] : memref<3x128x128xf32, #tpu.memory_space<vmem>> -> memref<1x128x128xf32, #tpu.memory_space<vmem>>
      %dma_wait3A_1973 = tpu.memref_squeeze %dma_wait3A_1972 : memref<1x128x128xf32, #tpu.memory_space<vmem>> -> memref<128x128xf32, #tpu.memory_space<vmem>>
      %dma_wait3A_1974 = arith.constant 0 : i32
      %dma_wait3A_1975 = tpu.memref_slice %arg6[%dma_wait3A_1967, %dma_wait3A_1968, %dma_wait3A_1974] : memref<3x1x128xi32, #tpu.memory_space<vmem>> -> memref<1x1x128xi32, #tpu.memory_space<vmem>>
      %dma_wait3A_1976 = tpu.memref_squeeze %dma_wait3A_1975 : memref<1x1x128xi32, #tpu.memory_space<vmem>> -> memref<128xi32, #tpu.memory_space<vmem>>
      %dma_wait3A_1977 = arith.constant 0 : i32
      %dma_wait3A_1978 = arith.constant 0 : i32
      %dma_wait3A_1979 = tpu.memref_slice %arg3[%dma_wait3A_1977, %dma_wait3A_1978] : memref<5000x128xf32, #tpu.memory_space<hbm>> -> memref<5000x128xf32, #tpu.memory_space<hbm>>
      tpu.wait_indirect_dma semaphore(%arg10 : memref<!tpu.dma_semaphore, #tpu.memory_space<semaphore_mem>>) src(%dma_wait3A_1979 : memref<5000x128xf32, #tpu.memory_space<hbm>>) dst(%dma_wait3A_1973 : memref<128x128xf32, #tpu.memory_space<vmem>>)
      %mul3A_1980 = arith.constant 128 : i32
      %mul3A_1981 = arith.muli %add3A_1966, %mul3A_1980 : i32
      %add3A_1982 = arith.addi %mul3A_2, %mul3A_1981 : i32
      %dma_start3A_1983 = arith.constant 1 : i32
      %dma_start3A_1984 = arith.constant 0 : i32
      %dma_start3A_1985 = arith.constant 0 : i32
      %dma_start3A_1986 = tpu.memref_slice %arg7[%dma_start3A_1983, %dma_start3A_1984, %dma_start3A_1985] : memref<3x128x128xf32, #tpu.memory_space<vmem>> -> memref<1x128x128xf32, #tpu.memory_space<vmem>>
      %dma_start3A_1987 = tpu.memref_squeeze %dma_start3A_1986 : memref<1x128x128xf32, #tpu.memory_space<vmem>> -> memref<128x128xf32, #tpu.memory_space<vmem>>
      %dma_start3A_1988 = arith.constant 0 : i32
      %dma_start3A_1989 = tpu.memref_slice %arg4[%add3A_1982, %dma_start3A_1988] : memref<819200x128xf32, #tpu.memory_space<hbm>> -> memref<128x128xf32, #tpu.memory_space<hbm>>
      %dma_start3A_1990 = arith.constant 0 : i32
      %dma_start3A_1991 = tpu.memref_slice %arg4[%add3A_1982, %dma_start3A_1990] : memref<819200x128xf32, #tpu.memory_space<hbm>> -> memref<128x128xf32, #tpu.memory_space<hbm>>
      %dma_start3A_1992 = arith.constant 0 : i32
      %dma_start3A_1993 = arith.constant 0 : i32
      %dma_start3A_1994 = tpu.memref_slice %arg7[%dma_start3A_1983, %dma_start3A_1992, %dma_start3A_1993] : memref<3x128x128xf32, #tpu.memory_space<vmem>> -> memref<1x128x128xf32, #tpu.memory_space<vmem>>
      %dma_start3A_1995 = tpu.memref_squeeze %dma_start3A_1994 : memref<1x128x128xf32, #tpu.memory_space<vmem>> -> memref<128x128xf32, #tpu.memory_space<vmem>>
      tpu.enqueue_dma source(%dma_start3A_1995 : memref<128x128xf32, #tpu.memory_space<vmem>>) target(%dma_start3A_1991 : memref<128x128xf32, #tpu.memory_space<hbm>>) target_semaphore(%arg13 : memref<!tpu.dma_semaphore, #tpu.memory_space<semaphore_mem>>)
      %sub3A_1996 = arith.constant 2 : i32
      %sub3A_1997 = arith.subi %add3A_1966, %sub3A_1996 : i32
      %mul3A_1998 = arith.constant 128 : i32
      %mul3A_1999 = arith.muli %sub3A_1997, %mul3A_1998 : i32
      %add3A_2000 = arith.addi %mul3A_2, %mul3A_1999 : i32
      %dma_wait3A_2001 = arith.constant 2 : i32
      %dma_wait3A_2002 = arith.constant 0 : i32
      %dma_wait3A_2003 = arith.constant 0 : i32
      %dma_wait3A_2004 = tpu.memref_slice %arg7[%dma_wait3A_2001, %dma_wait3A_2002, %dma_wait3A_2003] : memref<3x128x128xf32, #tpu.memory_space<vmem>> -> memref<1x128x128xf32, #tpu.memory_space<vmem>>
      %dma_wait3A_2005 = tpu.memref_squeeze %dma_wait3A_2004 : memref<1x128x128xf32, #tpu.memory_space<vmem>> -> memref<128x128xf32, #tpu.memory_space<vmem>>
      %dma_wait3A_2006 = arith.constant 0 : i32
      %dma_wait3A_2007 = tpu.memref_slice %arg4[%add3A_2000, %dma_wait3A_2006] : memref<819200x128xf32, #tpu.memory_space<hbm>> -> memref<128x128xf32, #tpu.memory_space<hbm>>
      %dma_wait3A_2008 = arith.constant 0 : i32
      %dma_wait3A_2009 = tpu.memref_slice %arg4[%add3A_2000, %dma_wait3A_2008] : memref<819200x128xf32, #tpu.memory_space<hbm>> -> memref<128x128xf32, #tpu.memory_space<hbm>>
      %dma_wait3A_2010 = arith.constant 0 : i32
      %dma_wait3A_2011 = arith.constant 0 : i32
      %dma_wait3A_2012 = tpu.memref_slice %arg7[%dma_wait3A_2001, %dma_wait3A_2010, %dma_wait3A_2011] : memref<3x128x128xf32, #tpu.memory_space<vmem>> -> memref<1x128x128xf32, #tpu.memory_space<vmem>>
      %dma_wait3A_2013 = tpu.memref_squeeze %dma_wait3A_2012 : memref<1x128x128xf32, #tpu.memory_space<vmem>> -> memref<128x128xf32, #tpu.memory_space<vmem>>
      tpu.wait_dma2 semaphore(%arg14 : memref<!tpu.dma_semaphore, #tpu.memory_space<semaphore_mem>>) src(%dma_wait3A_2013 : memref<128x128xf32, #tpu.memory_space<vmem>>) dst(%dma_wait3A_2009 : memref<128x128xf32, #tpu.memory_space<hbm>>)
      %add3A_2014 = arith.constant 1 : i32
      %add3A_2015 = arith.addi %add3A_1966, %add3A_2014 : i32
      %mul3A_2016 = arith.constant 128 : i32
      %mul3A_2017 = arith.muli %add3A_2015, %mul3A_2016 : i32
      %add3A_2018 = arith.constant 0 : i32
      %add3A_2019 = arith.addi %mul3A_2017, %add3A_2018 : i32
      %get3A_2020 = arith.index_cast %add3A_2019 : i32 to index
      %get3A_2021 = tpu.vector_load %arg5[%get3A_2020] {strides = array<i32>} : memref<25600xf32, #tpu.memory_space<vmem>>, vector<16xf32>,
      %get3A_2022 = vector.shape_cast %get3A_2021 : vector<16xf32> to vector<16xf32>
      %max3A_2023 = arith.constant 2.000000e-04 : f32
      %max3A_2024 = vector.broadcast %max3A_2023 : f32 to vector<16xf32>
      %max3A_2025 = arith.maximumf %get3A_2022, %max3A_2024 : vector<16xf32>
      %mul3A_2026 = arith.constant 5.000000e+03 : f32
      %mul3A_2027 = vector.broadcast %mul3A_2026 : f32 to vector<16xf32>
      %mul3A_2028 = arith.mulf %max3A_2025, %mul3A_2027 : vector<16xf32>
      %add3A_2029 = arith.constant 0x4B400000 : f32
      %add3A_2030 = vector.broadcast %add3A_2029 : f32 to vector<16xf32>
      %add3A_2031 = arith.addf %mul3A_2028, %add3A_2030 : vector<16xf32>
      %sub3A_2032 = arith.constant 0x4B400000 : f32
      %sub3A_2033 = vector.broadcast %sub3A_2032 : f32 to vector<16xf32>
      %sub3A_2034 = arith.subf %add3A_2031, %sub3A_2033 : vector<16xf32>
      %convert_element_type3A_2035 = arith.fptosi %sub3A_2034 : vector<16xf32> to vector<16xi32>
      %sub3A_2036 = arith.constant 1 : i32
      %sub3A_2037 = vector.broadcast %sub3A_2036 : i32 to vector<16xi32>
      %sub3A_2038 = arith.subi %convert_element_type3A_2035, %sub3A_2037 : vector<16xi32>
      %swap3A_2039 = arith.constant 2 : i32
      %swap3A_2040 = arith.constant 0 : i32
      %swap3A_2041 = arith.index_cast %swap3A_2039 : i32 to index
      %swap3A_2042 = arith.index_cast %swap3A_2040 : i32 to index
      %swap3A_2043 = arith.constant 0 : index
      %swap3A_2044 = tpu.vector_load %arg6[%swap3A_2041, %swap3A_2042, %swap3A_2043] {strides = array<i32>} : memref<3x1x128xi32, #tpu.memory_space<vmem>>, vector<1x1x16xi32>,
      %swap3A_2045 = vector.shape_cast %swap3A_2044 : vector<1x1x16xi32> to vector<16xi32>
      %swap3A_2046 = vector.shape_cast %sub3A_2038 : vector<16xi32> to vector<1x1x16xi32>
      tpu.vector_store %arg6[%swap3A_2041, %swap3A_2042, %swap3A_2043], %swap3A_2046 {strides = array<i32>} : memref<3x1x128xi32, #tpu.memory_space<vmem>>, vector<1x1x16xi32>,
      %add3A_2047 = arith.constant 16 : i32
      %add3A_2048 = arith.addi %mul3A_2017, %add3A_2047 : i32
      %get3A_2049 = arith.index_cast %add3A_2048 : i32 to index
      %get3A_2050 = tpu.vector_load %arg5[%get3A_2049] {strides = array<i32>} : memref<25600xf32, #tpu.memory_space<vmem>>, vector<16xf32>,
      %get3A_2051 = vector.shape_cast %get3A_2050 : vector<16xf32> to vector<16xf32>
      %max3A_2052 = arith.constant 2.000000e-04 : f32
      %max3A_2053 = vector.broadcast %max3A_2052 : f32 to vector<16xf32>
      %max3A_2054 = arith.maximumf %get3A_2051, %max3A_2053 : vector<16xf32>
      %mul3A_2055 = arith.constant 5.000000e+03 : f32
      %mul3A_2056 = vector.broadcast %mul3A_2055 : f32 to vector<16xf32>
      %mul3A_2057 = arith.mulf %max3A_2054, %mul3A_2056 : vector<16xf32>
      %add3A_2058 = arith.constant 0x4B400000 : f32
      %add3A_2059 = vector.broadcast %add3A_2058 : f32 to vector<16xf32>
      %add3A_2060 = arith.addf %mul3A_2057, %add3A_2059 : vector<16xf32>
      %sub3A_2061 = arith.constant 0x4B400000 : f32
      %sub3A_2062 = vector.broadcast %sub3A_2061 : f32 to vector<16xf32>
      %sub3A_2063 = arith.subf %add3A_2060, %sub3A_2062 : vector<16xf32>
      %convert_element_type3A_2064 = arith.fptosi %sub3A_2063 : vector<16xf32> to vector<16xi32>
      %sub3A_2065 = arith.constant 1 : i32
      %sub3A_2066 = vector.broadcast %sub3A_2065 : i32 to vector<16xi32>
      %sub3A_2067 = arith.subi %convert_element_type3A_2064, %sub3A_2066 : vector<16xi32>
      %swap3A_2068 = arith.constant 2 : i32
      %swap3A_2069 = arith.constant 0 : i32
      %swap3A_2070 = arith.index_cast %swap3A_2068 : i32 to index
      %swap3A_2071 = arith.index_cast %swap3A_2069 : i32 to index
      %swap3A_2072 = arith.constant 16 : index
      %swap3A_2073 = tpu.vector_load %arg6[%swap3A_2070, %swap3A_2071, %swap3A_2072] {strides = array<i32>} : memref<3x1x128xi32, #tpu.memory_space<vmem>>, vector<1x1x16xi32>,
      %swap3A_2074 = vector.shape_cast %swap3A_2073 : vector<1x1x16xi32> to vector<16xi32>
      %swap3A_2075 = vector.shape_cast %sub3A_2067 : vector<16xi32> to vector<1x1x16xi32>
      tpu.vector_store %arg6[%swap3A_2070, %swap3A_2071, %swap3A_2072], %swap3A_2075 {strides = array<i32>} : memref<3x1x128xi32, #tpu.memory_space<vmem>>, vector<1x1x16xi32>,
      %add3A_2076 = arith.constant 32 : i32
      %add3A_2077 = arith.addi %mul3A_2017, %add3A_2076 : i32
      %get3A_2078 = arith.index_cast %add3A_2077 : i32 to index
      %get3A_2079 = tpu.vector_load %arg5[%get3A_2078] {strides = array<i32>} : memref<25600xf32, #tpu.memory_space<vmem>>, vector<16xf32>,
      %get3A_2080 = vector.shape_cast %get3A_2079 : vector<16xf32> to vector<16xf32>
      %max3A_2081 = arith.constant 2.000000e-04 : f32
      %max3A_2082 = vector.broadcast %max3A_2081 : f32 to vector<16xf32>
      %max3A_2083 = arith.maximumf %get3A_2080, %max3A_2082 : vector<16xf32>
      %mul3A_2084 = arith.constant 5.000000e+03 : f32
      %mul3A_2085 = vector.broadcast %mul3A_2084 : f32 to vector<16xf32>
      %mul3A_2086 = arith.mulf %max3A_2083, %mul3A_2085 : vector<16xf32>
      %add3A_2087 = arith.constant 0x4B400000 : f32
      %add3A_2088 = vector.broadcast %add3A_2087 : f32 to vector<16xf32>
      %add3A_2089 = arith.addf %mul3A_2086, %add3A_2088 : vector<16xf32>
      %sub3A_2090 = arith.constant 0x4B400000 : f32
      %sub3A_2091 = vector.broadcast %sub3A_2090 : f32 to vector<16xf32>
      %sub3A_2092 = arith.subf %add3A_2089, %sub3A_2091 : vector<16xf32>
      %convert_element_type3A_2093 = arith.fptosi %sub3A_2092 : vector<16xf32> to vector<16xi32>
      %sub3A_2094 = arith.constant 1 : i32
      %sub3A_2095 = vector.broadcast %sub3A_2094 : i32 to vector<16xi32>
      %sub3A_2096 = arith.subi %convert_element_type3A_2093, %sub3A_2095 : vector<16xi32>
      %swap3A_2097 = arith.constant 2 : i32
      %swap3A_2098 = arith.constant 0 : i32
      %swap3A_2099 = arith.index_cast %swap3A_2097 : i32 to index
      %swap3A_2100 = arith.index_cast %swap3A_2098 : i32 to index
      %swap3A_2101 = arith.constant 32 : index
      %swap3A_2102 = tpu.vector_load %arg6[%swap3A_2099, %swap3A_2100, %swap3A_2101] {strides = array<i32>} : memref<3x1x128xi32, #tpu.memory_space<vmem>>, vector<1x1x16xi32>,
      %swap3A_2103 = vector.shape_cast %swap3A_2102 : vector<1x1x16xi32> to vector<16xi32>
      %swap3A_2104 = vector.shape_cast %sub3A_2096 : vector<16xi32> to vector<1x1x16xi32>
      tpu.vector_store %arg6[%swap3A_2099, %swap3A_2100, %swap3A_2101], %swap3A_2104 {strides = array<i32>} : memref<3x1x128xi32, #tpu.memory_space<vmem>>, vector<1x1x16xi32>,
      %add3A_2105 = arith.constant 48 : i32
      %add3A_2106 = arith.addi %mul3A_2017, %add3A_2105 : i32
      %get3A_2107 = arith.index_cast %add3A_2106 : i32 to index
      %get3A_2108 = tpu.vector_load %arg5[%get3A_2107] {strides = array<i32>} : memref<25600xf32, #tpu.memory_space<vmem>>, vector<16xf32>,
      %get3A_2109 = vector.shape_cast %get3A_2108 : vector<16xf32> to vector<16xf32>
      %max3A_2110 = arith.constant 2.000000e-04 : f32
      %max3A_2111 = vector.broadcast %max3A_2110 : f32 to vector<16xf32>
      %max3A_2112 = arith.maximumf %get3A_2109, %max3A_2111 : vector<16xf32>
      %mul3A_2113 = arith.constant 5.000000e+03 : f32
      %mul3A_2114 = vector.broadcast %mul3A_2113 : f32 to vector<16xf32>
      %mul3A_2115 = arith.mulf %max3A_2112, %mul3A_2114 : vector<16xf32>
      %add3A_2116 = arith.constant 0x4B400000 : f32
      %add3A_2117 = vector.broadcast %add3A_2116 : f32 to vector<16xf32>
      %add3A_2118 = arith.addf %mul3A_2115, %add3A_2117 : vector<16xf32>
      %sub3A_2119 = arith.constant 0x4B400000 : f32
      %sub3A_2120 = vector.broadcast %sub3A_2119 : f32 to vector<16xf32>
      %sub3A_2121 = arith.subf %add3A_2118, %sub3A_2120 : vector<16xf32>
      %convert_element_type3A_2122 = arith.fptosi %sub3A_2121 : vector<16xf32> to vector<16xi32>
      %sub3A_2123 = arith.constant 1 : i32
      %sub3A_2124 = vector.broadcast %sub3A_2123 : i32 to vector<16xi32>
      %sub3A_2125 = arith.subi %convert_element_type3A_2122, %sub3A_2124 : vector<16xi32>
      %swap3A_2126 = arith.constant 2 : i32
      %swap3A_2127 = arith.constant 0 : i32
      %swap3A_2128 = arith.index_cast %swap3A_2126 : i32 to index
      %swap3A_2129 = arith.index_cast %swap3A_2127 : i32 to index
      %swap3A_2130 = arith.constant 48 : index
      %swap3A_2131 = tpu.vector_load %arg6[%swap3A_2128, %swap3A_2129, %swap3A_2130] {strides = array<i32>} : memref<3x1x128xi32, #tpu.memory_space<vmem>>, vector<1x1x16xi32>,
      %swap3A_2132 = vector.shape_cast %swap3A_2131 : vector<1x1x16xi32> to vector<16xi32>
      %swap3A_2133 = vector.shape_cast %sub3A_2125 : vector<16xi32> to vector<1x1x16xi32>
      tpu.vector_store %arg6[%swap3A_2128, %swap3A_2129, %swap3A_2130], %swap3A_2133 {strides = array<i32>} : memref<3x1x128xi32, #tpu.memory_space<vmem>>, vector<1x1x16xi32>,
      %add3A_2134 = arith.constant 64 : i32
      %add3A_2135 = arith.addi %mul3A_2017, %add3A_2134 : i32
      %get3A_2136 = arith.index_cast %add3A_2135 : i32 to index
      %get3A_2137 = tpu.vector_load %arg5[%get3A_2136] {strides = array<i32>} : memref<25600xf32, #tpu.memory_space<vmem>>, vector<16xf32>,
      %get3A_2138 = vector.shape_cast %get3A_2137 : vector<16xf32> to vector<16xf32>
      %max3A_2139 = arith.constant 2.000000e-04 : f32
      %max3A_2140 = vector.broadcast %max3A_2139 : f32 to vector<16xf32>
      %max3A_2141 = arith.maximumf %get3A_2138, %max3A_2140 : vector<16xf32>
      %mul3A_2142 = arith.constant 5.000000e+03 : f32
      %mul3A_2143 = vector.broadcast %mul3A_2142 : f32 to vector<16xf32>
      %mul3A_2144 = arith.mulf %max3A_2141, %mul3A_2143 : vector<16xf32>
      %add3A_2145 = arith.constant 0x4B400000 : f32
      %add3A_2146 = vector.broadcast %add3A_2145 : f32 to vector<16xf32>
      %add3A_2147 = arith.addf %mul3A_2144, %add3A_2146 : vector<16xf32>
      %sub3A_2148 = arith.constant 0x4B400000 : f32
      %sub3A_2149 = vector.broadcast %sub3A_2148 : f32 to vector<16xf32>
      %sub3A_2150 = arith.subf %add3A_2147, %sub3A_2149 : vector<16xf32>
      %convert_element_type3A_2151 = arith.fptosi %sub3A_2150 : vector<16xf32> to vector<16xi32>
      %sub3A_2152 = arith.constant 1 : i32
      %sub3A_2153 = vector.broadcast %sub3A_2152 : i32 to vector<16xi32>
      %sub3A_2154 = arith.subi %convert_element_type3A_2151, %sub3A_2153 : vector<16xi32>
      %swap3A_2155 = arith.constant 2 : i32
      %swap3A_2156 = arith.constant 0 : i32
      %swap3A_2157 = arith.index_cast %swap3A_2155 : i32 to index
      %swap3A_2158 = arith.index_cast %swap3A_2156 : i32 to index
      %swap3A_2159 = arith.constant 64 : index
      %swap3A_2160 = tpu.vector_load %arg6[%swap3A_2157, %swap3A_2158, %swap3A_2159] {strides = array<i32>} : memref<3x1x128xi32, #tpu.memory_space<vmem>>, vector<1x1x16xi32>,
      %swap3A_2161 = vector.shape_cast %swap3A_2160 : vector<1x1x16xi32> to vector<16xi32>
      %swap3A_2162 = vector.shape_cast %sub3A_2154 : vector<16xi32> to vector<1x1x16xi32>
      tpu.vector_store %arg6[%swap3A_2157, %swap3A_2158, %swap3A_2159], %swap3A_2162 {strides = array<i32>} : memref<3x1x128xi32, #tpu.memory_space<vmem>>, vector<1x1x16xi32>,
      %add3A_2163 = arith.constant 80 : i32
      %add3A_2164 = arith.addi %mul3A_2017, %add3A_2163 : i32
      %get3A_2165 = arith.index_cast %add3A_2164 : i32 to index
      %get3A_2166 = tpu.vector_load %arg5[%get3A_2165] {strides = array<i32>} : memref<25600xf32, #tpu.memory_space<vmem>>, vector<16xf32>,
      %get3A_2167 = vector.shape_cast %get3A_2166 : vector<16xf32> to vector<16xf32>
      %max3A_2168 = arith.constant 2.000000e-04 : f32
      %max3A_2169 = vector.broadcast %max3A_2168 : f32 to vector<16xf32>
      %max3A_2170 = arith.maximumf %get3A_2167, %max3A_2169 : vector<16xf32>
      %mul3A_2171 = arith.constant 5.000000e+03 : f32
      %mul3A_2172 = vector.broadcast %mul3A_2171 : f32 to vector<16xf32>
      %mul3A_2173 = arith.mulf %max3A_2170, %mul3A_2172 : vector<16xf32>
      %add3A_2174 = arith.constant 0x4B400000 : f32
      %add3A_2175 = vector.broadcast %add3A_2174 : f32 to vector<16xf32>
      %add3A_2176 = arith.addf %mul3A_2173, %add3A_2175 : vector<16xf32>
      %sub3A_2177 = arith.constant 0x4B400000 : f32
      %sub3A_2178 = vector.broadcast %sub3A_2177 : f32 to vector<16xf32>
      %sub3A_2179 = arith.subf %add3A_2176, %sub3A_2178 : vector<16xf32>
      %convert_element_type3A_2180 = arith.fptosi %sub3A_2179 : vector<16xf32> to vector<16xi32>
      %sub3A_2181 = arith.constant 1 : i32
      %sub3A_2182 = vector.broadcast %sub3A_2181 : i32 to vector<16xi32>
      %sub3A_2183 = arith.subi %convert_element_type3A_2180, %sub3A_2182 : vector<16xi32>
      %swap3A_2184 = arith.constant 2 : i32
      %swap3A_2185 = arith.constant 0 : i32
      %swap3A_2186 = arith.index_cast %swap3A_2184 : i32 to index
      %swap3A_2187 = arith.index_cast %swap3A_2185 : i32 to index
      %swap3A_2188 = arith.constant 80 : index
      %swap3A_2189 = tpu.vector_load %arg6[%swap3A_2186, %swap3A_2187, %swap3A_2188] {strides = array<i32>} : memref<3x1x128xi32, #tpu.memory_space<vmem>>, vector<1x1x16xi32>,
      %swap3A_2190 = vector.shape_cast %swap3A_2189 : vector<1x1x16xi32> to vector<16xi32>
      %swap3A_2191 = vector.shape_cast %sub3A_2183 : vector<16xi32> to vector<1x1x16xi32>
      tpu.vector_store %arg6[%swap3A_2186, %swap3A_2187, %swap3A_2188], %swap3A_2191 {strides = array<i32>} : memref<3x1x128xi32, #tpu.memory_space<vmem>>, vector<1x1x16xi32>,
      %add3A_2192 = arith.constant 96 : i32
      %add3A_2193 = arith.addi %mul3A_2017, %add3A_2192 : i32
      %get3A_2194 = arith.index_cast %add3A_2193 : i32 to index
      %get3A_2195 = tpu.vector_load %arg5[%get3A_2194] {strides = array<i32>} : memref<25600xf32, #tpu.memory_space<vmem>>, vector<16xf32>,
      %get3A_2196 = vector.shape_cast %get3A_2195 : vector<16xf32> to vector<16xf32>
      %max3A_2197 = arith.constant 2.000000e-04 : f32
      %max3A_2198 = vector.broadcast %max3A_2197 : f32 to vector<16xf32>
      %max3A_2199 = arith.maximumf %get3A_2196, %max3A_2198 : vector<16xf32>
      %mul3A_2200 = arith.constant 5.000000e+03 : f32
      %mul3A_2201 = vector.broadcast %mul3A_2200 : f32 to vector<16xf32>
      %mul3A_2202 = arith.mulf %max3A_2199, %mul3A_2201 : vector<16xf32>
      %add3A_2203 = arith.constant 0x4B400000 : f32
      %add3A_2204 = vector.broadcast %add3A_2203 : f32 to vector<16xf32>
      %add3A_2205 = arith.addf %mul3A_2202, %add3A_2204 : vector<16xf32>
      %sub3A_2206 = arith.constant 0x4B400000 : f32
      %sub3A_2207 = vector.broadcast %sub3A_2206 : f32 to vector<16xf32>
      %sub3A_2208 = arith.subf %add3A_2205, %sub3A_2207 : vector<16xf32>
      %convert_element_type3A_2209 = arith.fptosi %sub3A_2208 : vector<16xf32> to vector<16xi32>
      %sub3A_2210 = arith.constant 1 : i32
      %sub3A_2211 = vector.broadcast %sub3A_2210 : i32 to vector<16xi32>
      %sub3A_2212 = arith.subi %convert_element_type3A_2209, %sub3A_2211 : vector<16xi32>
      %swap3A_2213 = arith.constant 2 : i32
      %swap3A_2214 = arith.constant 0 : i32
      %swap3A_2215 = arith.index_cast %swap3A_2213 : i32 to index
      %swap3A_2216 = arith.index_cast %swap3A_2214 : i32 to index
      %swap3A_2217 = arith.constant 96 : index
      %swap3A_2218 = tpu.vector_load %arg6[%swap3A_2215, %swap3A_2216, %swap3A_2217] {strides = array<i32>} : memref<3x1x128xi32, #tpu.memory_space<vmem>>, vector<1x1x16xi32>,
      %swap3A_2219 = vector.shape_cast %swap3A_2218 : vector<1x1x16xi32> to vector<16xi32>
      %swap3A_2220 = vector.shape_cast %sub3A_2212 : vector<16xi32> to vector<1x1x16xi32>
      tpu.vector_store %arg6[%swap3A_2215, %swap3A_2216, %swap3A_2217], %swap3A_2220 {strides = array<i32>} : memref<3x1x128xi32, #tpu.memory_space<vmem>>, vector<1x1x16xi32>,
      %add3A_2221 = arith.constant 112 : i32
      %add3A_2222 = arith.addi %mul3A_2017, %add3A_2221 : i32
      %get3A_2223 = arith.index_cast %add3A_2222 : i32 to index
      %get3A_2224 = tpu.vector_load %arg5[%get3A_2223] {strides = array<i32>} : memref<25600xf32, #tpu.memory_space<vmem>>, vector<16xf32>,
      %get3A_2225 = vector.shape_cast %get3A_2224 : vector<16xf32> to vector<16xf32>
      %max3A_2226 = arith.constant 2.000000e-04 : f32
      %max3A_2227 = vector.broadcast %max3A_2226 : f32 to vector<16xf32>
      %max3A_2228 = arith.maximumf %get3A_2225, %max3A_2227 : vector<16xf32>
      %mul3A_2229 = arith.constant 5.000000e+03 : f32
      %mul3A_2230 = vector.broadcast %mul3A_2229 : f32 to vector<16xf32>
      %mul3A_2231 = arith.mulf %max3A_2228, %mul3A_2230 : vector<16xf32>
      %add3A_2232 = arith.constant 0x4B400000 : f32
      %add3A_2233 = vector.broadcast %add3A_2232 : f32 to vector<16xf32>
      %add3A_2234 = arith.addf %mul3A_2231, %add3A_2233 : vector<16xf32>
      %sub3A_2235 = arith.constant 0x4B400000 : f32
      %sub3A_2236 = vector.broadcast %sub3A_2235 : f32 to vector<16xf32>
      %sub3A_2237 = arith.subf %add3A_2234, %sub3A_2236 : vector<16xf32>
      %convert_element_type3A_2238 = arith.fptosi %sub3A_2237 : vector<16xf32> to vector<16xi32>
      %sub3A_2239 = arith.constant 1 : i32
      %sub3A_2240 = vector.broadcast %sub3A_2239 : i32 to vector<16xi32>
      %sub3A_2241 = arith.subi %convert_element_type3A_2238, %sub3A_2240 : vector<16xi32>
      %swap3A_2242 = arith.constant 2 : i32
      %swap3A_2243 = arith.constant 0 : i32
      %swap3A_2244 = arith.index_cast %swap3A_2242 : i32 to index
      %swap3A_2245 = arith.index_cast %swap3A_2243 : i32 to index
      %swap3A_2246 = arith.constant 112 : index
      %swap3A_2247 = tpu.vector_load %arg6[%swap3A_2244, %swap3A_2245, %swap3A_2246] {strides = array<i32>} : memref<3x1x128xi32, #tpu.memory_space<vmem>>, vector<1x1x16xi32>,
      %swap3A_2248 = vector.shape_cast %swap3A_2247 : vector<1x1x16xi32> to vector<16xi32>
      %swap3A_2249 = vector.shape_cast %sub3A_2241 : vector<16xi32> to vector<1x1x16xi32>
      tpu.vector_store %arg6[%swap3A_2244, %swap3A_2245, %swap3A_2246], %swap3A_2249 {strides = array<i32>} : memref<3x1x128xi32, #tpu.memory_space<vmem>>, vector<1x1x16xi32>,
      %dma_start3A_2250 = arith.constant 2 : i32
      %dma_start3A_2251 = arith.constant 0 : i32
      %dma_start3A_2252 = arith.constant 2 : i32
      %dma_start3A_2253 = arith.constant 0 : i32
      %dma_start3A_2254 = arith.constant 0 : i32
      %dma_start3A_2255 = tpu.memref_slice %arg7[%dma_start3A_2252, %dma_start3A_2253, %dma_start3A_2254] : memref<3x128x128xf32, #tpu.memory_space<vmem>> -> memref<1x128x128xf32, #tpu.memory_space<vmem>>
      %dma_start3A_2256 = tpu.memref_squeeze %dma_start3A_2255 : memref<1x128x128xf32, #tpu.memory_space<vmem>> -> memref<128x128xf32, #tpu.memory_space<vmem>>
      %dma_start3A_2257 = arith.constant 0 : i32
      %dma_start3A_2258 = tpu.memref_slice %arg6[%dma_start3A_2250, %dma_start3A_2251, %dma_start3A_2257] : memref<3x1x128xi32, #tpu.memory_space<vmem>> -> memref<1x1x128xi32, #tpu.memory_space<vmem>>
      %dma_start3A_2259 = tpu.memref_squeeze %dma_start3A_2258 : memref<1x1x128xi32, #tpu.memory_space<vmem>> -> memref<128xi32, #tpu.memory_space<vmem>>
      %dma_start3A_2260 = arith.constant 0 : i32
      %dma_start3A_2261 = arith.constant 0 : i32
      %dma_start3A_2262 = tpu.memref_slice %arg3[%dma_start3A_2260, %dma_start3A_2261] : memref<5000x128xf32, #tpu.memory_space<hbm>> -> memref<5000x128xf32, #tpu.memory_space<hbm>>
      tpu.enqueue_indirect_dma source(%dma_start3A_2262 : memref<5000x128xf32, #tpu.memory_space<hbm>>) target(%dma_start3A_2256 : memref<128x128xf32, #tpu.memory_space<vmem>>) offsets(%dma_start3A_2259 : memref<128xi32, #tpu.memory_space<vmem>>) semaphore(%arg11 : memref<!tpu.dma_semaphore, #tpu.memory_space<semaphore_mem>>)
    }
    %scan3A_746 = arith.constant 65 : i32
    %dma_wait3A_747 = arith.constant 2 : i32
    %dma_wait3A_748 = arith.constant 0 : i32
    %dma_wait3A_749 = arith.constant 2 : i32
    %dma_wait3A_750 = arith.constant 0 : i32
    %dma_wait3A_751 = arith.constant 0 : i32
    %dma_wait3A_752 = tpu.memref_slice %arg7[%dma_wait3A_749, %dma_wait3A_750, %dma_wait3A_751] : memref<3x128x128xf32, #tpu.memory_space<vmem>> -> memref<1x128x128xf32, #tpu.memory_space<vmem>>
    %dma_wait3A_753 = tpu.memref_squeeze %dma_wait3A_752 : memref<1x128x128xf32, #tpu.memory_space<vmem>> -> memref<128x128xf32, #tpu.memory_space<vmem>>
    %dma_wait3A_754 = arith.constant 0 : i32
    %dma_wait3A_755 = tpu.memref_slice %arg6[%dma_wait3A_747, %dma_wait3A_748, %dma_wait3A_754] : memref<3x1x128xi32, #tpu.memory_space<vmem>> -> memref<1x1x128xi32, #tpu.memory_space<vmem>>
    %dma_wait3A_756 = tpu.memref_squeeze %dma_wait3A_755 : memref<1x1x128xi32, #tpu.memory_space<vmem>> -> memref<128xi32, #tpu.memory_space<vmem>>
    %dma_wait3A_757 = arith.constant 0 : i32
    %dma_wait3A_758 = arith.constant 0 : i32
    %dma_wait3A_759 = tpu.memref_slice %arg3[%dma_wait3A_757, %dma_wait3A_758] : memref<5000x128xf32, #tpu.memory_space<hbm>> -> memref<5000x128xf32, #tpu.memory_space<hbm>>
    tpu.wait_indirect_dma semaphore(%arg11 : memref<!tpu.dma_semaphore, #tpu.memory_space<semaphore_mem>>) src(%dma_wait3A_759 : memref<5000x128xf32, #tpu.memory_space<hbm>>) dst(%dma_wait3A_753 : memref<128x128xf32, #tpu.memory_space<vmem>>)
    %add3A_760 = arith.constant 25216 : i32
    %add3A_761 = arith.addi %mul3A_2, %add3A_760 : i32
    %dma_start3A_762 = arith.constant 2 : i32
    %dma_start3A_763 = arith.constant 0 : i32
    %dma_start3A_764 = arith.constant 0 : i32
    %dma_start3A_765 = tpu.memref_slice %arg7[%dma_start3A_762, %dma_start3A_763, %dma_start3A_764] : memref<3x128x128xf32, #tpu.memory_space<vmem>> -> memref<1x128x128xf32, #tpu.memory_space<vmem>>
    %dma_start3A_766 = tpu.memref_squeeze %dma_start3A_765 : memref<1x128x128xf32, #tpu.memory_space<vmem>> -> memref<128x128xf32, #tpu.memory_space<vmem>>
    %dma_start3A_767 = arith.constant 0 : i32
    %dma_start3A_768 = tpu.memref_slice %arg4[%add3A_761, %dma_start3A_767] : memref<819200x128xf32, #tpu.memory_space<hbm>> -> memref<128x128xf32, #tpu.memory_space<hbm>>
    %dma_start3A_769 = arith.constant 0 : i32
    %dma_start3A_770 = tpu.memref_slice %arg4[%add3A_761, %dma_start3A_769] : memref<819200x128xf32, #tpu.memory_space<hbm>> -> memref<128x128xf32, #tpu.memory_space<hbm>>
    %dma_start3A_771 = arith.constant 0 : i32
    %dma_start3A_772 = arith.constant 0 : i32
    %dma_start3A_773 = tpu.memref_slice %arg7[%dma_start3A_762, %dma_start3A_771, %dma_start3A_772] : memref<3x128x128xf32, #tpu.memory_space<vmem>> -> memref<1x128x128xf32, #tpu.memory_space<vmem>>
    %dma_start3A_774 = tpu.memref_squeeze %dma_start3A_773 : memref<1x128x128xf32, #tpu.memory_space<vmem>> -> memref<128x128xf32, #tpu.memory_space<vmem>>
    tpu.enqueue_dma source(%dma_start3A_774 : memref<128x128xf32, #tpu.memory_space<vmem>>) target(%dma_start3A_770 : memref<128x128xf32, #tpu.memory_space<hbm>>) target_semaphore(%arg14 : memref<!tpu.dma_semaphore, #tpu.memory_space<semaphore_mem>>)
    %add3A_775 = arith.constant 24960 : i32
    %add3A_776 = arith.addi %mul3A_2, %add3A_775 : i32
    %dma_wait3A_777 = arith.constant 0 : i32
    %dma_wait3A_778 = arith.constant 0 : i32
    %dma_wait3A_779 = arith.constant 0 : i32
    %dma_wait3A_780 = tpu.memref_slice %arg7[%dma_wait3A_777, %dma_wait3A_778, %dma_wait3A_779] : memref<3x128x128xf32, #tpu.memory_space<vmem>> -> memref<1x128x128xf32, #tpu.memory_space<vmem>>
    %dma_wait3A_781 = tpu.memref_squeeze %dma_wait3A_780 : memref<1x128x128xf32, #tpu.memory_space<vmem>> -> memref<128x128xf32, #tpu.memory_space<vmem>>
    %dma_wait3A_782 = arith.constant 0 : i32
    %dma_wait3A_783 = tpu.memref_slice %arg4[%add3A_776, %dma_wait3A_782] : memref<819200x128xf32, #tpu.memory_space<hbm>> -> memref<128x128xf32, #tpu.memory_space<hbm>>
    %dma_wait3A_784 = arith.constant 0 : i32
    %dma_wait3A_785 = tpu.memref_slice %arg4[%add3A_776, %dma_wait3A_784] : memref<819200x128xf32, #tpu.memory_space<hbm>> -> memref<128x128xf32, #tpu.memory_space<hbm>>
    %dma_wait3A_786 = arith.constant 0 : i32
    %dma_wait3A_787 = arith.constant 0 : i32
    %dma_wait3A_788 = tpu.memref_slice %arg7[%dma_wait3A_777, %dma_wait3A_786, %dma_wait3A_787] : memref<3x128x128xf32, #tpu.memory_space<vmem>> -> memref<1x128x128xf32, #tpu.memory_space<vmem>>
    %dma_wait3A_789 = tpu.memref_squeeze %dma_wait3A_788 : memref<1x128x128xf32, #tpu.memory_space<vmem>> -> memref<128x128xf32, #tpu.memory_space<vmem>>
    tpu.wait_dma2 semaphore(%arg12 : memref<!tpu.dma_semaphore, #tpu.memory_space<semaphore_mem>>) src(%dma_wait3A_789 : memref<128x128xf32, #tpu.memory_space<vmem>>) dst(%dma_wait3A_785 : memref<128x128xf32, #tpu.memory_space<hbm>>)
    %get3A_790 = arith.constant 25344 : index
    %get3A_791 = tpu.vector_load %arg5[%get3A_790] {strides = array<i32>} : memref<25600xf32, #tpu.memory_space<vmem>>, vector<16xf32>,
    %get3A_792 = vector.shape_cast %get3A_791 : vector<16xf32> to vector<16xf32>
    %max3A_793 = arith.constant 2.000000e-04 : f32
    %max3A_794 = vector.broadcast %max3A_793 : f32 to vector<16xf32>
    %max3A_795 = arith.maximumf %get3A_792, %max3A_794 : vector<16xf32>
    %mul3A_796 = arith.constant 5.000000e+03 : f32
    %mul3A_797 = vector.broadcast %mul3A_796 : f32 to vector<16xf32>
    %mul3A_798 = arith.mulf %max3A_795, %mul3A_797 : vector<16xf32>
    %add3A_799 = arith.constant 0x4B400000 : f32
    %add3A_800 = vector.broadcast %add3A_799 : f32 to vector<16xf32>
    %add3A_801 = arith.addf %mul3A_798, %add3A_800 : vector<16xf32>
    %sub3A_802 = arith.constant 0x4B400000 : f32
    %sub3A_803 = vector.broadcast %sub3A_802 : f32 to vector<16xf32>
    %sub3A_804 = arith.subf %add3A_801, %sub3A_803 : vector<16xf32>
    %convert_element_type3A_805 = arith.fptosi %sub3A_804 : vector<16xf32> to vector<16xi32>
    %sub3A_806 = arith.constant 1 : i32
    %sub3A_807 = vector.broadcast %sub3A_806 : i32 to vector<16xi32>
    %sub3A_808 = arith.subi %convert_element_type3A_805, %sub3A_807 : vector<16xi32>
    %swap3A_809 = arith.constant 0 : i32
    %swap3A_810 = arith.constant 0 : i32
    %swap3A_811 = arith.index_cast %swap3A_809 : i32 to index
    %swap3A_812 = arith.index_cast %swap3A_810 : i32 to index
    %swap3A_813 = arith.constant 0 : index
    %swap3A_814 = tpu.vector_load %arg6[%swap3A_811, %swap3A_812, %swap3A_813] {strides = array<i32>} : memref<3x1x128xi32, #tpu.memory_space<vmem>>, vector<1x1x16xi32>,
    %swap3A_815 = vector.shape_cast %swap3A_814 : vector<1x1x16xi32> to vector<16xi32>
    %swap3A_816 = vector.shape_cast %sub3A_808 : vector<16xi32> to vector<1x1x16xi32>
    tpu.vector_store %arg6[%swap3A_811, %swap3A_812, %swap3A_813], %swap3A_816 {strides = array<i32>} : memref<3x1x128xi32, #tpu.memory_space<vmem>>, vector<1x1x16xi32>,
    %get3A_817 = arith.constant 25360 : index
    %get3A_818 = tpu.vector_load %arg5[%get3A_817] {strides = array<i32>} : memref<25600xf32, #tpu.memory_space<vmem>>, vector<16xf32>,
    %get3A_819 = vector.shape_cast %get3A_818 : vector<16xf32> to vector<16xf32>
    %max3A_820 = arith.constant 2.000000e-04 : f32
    %max3A_821 = vector.broadcast %max3A_820 : f32 to vector<16xf32>
    %max3A_822 = arith.maximumf %get3A_819, %max3A_821 : vector<16xf32>
    %mul3A_823 = arith.constant 5.000000e+03 : f32
    %mul3A_824 = vector.broadcast %mul3A_823 : f32 to vector<16xf32>
    %mul3A_825 = arith.mulf %max3A_822, %mul3A_824 : vector<16xf32>
    %add3A_826 = arith.constant 0x4B400000 : f32
    %add3A_827 = vector.broadcast %add3A_826 : f32 to vector<16xf32>
    %add3A_828 = arith.addf %mul3A_825, %add3A_827 : vector<16xf32>
    %sub3A_829 = arith.constant 0x4B400000 : f32
    %sub3A_830 = vector.broadcast %sub3A_829 : f32 to vector<16xf32>
    %sub3A_831 = arith.subf %add3A_828, %sub3A_830 : vector<16xf32>
    %convert_element_type3A_832 = arith.fptosi %sub3A_831 : vector<16xf32> to vector<16xi32>
    %sub3A_833 = arith.constant 1 : i32
    %sub3A_834 = vector.broadcast %sub3A_833 : i32 to vector<16xi32>
    %sub3A_835 = arith.subi %convert_element_type3A_832, %sub3A_834 : vector<16xi32>
    %swap3A_836 = arith.constant 0 : i32
    %swap3A_837 = arith.constant 0 : i32
    %swap3A_838 = arith.index_cast %swap3A_836 : i32 to index
    %swap3A_839 = arith.index_cast %swap3A_837 : i32 to index
    %swap3A_840 = arith.constant 16 : index
    %swap3A_841 = tpu.vector_load %arg6[%swap3A_838, %swap3A_839, %swap3A_840] {strides = array<i32>} : memref<3x1x128xi32, #tpu.memory_space<vmem>>, vector<1x1x16xi32>,
    %swap3A_842 = vector.shape_cast %swap3A_841 : vector<1x1x16xi32> to vector<16xi32>
    %swap3A_843 = vector.shape_cast %sub3A_835 : vector<16xi32> to vector<1x1x16xi32>
    tpu.vector_store %arg6[%swap3A_838, %swap3A_839, %swap3A_840], %swap3A_843 {strides = array<i32>} : memref<3x1x128xi32, #tpu.memory_space<vmem>>, vector<1x1x16xi32>,
    %get3A_844 = arith.constant 25376 : index
    %get3A_845 = tpu.vector_load %arg5[%get3A_844] {strides = array<i32>} : memref<25600xf32, #tpu.memory_space<vmem>>, vector<16xf32>,
    %get3A_846 = vector.shape_cast %get3A_845 : vector<16xf32> to vector<16xf32>
    %max3A_847 = arith.constant 2.000000e-04 : f32
    %max3A_848 = vector.broadcast %max3A_847 : f32 to vector<16xf32>
    %max3A_849 = arith.maximumf %get3A_846, %max3A_848 : vector<16xf32>
    %mul3A_850 = arith.constant 5.000000e+03 : f32
    %mul3A_851 = vector.broadcast %mul3A_850 : f32 to vector<16xf32>
    %mul3A_852 = arith.mulf %max3A_849, %mul3A_851 : vector<16xf32>
    %add3A_853 = arith.constant 0x4B400000 : f32
    %add3A_854 = vector.broadcast %add3A_853 : f32 to vector<16xf32>
    %add3A_855 = arith.addf %mul3A_852, %add3A_854 : vector<16xf32>
    %sub3A_856 = arith.constant 0x4B400000 : f32
    %sub3A_857 = vector.broadcast %sub3A_856 : f32 to vector<16xf32>
    %sub3A_858 = arith.subf %add3A_855, %sub3A_857 : vector<16xf32>
    %convert_element_type3A_859 = arith.fptosi %sub3A_858 : vector<16xf32> to vector<16xi32>
    %sub3A_860 = arith.constant 1 : i32
    %sub3A_861 = vector.broadcast %sub3A_860 : i32 to vector<16xi32>
    %sub3A_862 = arith.subi %convert_element_type3A_859, %sub3A_861 : vector<16xi32>
    %swap3A_863 = arith.constant 0 : i32
    %swap3A_864 = arith.constant 0 : i32
    %swap3A_865 = arith.index_cast %swap3A_863 : i32 to index
    %swap3A_866 = arith.index_cast %swap3A_864 : i32 to index
    %swap3A_867 = arith.constant 32 : index
    %swap3A_868 = tpu.vector_load %arg6[%swap3A_865, %swap3A_866, %swap3A_867] {strides = array<i32>} : memref<3x1x128xi32, #tpu.memory_space<vmem>>, vector<1x1x16xi32>,
    %swap3A_869 = vector.shape_cast %swap3A_868 : vector<1x1x16xi32> to vector<16xi32>
    %swap3A_870 = vector.shape_cast %sub3A_862 : vector<16xi32> to vector<1x1x16xi32>
    tpu.vector_store %arg6[%swap3A_865, %swap3A_866, %swap3A_867], %swap3A_870 {strides = array<i32>} : memref<3x1x128xi32, #tpu.memory_space<vmem>>, vector<1x1x16xi32>,
    %get3A_871 = arith.constant 25392 : index
    %get3A_872 = tpu.vector_load %arg5[%get3A_871] {strides = array<i32>} : memref<25600xf32, #tpu.memory_space<vmem>>, vector<16xf32>,
    %get3A_873 = vector.shape_cast %get3A_872 : vector<16xf32> to vector<16xf32>
    %max3A_874 = arith.constant 2.000000e-04 : f32
    %max3A_875 = vector.broadcast %max3A_874 : f32 to vector<16xf32>
    %max3A_876 = arith.maximumf %get3A_873, %max3A_875 : vector<16xf32>
    %mul3A_877 = arith.constant 5.000000e+03 : f32
    %mul3A_878 = vector.broadcast %mul3A_877 : f32 to vector<16xf32>
    %mul3A_879 = arith.mulf %max3A_876, %mul3A_878 : vector<16xf32>
    %add3A_880 = arith.constant 0x4B400000 : f32
    %add3A_881 = vector.broadcast %add3A_880 : f32 to vector<16xf32>
    %add3A_882 = arith.addf %mul3A_879, %add3A_881 : vector<16xf32>
    %sub3A_883 = arith.constant 0x4B400000 : f32
    %sub3A_884 = vector.broadcast %sub3A_883 : f32 to vector<16xf32>
    %sub3A_885 = arith.subf %add3A_882, %sub3A_884 : vector<16xf32>
    %convert_element_type3A_886 = arith.fptosi %sub3A_885 : vector<16xf32> to vector<16xi32>
    %sub3A_887 = arith.constant 1 : i32
    %sub3A_888 = vector.broadcast %sub3A_887 : i32 to vector<16xi32>
    %sub3A_889 = arith.subi %convert_element_type3A_886, %sub3A_888 : vector<16xi32>
    %swap3A_890 = arith.constant 0 : i32
    %swap3A_891 = arith.constant 0 : i32
    %swap3A_892 = arith.index_cast %swap3A_890 : i32 to index
    %swap3A_893 = arith.index_cast %swap3A_891 : i32 to index
    %swap3A_894 = arith.constant 48 : index
    %swap3A_895 = tpu.vector_load %arg6[%swap3A_892, %swap3A_893, %swap3A_894] {strides = array<i32>} : memref<3x1x128xi32, #tpu.memory_space<vmem>>, vector<1x1x16xi32>,
    %swap3A_896 = vector.shape_cast %swap3A_895 : vector<1x1x16xi32> to vector<16xi32>
    %swap3A_897 = vector.shape_cast %sub3A_889 : vector<16xi32> to vector<1x1x16xi32>
    tpu.vector_store %arg6[%swap3A_892, %swap3A_893, %swap3A_894], %swap3A_897 {strides = array<i32>} : memref<3x1x128xi32, #tpu.memory_space<vmem>>, vector<1x1x16xi32>,
    %get3A_898 = arith.constant 25408 : index
    %get3A_899 = tpu.vector_load %arg5[%get3A_898] {strides = array<i32>} : memref<25600xf32, #tpu.memory_space<vmem>>, vector<16xf32>,
    %get3A_900 = vector.shape_cast %get3A_899 : vector<16xf32> to vector<16xf32>
    %max3A_901 = arith.constant 2.000000e-04 : f32
    %max3A_902 = vector.broadcast %max3A_901 : f32 to vector<16xf32>
    %max3A_903 = arith.maximumf %get3A_900, %max3A_902 : vector<16xf32>
    %mul3A_904 = arith.constant 5.000000e+03 : f32
    %mul3A_905 = vector.broadcast %mul3A_904 : f32 to vector<16xf32>
    %mul3A_906 = arith.mulf %max3A_903, %mul3A_905 : vector<16xf32>
    %add3A_907 = arith.constant 0x4B400000 : f32
    %add3A_908 = vector.broadcast %add3A_907 : f32 to vector<16xf32>
    %add3A_909 = arith.addf %mul3A_906, %add3A_908 : vector<16xf32>
    %sub3A_910 = arith.constant 0x4B400000 : f32
    %sub3A_911 = vector.broadcast %sub3A_910 : f32 to vector<16xf32>
    %sub3A_912 = arith.subf %add3A_909, %sub3A_911 : vector<16xf32>
    %convert_element_type3A_913 = arith.fptosi %sub3A_912 : vector<16xf32> to vector<16xi32>
    %sub3A_914 = arith.constant 1 : i32
    %sub3A_915 = vector.broadcast %sub3A_914 : i32 to vector<16xi32>
    %sub3A_916 = arith.subi %convert_element_type3A_913, %sub3A_915 : vector<16xi32>
    %swap3A_917 = arith.constant 0 : i32
    %swap3A_918 = arith.constant 0 : i32
    %swap3A_919 = arith.index_cast %swap3A_917 : i32 to index
    %swap3A_920 = arith.index_cast %swap3A_918 : i32 to index
    %swap3A_921 = arith.constant 64 : index
    %swap3A_922 = tpu.vector_load %arg6[%swap3A_919, %swap3A_920, %swap3A_921] {strides = array<i32>} : memref<3x1x128xi32, #tpu.memory_space<vmem>>, vector<1x1x16xi32>,
    %swap3A_923 = vector.shape_cast %swap3A_922 : vector<1x1x16xi32> to vector<16xi32>
    %swap3A_924 = vector.shape_cast %sub3A_916 : vector<16xi32> to vector<1x1x16xi32>
    tpu.vector_store %arg6[%swap3A_919, %swap3A_920, %swap3A_921], %swap3A_924 {strides = array<i32>} : memref<3x1x128xi32, #tpu.memory_space<vmem>>, vector<1x1x16xi32>,
    %get3A_925 = arith.constant 25424 : index
    %get3A_926 = tpu.vector_load %arg5[%get3A_925] {strides = array<i32>} : memref<25600xf32, #tpu.memory_space<vmem>>, vector<16xf32>,
    %get3A_927 = vector.shape_cast %get3A_926 : vector<16xf32> to vector<16xf32>
    %max3A_928 = arith.constant 2.000000e-04 : f32
    %max3A_929 = vector.broadcast %max3A_928 : f32 to vector<16xf32>
    %max3A_930 = arith.maximumf %get3A_927, %max3A_929 : vector<16xf32>
    %mul3A_931 = arith.constant 5.000000e+03 : f32
    %mul3A_932 = vector.broadcast %mul3A_931 : f32 to vector<16xf32>
    %mul3A_933 = arith.mulf %max3A_930, %mul3A_932 : vector<16xf32>
    %add3A_934 = arith.constant 0x4B400000 : f32
    %add3A_935 = vector.broadcast %add3A_934 : f32 to vector<16xf32>
    %add3A_936 = arith.addf %mul3A_933, %add3A_935 : vector<16xf32>
    %sub3A_937 = arith.constant 0x4B400000 : f32
    %sub3A_938 = vector.broadcast %sub3A_937 : f32 to vector<16xf32>
    %sub3A_939 = arith.subf %add3A_936, %sub3A_938 : vector<16xf32>
    %convert_element_type3A_940 = arith.fptosi %sub3A_939 : vector<16xf32> to vector<16xi32>
    %sub3A_941 = arith.constant 1 : i32
    %sub3A_942 = vector.broadcast %sub3A_941 : i32 to vector<16xi32>
    %sub3A_943 = arith.subi %convert_element_type3A_940, %sub3A_942 : vector<16xi32>
    %swap3A_944 = arith.constant 0 : i32
    %swap3A_945 = arith.constant 0 : i32
    %swap3A_946 = arith.index_cast %swap3A_944 : i32 to index
    %swap3A_947 = arith.index_cast %swap3A_945 : i32 to index
    %swap3A_948 = arith.constant 80 : index
    %swap3A_949 = tpu.vector_load %arg6[%swap3A_946, %swap3A_947, %swap3A_948] {strides = array<i32>} : memref<3x1x128xi32, #tpu.memory_space<vmem>>, vector<1x1x16xi32>,
    %swap3A_950 = vector.shape_cast %swap3A_949 : vector<1x1x16xi32> to vector<16xi32>
    %swap3A_951 = vector.shape_cast %sub3A_943 : vector<16xi32> to vector<1x1x16xi32>
    tpu.vector_store %arg6[%swap3A_946, %swap3A_947, %swap3A_948], %swap3A_951 {strides = array<i32>} : memref<3x1x128xi32, #tpu.memory_space<vmem>>, vector<1x1x16xi32>,
    %get3A_952 = arith.constant 25440 : index
    %get3A_953 = tpu.vector_load %arg5[%get3A_952] {strides = array<i32>} : memref<25600xf32, #tpu.memory_space<vmem>>, vector<16xf32>,
    %get3A_954 = vector.shape_cast %get3A_953 : vector<16xf32> to vector<16xf32>
    %max3A_955 = arith.constant 2.000000e-04 : f32
    %max3A_956 = vector.broadcast %max3A_955 : f32 to vector<16xf32>
    %max3A_957 = arith.maximumf %get3A_954, %max3A_956 : vector<16xf32>
    %mul3A_958 = arith.constant 5.000000e+03 : f32
    %mul3A_959 = vector.broadcast %mul3A_958 : f32 to vector<16xf32>
    %mul3A_960 = arith.mulf %max3A_957, %mul3A_959 : vector<16xf32>
    %add3A_961 = arith.constant 0x4B400000 : f32
    %add3A_962 = vector.broadcast %add3A_961 : f32 to vector<16xf32>
    %add3A_963 = arith.addf %mul3A_960, %add3A_962 : vector<16xf32>
    %sub3A_964 = arith.constant 0x4B400000 : f32
    %sub3A_965 = vector.broadcast %sub3A_964 : f32 to vector<16xf32>
    %sub3A_966 = arith.subf %add3A_963, %sub3A_965 : vector<16xf32>
    %convert_element_type3A_967 = arith.fptosi %sub3A_966 : vector<16xf32> to vector<16xi32>
    %sub3A_968 = arith.constant 1 : i32
    %sub3A_969 = vector.broadcast %sub3A_968 : i32 to vector<16xi32>
    %sub3A_970 = arith.subi %convert_element_type3A_967, %sub3A_969 : vector<16xi32>
    %swap3A_971 = arith.constant 0 : i32
    %swap3A_972 = arith.constant 0 : i32
    %swap3A_973 = arith.index_cast %swap3A_971 : i32 to index
    %swap3A_974 = arith.index_cast %swap3A_972 : i32 to index
    %swap3A_975 = arith.constant 96 : index
    %swap3A_976 = tpu.vector_load %arg6[%swap3A_973, %swap3A_974, %swap3A_975] {strides = array<i32>} : memref<3x1x128xi32, #tpu.memory_space<vmem>>, vector<1x1x16xi32>,
    %swap3A_977 = vector.shape_cast %swap3A_976 : vector<1x1x16xi32> to vector<16xi32>
    %swap3A_978 = vector.shape_cast %sub3A_970 : vector<16xi32> to vector<1x1x16xi32>
    tpu.vector_store %arg6[%swap3A_973, %swap3A_974, %swap3A_975], %swap3A_978 {strides = array<i32>} : memref<3x1x128xi32, #tpu.memory_space<vmem>>, vector<1x1x16xi32>,
    %get3A_979 = arith.constant 25456 : index
    %get3A_980 = tpu.vector_load %arg5[%get3A_979] {strides = array<i32>} : memref<25600xf32, #tpu.memory_space<vmem>>, vector<16xf32>,
    %get3A_981 = vector.shape_cast %get3A_980 : vector<16xf32> to vector<16xf32>
    %max3A_982 = arith.constant 2.000000e-04 : f32
    %max3A_983 = vector.broadcast %max3A_982 : f32 to vector<16xf32>
    %max3A_984 = arith.maximumf %get3A_981, %max3A_983 : vector<16xf32>
    %mul3A_985 = arith.constant 5.000000e+03 : f32
    %mul3A_986 = vector.broadcast %mul3A_985 : f32 to vector<16xf32>
    %mul3A_987 = arith.mulf %max3A_984, %mul3A_986 : vector<16xf32>
    %add3A_988 = arith.constant 0x4B400000 : f32
    %add3A_989 = vector.broadcast %add3A_988 : f32 to vector<16xf32>
    %add3A_990 = arith.addf %mul3A_987, %add3A_989 : vector<16xf32>
    %sub3A_991 = arith.constant 0x4B400000 : f32
    %sub3A_992 = vector.broadcast %sub3A_991 : f32 to vector<16xf32>
    %sub3A_993 = arith.subf %add3A_990, %sub3A_992 : vector<16xf32>
    %convert_element_type3A_994 = arith.fptosi %sub3A_993 : vector<16xf32> to vector<16xi32>
    %sub3A_995 = arith.constant 1 : i32
    %sub3A_996 = vector.broadcast %sub3A_995 : i32 to vector<16xi32>
    %sub3A_997 = arith.subi %convert_element_type3A_994, %sub3A_996 : vector<16xi32>
    %swap3A_998 = arith.constant 0 : i32
    %swap3A_999 = arith.constant 0 : i32
    %swap3A_1000 = arith.index_cast %swap3A_998 : i32 to index
    %swap3A_1001 = arith.index_cast %swap3A_999 : i32 to index
    %swap3A_1002 = arith.constant 112 : index
    %swap3A_1003 = tpu.vector_load %arg6[%swap3A_1000, %swap3A_1001, %swap3A_1002] {strides = array<i32>} : memref<3x1x128xi32, #tpu.memory_space<vmem>>, vector<1x1x16xi32>,
    %swap3A_1004 = vector.shape_cast %swap3A_1003 : vector<1x1x16xi32> to vector<16xi32>
    %swap3A_1005 = vector.shape_cast %sub3A_997 : vector<16xi32> to vector<1x1x16xi32>
    tpu.vector_store %arg6[%swap3A_1000, %swap3A_1001, %swap3A_1002], %swap3A_1005 {strides = array<i32>} : memref<3x1x128xi32, #tpu.memory_space<vmem>>, vector<1x1x16xi32>,
    %dma_start3A_1006 = arith.constant 0 : i32
    %dma_start3A_1007 = arith.constant 0 : i32
    %dma_start3A_1008 = arith.constant 0 : i32
    %dma_start3A_1009 = arith.constant 0 : i32
    %dma_start3A_1010 = arith.constant 0 : i32
    %dma_start3A_1011 = tpu.memref_slice %arg7[%dma_start3A_1008, %dma_start3A_1009, %dma_start3A_1010] : memref<3x128x128xf32, #tpu.memory_space<vmem>> -> memref<1x128x128xf32, #tpu.memory_space<vmem>>
    %dma_start3A_1012 = tpu.memref_squeeze %dma_start3A_1011 : memref<1x128x128xf32, #tpu.memory_space<vmem>> -> memref<128x128xf32, #tpu.memory_space<vmem>>
    %dma_start3A_1013 = arith.constant 0 : i32
    %dma_start3A_1014 = tpu.memref_slice %arg6[%dma_start3A_1006, %dma_start3A_1007, %dma_start3A_1013] : memref<3x1x128xi32, #tpu.memory_space<vmem>> -> memref<1x1x128xi32, #tpu.memory_space<vmem>>
    %dma_start3A_1015 = tpu.memref_squeeze %dma_start3A_1014 : memref<1x1x128xi32, #tpu.memory_space<vmem>> -> memref<128xi32, #tpu.memory_space<vmem>>
    %dma_start3A_1016 = arith.constant 0 : i32
    %dma_start3A_1017 = arith.constant 0 : i32
    %dma_start3A_1018 = tpu.memref_slice %arg3[%dma_start3A_1016, %dma_start3A_1017] : memref<5000x128xf32, #tpu.memory_space<hbm>> -> memref<5000x128xf32, #tpu.memory_space<hbm>>
    tpu.enqueue_indirect_dma source(%dma_start3A_1018 : memref<5000x128xf32, #tpu.memory_space<hbm>>) target(%dma_start3A_1012 : memref<128x128xf32, #tpu.memory_space<vmem>>) offsets(%dma_start3A_1015 : memref<128xi32, #tpu.memory_space<vmem>>) semaphore(%arg9 : memref<!tpu.dma_semaphore, #tpu.memory_space<semaphore_mem>>)
    %dma_wait3A_1019 = arith.constant 0 : i32
    %dma_wait3A_1020 = arith.constant 0 : i32
    %dma_wait3A_1021 = arith.constant 0 : i32
    %dma_wait3A_1022 = arith.constant 0 : i32
    %dma_wait3A_1023 = arith.constant 0 : i32
    %dma_wait3A_1024 = tpu.memref_slice %arg7[%dma_wait3A_1021, %dma_wait3A_1022, %dma_wait3A_1023] : memref<3x128x128xf32, #tpu.memory_space<vmem>> -> memref<1x128x128xf32, #tpu.memory_space<vmem>>
    %dma_wait3A_1025 = tpu.memref_squeeze %dma_wait3A_1024 : memref<1x128x128xf32, #tpu.memory_space<vmem>> -> memref<128x128xf32, #tpu.memory_space<vmem>>
    %dma_wait3A_1026 = arith.constant 0 : i32
    %dma_wait3A_1027 = tpu.memref_slice %arg6[%dma_wait3A_1019, %dma_wait3A_1020, %dma_wait3A_1026] : memref<3x1x128xi32, #tpu.memory_space<vmem>> -> memref<1x1x128xi32, #tpu.memory_space<vmem>>
    %dma_wait3A_1028 = tpu.memref_squeeze %dma_wait3A_1027 : memref<1x1x128xi32, #tpu.memory_space<vmem>> -> memref<128xi32, #tpu.memory_space<vmem>>
    %dma_wait3A_1029 = arith.constant 0 : i32
    %dma_wait3A_1030 = arith.constant 0 : i32
    %dma_wait3A_1031 = tpu.memref_slice %arg3[%dma_wait3A_1029, %dma_wait3A_1030] : memref<5000x128xf32, #tpu.memory_space<hbm>> -> memref<5000x128xf32, #tpu.memory_space<hbm>>
    tpu.wait_indirect_dma semaphore(%arg9 : memref<!tpu.dma_semaphore, #tpu.memory_space<semaphore_mem>>) src(%dma_wait3A_1031 : memref<5000x128xf32, #tpu.memory_space<hbm>>) dst(%dma_wait3A_1025 : memref<128x128xf32, #tpu.memory_space<vmem>>)
    %add3A_1032 = arith.constant 25344 : i32
    %add3A_1033 = arith.addi %mul3A_2, %add3A_1032 : i32
    %dma_start3A_1034 = arith.constant 0 : i32
    %dma_start3A_1035 = arith.constant 0 : i32
    %dma_start3A_1036 = arith.constant 0 : i32
    %dma_start3A_1037 = tpu.memref_slice %arg7[%dma_start3A_1034, %dma_start3A_1035, %dma_start3A_1036] : memref<3x128x128xf32, #tpu.memory_space<vmem>> -> memref<1x128x128xf32, #tpu.memory_space<vmem>>
    %dma_start3A_1038 = tpu.memref_squeeze %dma_start3A_1037 : memref<1x128x128xf32, #tpu.memory_space<vmem>> -> memref<128x128xf32, #tpu.memory_space<vmem>>
    %dma_start3A_1039 = arith.constant 0 : i32
    %dma_start3A_1040 = tpu.memref_slice %arg4[%add3A_1033, %dma_start3A_1039] : memref<819200x128xf32, #tpu.memory_space<hbm>> -> memref<128x128xf32, #tpu.memory_space<hbm>>
    %dma_start3A_1041 = arith.constant 0 : i32
    %dma_start3A_1042 = tpu.memref_slice %arg4[%add3A_1033, %dma_start3A_1041] : memref<819200x128xf32, #tpu.memory_space<hbm>> -> memref<128x128xf32, #tpu.memory_space<hbm>>
    %dma_start3A_1043 = arith.constant 0 : i32
    %dma_start3A_1044 = arith.constant 0 : i32
    %dma_start3A_1045 = tpu.memref_slice %arg7[%dma_start3A_1034, %dma_start3A_1043, %dma_start3A_1044] : memref<3x128x128xf32, #tpu.memory_space<vmem>> -> memref<1x128x128xf32, #tpu.memory_space<vmem>>
    %dma_start3A_1046 = tpu.memref_squeeze %dma_start3A_1045 : memref<1x128x128xf32, #tpu.memory_space<vmem>> -> memref<128x128xf32, #tpu.memory_space<vmem>>
    tpu.enqueue_dma source(%dma_start3A_1046 : memref<128x128xf32, #tpu.memory_space<vmem>>) target(%dma_start3A_1042 : memref<128x128xf32, #tpu.memory_space<hbm>>) target_semaphore(%arg12 : memref<!tpu.dma_semaphore, #tpu.memory_space<semaphore_mem>>)
    %add3A_1047 = arith.constant 25088 : i32
    %add3A_1048 = arith.addi %mul3A_2, %add3A_1047 : i32
    %dma_wait3A_1049 = arith.constant 1 : i32
    %dma_wait3A_1050 = arith.constant 0 : i32
    %dma_wait3A_1051 = arith.constant 0 : i32
    %dma_wait3A_1052 = tpu.memref_slice %arg7[%dma_wait3A_1049, %dma_wait3A_1050, %dma_wait3A_1051] : memref<3x128x128xf32, #tpu.memory_space<vmem>> -> memref<1x128x128xf32, #tpu.memory_space<vmem>>
    %dma_wait3A_1053 = tpu.memref_squeeze %dma_wait3A_1052 : memref<1x128x128xf32, #tpu.memory_space<vmem>> -> memref<128x128xf32, #tpu.memory_space<vmem>>
    %dma_wait3A_1054 = arith.constant 0 : i32
    %dma_wait3A_1055 = tpu.memref_slice %arg4[%add3A_1048, %dma_wait3A_1054] : memref<819200x128xf32, #tpu.memory_space<hbm>> -> memref<128x128xf32, #tpu.memory_space<hbm>>
    %dma_wait3A_1056 = arith.constant 0 : i32
    %dma_wait3A_1057 = tpu.memref_slice %arg4[%add3A_1048, %dma_wait3A_1056] : memref<819200x128xf32, #tpu.memory_space<hbm>> -> memref<128x128xf32, #tpu.memory_space<hbm>>
    %dma_wait3A_1058 = arith.constant 0 : i32
    %dma_wait3A_1059 = arith.constant 0 : i32
    %dma_wait3A_1060 = tpu.memref_slice %arg7[%dma_wait3A_1049, %dma_wait3A_1058, %dma_wait3A_1059] : memref<3x128x128xf32, #tpu.memory_space<vmem>> -> memref<1x128x128xf32, #tpu.memory_space<vmem>>
    %dma_wait3A_1061 = tpu.memref_squeeze %dma_wait3A_1060 : memref<1x128x128xf32, #tpu.memory_space<vmem>> -> memref<128x128xf32, #tpu.memory_space<vmem>>
    tpu.wait_dma2 semaphore(%arg13 : memref<!tpu.dma_semaphore, #tpu.memory_space<semaphore_mem>>) src(%dma_wait3A_1061 : memref<128x128xf32, #tpu.memory_space<vmem>>) dst(%dma_wait3A_1057 : memref<128x128xf32, #tpu.memory_space<hbm>>)
    %get3A_1062 = arith.constant 25472 : index
    %get3A_1063 = tpu.vector_load %arg5[%get3A_1062] {strides = array<i32>} : memref<25600xf32, #tpu.memory_space<vmem>>, vector<16xf32>,
    %get3A_1064 = vector.shape_cast %get3A_1063 : vector<16xf32> to vector<16xf32>
    %max3A_1065 = arith.constant 2.000000e-04 : f32
    %max3A_1066 = vector.broadcast %max3A_1065 : f32 to vector<16xf32>
    %max3A_1067 = arith.maximumf %get3A_1064, %max3A_1066 : vector<16xf32>
    %mul3A_1068 = arith.constant 5.000000e+03 : f32
    %mul3A_1069 = vector.broadcast %mul3A_1068 : f32 to vector<16xf32>
    %mul3A_1070 = arith.mulf %max3A_1067, %mul3A_1069 : vector<16xf32>
    %add3A_1071 = arith.constant 0x4B400000 : f32
    %add3A_1072 = vector.broadcast %add3A_1071 : f32 to vector<16xf32>
    %add3A_1073 = arith.addf %mul3A_1070, %add3A_1072 : vector<16xf32>
    %sub3A_1074 = arith.constant 0x4B400000 : f32
    %sub3A_1075 = vector.broadcast %sub3A_1074 : f32 to vector<16xf32>
    %sub3A_1076 = arith.subf %add3A_1073, %sub3A_1075 : vector<16xf32>
    %convert_element_type3A_1077 = arith.fptosi %sub3A_1076 : vector<16xf32> to vector<16xi32>
    %sub3A_1078 = arith.constant 1 : i32
    %sub3A_1079 = vector.broadcast %sub3A_1078 : i32 to vector<16xi32>
    %sub3A_1080 = arith.subi %convert_element_type3A_1077, %sub3A_1079 : vector<16xi32>
    %swap3A_1081 = arith.constant 1 : i32
    %swap3A_1082 = arith.constant 0 : i32
    %swap3A_1083 = arith.index_cast %swap3A_1081 : i32 to index
    %swap3A_1084 = arith.index_cast %swap3A_1082 : i32 to index
    %swap3A_1085 = arith.constant 0 : index
    %swap3A_1086 = tpu.vector_load %arg6[%swap3A_1083, %swap3A_1084, %swap3A_1085] {strides = array<i32>} : memref<3x1x128xi32, #tpu.memory_space<vmem>>, vector<1x1x16xi32>,
    %swap3A_1087 = vector.shape_cast %swap3A_1086 : vector<1x1x16xi32> to vector<16xi32>
    %swap3A_1088 = vector.shape_cast %sub3A_1080 : vector<16xi32> to vector<1x1x16xi32>
    tpu.vector_store %arg6[%swap3A_1083, %swap3A_1084, %swap3A_1085], %swap3A_1088 {strides = array<i32>} : memref<3x1x128xi32, #tpu.memory_space<vmem>>, vector<1x1x16xi32>,
    %get3A_1089 = arith.constant 25488 : index
    %get3A_1090 = tpu.vector_load %arg5[%get3A_1089] {strides = array<i32>} : memref<25600xf32, #tpu.memory_space<vmem>>, vector<16xf32>,
    %get3A_1091 = vector.shape_cast %get3A_1090 : vector<16xf32> to vector<16xf32>
    %max3A_1092 = arith.constant 2.000000e-04 : f32
    %max3A_1093 = vector.broadcast %max3A_1092 : f32 to vector<16xf32>
    %max3A_1094 = arith.maximumf %get3A_1091, %max3A_1093 : vector<16xf32>
    %mul3A_1095 = arith.constant 5.000000e+03 : f32
    %mul3A_1096 = vector.broadcast %mul3A_1095 : f32 to vector<16xf32>
    %mul3A_1097 = arith.mulf %max3A_1094, %mul3A_1096 : vector<16xf32>
    %add3A_1098 = arith.constant 0x4B400000 : f32
    %add3A_1099 = vector.broadcast %add3A_1098 : f32 to vector<16xf32>
    %add3A_1100 = arith.addf %mul3A_1097, %add3A_1099 : vector<16xf32>
    %sub3A_1101 = arith.constant 0x4B400000 : f32
    %sub3A_1102 = vector.broadcast %sub3A_1101 : f32 to vector<16xf32>
    %sub3A_1103 = arith.subf %add3A_1100, %sub3A_1102 : vector<16xf32>
    %convert_element_type3A_1104 = arith.fptosi %sub3A_1103 : vector<16xf32> to vector<16xi32>
    %sub3A_1105 = arith.constant 1 : i32
    %sub3A_1106 = vector.broadcast %sub3A_1105 : i32 to vector<16xi32>
    %sub3A_1107 = arith.subi %convert_element_type3A_1104, %sub3A_1106 : vector<16xi32>
    %swap3A_1108 = arith.constant 1 : i32
    %swap3A_1109 = arith.constant 0 : i32
    %swap3A_1110 = arith.index_cast %swap3A_1108 : i32 to index
    %swap3A_1111 = arith.index_cast %swap3A_1109 : i32 to index
    %swap3A_1112 = arith.constant 16 : index
    %swap3A_1113 = tpu.vector_load %arg6[%swap3A_1110, %swap3A_1111, %swap3A_1112] {strides = array<i32>} : memref<3x1x128xi32, #tpu.memory_space<vmem>>, vector<1x1x16xi32>,
    %swap3A_1114 = vector.shape_cast %swap3A_1113 : vector<1x1x16xi32> to vector<16xi32>
    %swap3A_1115 = vector.shape_cast %sub3A_1107 : vector<16xi32> to vector<1x1x16xi32>
    tpu.vector_store %arg6[%swap3A_1110, %swap3A_1111, %swap3A_1112], %swap3A_1115 {strides = array<i32>} : memref<3x1x128xi32, #tpu.memory_space<vmem>>, vector<1x1x16xi32>,
    %get3A_1116 = arith.constant 25504 : index
    %get3A_1117 = tpu.vector_load %arg5[%get3A_1116] {strides = array<i32>} : memref<25600xf32, #tpu.memory_space<vmem>>, vector<16xf32>,
    %get3A_1118 = vector.shape_cast %get3A_1117 : vector<16xf32> to vector<16xf32>
    %max3A_1119 = arith.constant 2.000000e-04 : f32
    %max3A_1120 = vector.broadcast %max3A_1119 : f32 to vector<16xf32>
    %max3A_1121 = arith.maximumf %get3A_1118, %max3A_1120 : vector<16xf32>
    %mul3A_1122 = arith.constant 5.000000e+03 : f32
    %mul3A_1123 = vector.broadcast %mul3A_1122 : f32 to vector<16xf32>
    %mul3A_1124 = arith.mulf %max3A_1121, %mul3A_1123 : vector<16xf32>
    %add3A_1125 = arith.constant 0x4B400000 : f32
    %add3A_1126 = vector.broadcast %add3A_1125 : f32 to vector<16xf32>
    %add3A_1127 = arith.addf %mul3A_1124, %add3A_1126 : vector<16xf32>
    %sub3A_1128 = arith.constant 0x4B400000 : f32
    %sub3A_1129 = vector.broadcast %sub3A_1128 : f32 to vector<16xf32>
    %sub3A_1130 = arith.subf %add3A_1127, %sub3A_1129 : vector<16xf32>
    %convert_element_type3A_1131 = arith.fptosi %sub3A_1130 : vector<16xf32> to vector<16xi32>
    %sub3A_1132 = arith.constant 1 : i32
    %sub3A_1133 = vector.broadcast %sub3A_1132 : i32 to vector<16xi32>
    %sub3A_1134 = arith.subi %convert_element_type3A_1131, %sub3A_1133 : vector<16xi32>
    %swap3A_1135 = arith.constant 1 : i32
    %swap3A_1136 = arith.constant 0 : i32
    %swap3A_1137 = arith.index_cast %swap3A_1135 : i32 to index
    %swap3A_1138 = arith.index_cast %swap3A_1136 : i32 to index
    %swap3A_1139 = arith.constant 32 : index
    %swap3A_1140 = tpu.vector_load %arg6[%swap3A_1137, %swap3A_1138, %swap3A_1139] {strides = array<i32>} : memref<3x1x128xi32, #tpu.memory_space<vmem>>, vector<1x1x16xi32>,
    %swap3A_1141 = vector.shape_cast %swap3A_1140 : vector<1x1x16xi32> to vector<16xi32>
    %swap3A_1142 = vector.shape_cast %sub3A_1134 : vector<16xi32> to vector<1x1x16xi32>
    tpu.vector_store %arg6[%swap3A_1137, %swap3A_1138, %swap3A_1139], %swap3A_1142 {strides = array<i32>} : memref<3x1x128xi32, #tpu.memory_space<vmem>>, vector<1x1x16xi32>,
    %get3A_1143 = arith.constant 25520 : index
    %get3A_1144 = tpu.vector_load %arg5[%get3A_1143] {strides = array<i32>} : memref<25600xf32, #tpu.memory_space<vmem>>, vector<16xf32>,
    %get3A_1145 = vector.shape_cast %get3A_1144 : vector<16xf32> to vector<16xf32>
    %max3A_1146 = arith.constant 2.000000e-04 : f32
    %max3A_1147 = vector.broadcast %max3A_1146 : f32 to vector<16xf32>
    %max3A_1148 = arith.maximumf %get3A_1145, %max3A_1147 : vector<16xf32>
    %mul3A_1149 = arith.constant 5.000000e+03 : f32
    %mul3A_1150 = vector.broadcast %mul3A_1149 : f32 to vector<16xf32>
    %mul3A_1151 = arith.mulf %max3A_1148, %mul3A_1150 : vector<16xf32>
    %add3A_1152 = arith.constant 0x4B400000 : f32
    %add3A_1153 = vector.broadcast %add3A_1152 : f32 to vector<16xf32>
    %add3A_1154 = arith.addf %mul3A_1151, %add3A_1153 : vector<16xf32>
    %sub3A_1155 = arith.constant 0x4B400000 : f32
    %sub3A_1156 = vector.broadcast %sub3A_1155 : f32 to vector<16xf32>
    %sub3A_1157 = arith.subf %add3A_1154, %sub3A_1156 : vector<16xf32>
    %convert_element_type3A_1158 = arith.fptosi %sub3A_1157 : vector<16xf32> to vector<16xi32>
    %sub3A_1159 = arith.constant 1 : i32
    %sub3A_1160 = vector.broadcast %sub3A_1159 : i32 to vector<16xi32>
    %sub3A_1161 = arith.subi %convert_element_type3A_1158, %sub3A_1160 : vector<16xi32>
    %swap3A_1162 = arith.constant 1 : i32
    %swap3A_1163 = arith.constant 0 : i32
    %swap3A_1164 = arith.index_cast %swap3A_1162 : i32 to index
    %swap3A_1165 = arith.index_cast %swap3A_1163 : i32 to index
    %swap3A_1166 = arith.constant 48 : index
    %swap3A_1167 = tpu.vector_load %arg6[%swap3A_1164, %swap3A_1165, %swap3A_1166] {strides = array<i32>} : memref<3x1x128xi32, #tpu.memory_space<vmem>>, vector<1x1x16xi32>,
    %swap3A_1168 = vector.shape_cast %swap3A_1167 : vector<1x1x16xi32> to vector<16xi32>
    %swap3A_1169 = vector.shape_cast %sub3A_1161 : vector<16xi32> to vector<1x1x16xi32>
    tpu.vector_store %arg6[%swap3A_1164, %swap3A_1165, %swap3A_1166], %swap3A_1169 {strides = array<i32>} : memref<3x1x128xi32, #tpu.memory_space<vmem>>, vector<1x1x16xi32>,
    %get3A_1170 = arith.constant 25536 : index
    %get3A_1171 = tpu.vector_load %arg5[%get3A_1170] {strides = array<i32>} : memref<25600xf32, #tpu.memory_space<vmem>>, vector<16xf32>,
    %get3A_1172 = vector.shape_cast %get3A_1171 : vector<16xf32> to vector<16xf32>
    %max3A_1173 = arith.constant 2.000000e-04 : f32
    %max3A_1174 = vector.broadcast %max3A_1173 : f32 to vector<16xf32>
    %max3A_1175 = arith.maximumf %get3A_1172, %max3A_1174 : vector<16xf32>
    %mul3A_1176 = arith.constant 5.000000e+03 : f32
    %mul3A_1177 = vector.broadcast %mul3A_1176 : f32 to vector<16xf32>
    %mul3A_1178 = arith.mulf %max3A_1175, %mul3A_1177 : vector<16xf32>
    %add3A_1179 = arith.constant 0x4B400000 : f32
    %add3A_1180 = vector.broadcast %add3A_1179 : f32 to vector<16xf32>
    %add3A_1181 = arith.addf %mul3A_1178, %add3A_1180 : vector<16xf32>
    %sub3A_1182 = arith.constant 0x4B400000 : f32
    %sub3A_1183 = vector.broadcast %sub3A_1182 : f32 to vector<16xf32>
    %sub3A_1184 = arith.subf %add3A_1181, %sub3A_1183 : vector<16xf32>
    %convert_element_type3A_1185 = arith.fptosi %sub3A_1184 : vector<16xf32> to vector<16xi32>
    %sub3A_1186 = arith.constant 1 : i32
    %sub3A_1187 = vector.broadcast %sub3A_1186 : i32 to vector<16xi32>
    %sub3A_1188 = arith.subi %convert_element_type3A_1185, %sub3A_1187 : vector<16xi32>
    %swap3A_1189 = arith.constant 1 : i32
    %swap3A_1190 = arith.constant 0 : i32
    %swap3A_1191 = arith.index_cast %swap3A_1189 : i32 to index
    %swap3A_1192 = arith.index_cast %swap3A_1190 : i32 to index
    %swap3A_1193 = arith.constant 64 : index
    %swap3A_1194 = tpu.vector_load %arg6[%swap3A_1191, %swap3A_1192, %swap3A_1193] {strides = array<i32>} : memref<3x1x128xi32, #tpu.memory_space<vmem>>, vector<1x1x16xi32>,
    %swap3A_1195 = vector.shape_cast %swap3A_1194 : vector<1x1x16xi32> to vector<16xi32>
    %swap3A_1196 = vector.shape_cast %sub3A_1188 : vector<16xi32> to vector<1x1x16xi32>
    tpu.vector_store %arg6[%swap3A_1191, %swap3A_1192, %swap3A_1193], %swap3A_1196 {strides = array<i32>} : memref<3x1x128xi32, #tpu.memory_space<vmem>>, vector<1x1x16xi32>,
    %get3A_1197 = arith.constant 25552 : index
    %get3A_1198 = tpu.vector_load %arg5[%get3A_1197] {strides = array<i32>} : memref<25600xf32, #tpu.memory_space<vmem>>, vector<16xf32>,
    %get3A_1199 = vector.shape_cast %get3A_1198 : vector<16xf32> to vector<16xf32>
    %max3A_1200 = arith.constant 2.000000e-04 : f32
    %max3A_1201 = vector.broadcast %max3A_1200 : f32 to vector<16xf32>
    %max3A_1202 = arith.maximumf %get3A_1199, %max3A_1201 : vector<16xf32>
    %mul3A_1203 = arith.constant 5.000000e+03 : f32
    %mul3A_1204 = vector.broadcast %mul3A_1203 : f32 to vector<16xf32>
    %mul3A_1205 = arith.mulf %max3A_1202, %mul3A_1204 : vector<16xf32>
    %add3A_1206 = arith.constant 0x4B400000 : f32
    %add3A_1207 = vector.broadcast %add3A_1206 : f32 to vector<16xf32>
    %add3A_1208 = arith.addf %mul3A_1205, %add3A_1207 : vector<16xf32>
    %sub3A_1209 = arith.constant 0x4B400000 : f32
    %sub3A_1210 = vector.broadcast %sub3A_1209 : f32 to vector<16xf32>
    %sub3A_1211 = arith.subf %add3A_1208, %sub3A_1210 : vector<16xf32>
    %convert_element_type3A_1212 = arith.fptosi %sub3A_1211 : vector<16xf32> to vector<16xi32>
    %sub3A_1213 = arith.constant 1 : i32
    %sub3A_1214 = vector.broadcast %sub3A_1213 : i32 to vector<16xi32>
    %sub3A_1215 = arith.subi %convert_element_type3A_1212, %sub3A_1214 : vector<16xi32>
    %swap3A_1216 = arith.constant 1 : i32
    %swap3A_1217 = arith.constant 0 : i32
    %swap3A_1218 = arith.index_cast %swap3A_1216 : i32 to index
    %swap3A_1219 = arith.index_cast %swap3A_1217 : i32 to index
    %swap3A_1220 = arith.constant 80 : index
    %swap3A_1221 = tpu.vector_load %arg6[%swap3A_1218, %swap3A_1219, %swap3A_1220] {strides = array<i32>} : memref<3x1x128xi32, #tpu.memory_space<vmem>>, vector<1x1x16xi32>,
    %swap3A_1222 = vector.shape_cast %swap3A_1221 : vector<1x1x16xi32> to vector<16xi32>
    %swap3A_1223 = vector.shape_cast %sub3A_1215 : vector<16xi32> to vector<1x1x16xi32>
    tpu.vector_store %arg6[%swap3A_1218, %swap3A_1219, %swap3A_1220], %swap3A_1223 {strides = array<i32>} : memref<3x1x128xi32, #tpu.memory_space<vmem>>, vector<1x1x16xi32>,
    %get3A_1224 = arith.constant 25568 : index
    %get3A_1225 = tpu.vector_load %arg5[%get3A_1224] {strides = array<i32>} : memref<25600xf32, #tpu.memory_space<vmem>>, vector<16xf32>,
    %get3A_1226 = vector.shape_cast %get3A_1225 : vector<16xf32> to vector<16xf32>
    %max3A_1227 = arith.constant 2.000000e-04 : f32
    %max3A_1228 = vector.broadcast %max3A_1227 : f32 to vector<16xf32>
    %max3A_1229 = arith.maximumf %get3A_1226, %max3A_1228 : vector<16xf32>
    %mul3A_1230 = arith.constant 5.000000e+03 : f32
    %mul3A_1231 = vector.broadcast %mul3A_1230 : f32 to vector<16xf32>
    %mul3A_1232 = arith.mulf %max3A_1229, %mul3A_1231 : vector<16xf32>
    %add3A_1233 = arith.constant 0x4B400000 : f32
    %add3A_1234 = vector.broadcast %add3A_1233 : f32 to vector<16xf32>
    %add3A_1235 = arith.addf %mul3A_1232, %add3A_1234 : vector<16xf32>
    %sub3A_1236 = arith.constant 0x4B400000 : f32
    %sub3A_1237 = vector.broadcast %sub3A_1236 : f32 to vector<16xf32>
    %sub3A_1238 = arith.subf %add3A_1235, %sub3A_1237 : vector<16xf32>
    %convert_element_type3A_1239 = arith.fptosi %sub3A_1238 : vector<16xf32> to vector<16xi32>
    %sub3A_1240 = arith.constant 1 : i32
    %sub3A_1241 = vector.broadcast %sub3A_1240 : i32 to vector<16xi32>
    %sub3A_1242 = arith.subi %convert_element_type3A_1239, %sub3A_1241 : vector<16xi32>
    %swap3A_1243 = arith.constant 1 : i32
    %swap3A_1244 = arith.constant 0 : i32
    %swap3A_1245 = arith.index_cast %swap3A_1243 : i32 to index
    %swap3A_1246 = arith.index_cast %swap3A_1244 : i32 to index
    %swap3A_1247 = arith.constant 96 : index
    %swap3A_1248 = tpu.vector_load %arg6[%swap3A_1245, %swap3A_1246, %swap3A_1247] {strides = array<i32>} : memref<3x1x128xi32, #tpu.memory_space<vmem>>, vector<1x1x16xi32>,
    %swap3A_1249 = vector.shape_cast %swap3A_1248 : vector<1x1x16xi32> to vector<16xi32>
    %swap3A_1250 = vector.shape_cast %sub3A_1242 : vector<16xi32> to vector<1x1x16xi32>
    tpu.vector_store %arg6[%swap3A_1245, %swap3A_1246, %swap3A_1247], %swap3A_1250 {strides = array<i32>} : memref<3x1x128xi32, #tpu.memory_space<vmem>>, vector<1x1x16xi32>,
    %get3A_1251 = arith.constant 25584 : index
    %get3A_1252 = tpu.vector_load %arg5[%get3A_1251] {strides = array<i32>} : memref<25600xf32, #tpu.memory_space<vmem>>, vector<16xf32>,
    %get3A_1253 = vector.shape_cast %get3A_1252 : vector<16xf32> to vector<16xf32>
    %max3A_1254 = arith.constant 2.000000e-04 : f32
    %max3A_1255 = vector.broadcast %max3A_1254 : f32 to vector<16xf32>
    %max3A_1256 = arith.maximumf %get3A_1253, %max3A_1255 : vector<16xf32>
    %mul3A_1257 = arith.constant 5.000000e+03 : f32
    %mul3A_1258 = vector.broadcast %mul3A_1257 : f32 to vector<16xf32>
    %mul3A_1259 = arith.mulf %max3A_1256, %mul3A_1258 : vector<16xf32>
    %add3A_1260 = arith.constant 0x4B400000 : f32
    %add3A_1261 = vector.broadcast %add3A_1260 : f32 to vector<16xf32>
    %add3A_1262 = arith.addf %mul3A_1259, %add3A_1261 : vector<16xf32>
    %sub3A_1263 = arith.constant 0x4B400000 : f32
    %sub3A_1264 = vector.broadcast %sub3A_1263 : f32 to vector<16xf32>
    %sub3A_1265 = arith.subf %add3A_1262, %sub3A_1264 : vector<16xf32>
    %convert_element_type3A_1266 = arith.fptosi %sub3A_1265 : vector<16xf32> to vector<16xi32>
    %sub3A_1267 = arith.constant 1 : i32
    %sub3A_1268 = vector.broadcast %sub3A_1267 : i32 to vector<16xi32>
    %sub3A_1269 = arith.subi %convert_element_type3A_1266, %sub3A_1268 : vector<16xi32>
    %swap3A_1270 = arith.constant 1 : i32
    %swap3A_1271 = arith.constant 0 : i32
    %swap3A_1272 = arith.index_cast %swap3A_1270 : i32 to index
    %swap3A_1273 = arith.index_cast %swap3A_1271 : i32 to index
    %swap3A_1274 = arith.constant 112 : index
    %swap3A_1275 = tpu.vector_load %arg6[%swap3A_1272, %swap3A_1273, %swap3A_1274] {strides = array<i32>} : memref<3x1x128xi32, #tpu.memory_space<vmem>>, vector<1x1x16xi32>,
    %swap3A_1276 = vector.shape_cast %swap3A_1275 : vector<1x1x16xi32> to vector<16xi32>
    %swap3A_1277 = vector.shape_cast %sub3A_1269 : vector<16xi32> to vector<1x1x16xi32>
    tpu.vector_store %arg6[%swap3A_1272, %swap3A_1273, %swap3A_1274], %swap3A_1277 {strides = array<i32>} : memref<3x1x128xi32, #tpu.memory_space<vmem>>, vector<1x1x16xi32>,
    %dma_start3A_1278 = arith.constant 1 : i32
    %dma_start3A_1279 = arith.constant 0 : i32
    %dma_start3A_1280 = arith.constant 1 : i32
    %dma_start3A_1281 = arith.constant 0 : i32
    %dma_start3A_1282 = arith.constant 0 : i32
    %dma_start3A_1283 = tpu.memref_slice %arg7[%dma_start3A_1280, %dma_start3A_1281, %dma_start3A_1282] : memref<3x128x128xf32, #tpu.memory_space<vmem>> -> memref<1x128x128xf32, #tpu.memory_space<vmem>>
    %dma_start3A_1284 = tpu.memref_squeeze %dma_start3A_1283 : memref<1x128x128xf32, #tpu.memory_space<vmem>> -> memref<128x128xf32, #tpu.memory_space<vmem>>
    %dma_start3A_1285 = arith.constant 0 : i32
    %dma_start3A_1286 = tpu.memref_slice %arg6[%dma_start3A_1278, %dma_start3A_1279, %dma_start3A_1285] : memref<3x1x128xi32, #tpu.memory_space<vmem>> -> memref<1x1x128xi32, #tpu.memory_space<vmem>>
    %dma_start3A_1287 = tpu.memref_squeeze %dma_start3A_1286 : memref<1x1x128xi32, #tpu.memory_space<vmem>> -> memref<128xi32, #tpu.memory_space<vmem>>
    %dma_start3A_1288 = arith.constant 0 : i32
    %dma_start3A_1289 = arith.constant 0 : i32
    %dma_start3A_1290 = tpu.memref_slice %arg3[%dma_start3A_1288, %dma_start3A_1289] : memref<5000x128xf32, #tpu.memory_space<hbm>> -> memref<5000x128xf32, #tpu.memory_space<hbm>>
    tpu.enqueue_indirect_dma source(%dma_start3A_1290 : memref<5000x128xf32, #tpu.memory_space<hbm>>) target(%dma_start3A_1284 : memref<128x128xf32, #tpu.memory_space<vmem>>) offsets(%dma_start3A_1287 : memref<128xi32, #tpu.memory_space<vmem>>) semaphore(%arg10 : memref<!tpu.dma_semaphore, #tpu.memory_space<semaphore_mem>>)
    %dma_wait3A_1291 = arith.constant 1 : i32
    %dma_wait3A_1292 = arith.constant 0 : i32
    %dma_wait3A_1293 = arith.constant 1 : i32
    %dma_wait3A_1294 = arith.constant 0 : i32
    %dma_wait3A_1295 = arith.constant 0 : i32
    %dma_wait3A_1296 = tpu.memref_slice %arg7[%dma_wait3A_1293, %dma_wait3A_1294, %dma_wait3A_1295] : memref<3x128x128xf32, #tpu.memory_space<vmem>> -> memref<1x128x128xf32, #tpu.memory_space<vmem>>
    %dma_wait3A_1297 = tpu.memref_squeeze %dma_wait3A_1296 : memref<1x128x128xf32, #tpu.memory_space<vmem>> -> memref<128x128xf32, #tpu.memory_space<vmem>>
    %dma_wait3A_1298 = arith.constant 0 : i32
    %dma_wait3A_1299 = tpu.memref_slice %arg6[%dma_wait3A_1291, %dma_wait3A_1292, %dma_wait3A_1298] : memref<3x1x128xi32, #tpu.memory_space<vmem>> -> memref<1x1x128xi32, #tpu.memory_space<vmem>>
    %dma_wait3A_1300 = tpu.memref_squeeze %dma_wait3A_1299 : memref<1x1x128xi32, #tpu.memory_space<vmem>> -> memref<128xi32, #tpu.memory_space<vmem>>
    %dma_wait3A_1301 = arith.constant 0 : i32
    %dma_wait3A_1302 = arith.constant 0 : i32
    %dma_wait3A_1303 = tpu.memref_slice %arg3[%dma_wait3A_1301, %dma_wait3A_1302] : memref<5000x128xf32, #tpu.memory_space<hbm>> -> memref<5000x128xf32, #tpu.memory_space<hbm>>
    tpu.wait_indirect_dma semaphore(%arg10 : memref<!tpu.dma_semaphore, #tpu.memory_space<semaphore_mem>>) src(%dma_wait3A_1303 : memref<5000x128xf32, #tpu.memory_space<hbm>>) dst(%dma_wait3A_1297 : memref<128x128xf32, #tpu.memory_space<vmem>>)
    %add3A_1304 = arith.constant 25472 : i32
    %add3A_1305 = arith.addi %mul3A_2, %add3A_1304 : i32
    %dma_start3A_1306 = arith.constant 1 : i32
    %dma_start3A_1307 = arith.constant 0 : i32
    %dma_start3A_1308 = arith.constant 0 : i32
    %dma_start3A_1309 = tpu.memref_slice %arg7[%dma_start3A_1306, %dma_start3A_1307, %dma_start3A_1308] : memref<3x128x128xf32, #tpu.memory_space<vmem>> -> memref<1x128x128xf32, #tpu.memory_space<vmem>>
    %dma_start3A_1310 = tpu.memref_squeeze %dma_start3A_1309 : memref<1x128x128xf32, #tpu.memory_space<vmem>> -> memref<128x128xf32, #tpu.memory_space<vmem>>
    %dma_start3A_1311 = arith.constant 0 : i32
    %dma_start3A_1312 = tpu.memref_slice %arg4[%add3A_1305, %dma_start3A_1311] : memref<819200x128xf32, #tpu.memory_space<hbm>> -> memref<128x128xf32, #tpu.memory_space<hbm>>
    %dma_start3A_1313 = arith.constant 0 : i32
    %dma_start3A_1314 = tpu.memref_slice %arg4[%add3A_1305, %dma_start3A_1313] : memref<819200x128xf32, #tpu.memory_space<hbm>> -> memref<128x128xf32, #tpu.memory_space<hbm>>
    %dma_start3A_1315 = arith.constant 0 : i32
    %dma_start3A_1316 = arith.constant 0 : i32
    %dma_start3A_1317 = tpu.memref_slice %arg7[%dma_start3A_1306, %dma_start3A_1315, %dma_start3A_1316] : memref<3x128x128xf32, #tpu.memory_space<vmem>> -> memref<1x128x128xf32, #tpu.memory_space<vmem>>
    %dma_start3A_1318 = tpu.memref_squeeze %dma_start3A_1317 : memref<1x128x128xf32, #tpu.memory_space<vmem>> -> memref<128x128xf32, #tpu.memory_space<vmem>>
    tpu.enqueue_dma source(%dma_start3A_1318 : memref<128x128xf32, #tpu.memory_space<vmem>>) target(%dma_start3A_1314 : memref<128x128xf32, #tpu.memory_space<hbm>>) target_semaphore(%arg13 : memref<!tpu.dma_semaphore, #tpu.memory_space<semaphore_mem>>)
    %add3A_1319 = arith.constant 25216 : i32
    %add3A_1320 = arith.addi %mul3A_2, %add3A_1319 : i32
    %dma_wait3A_1321 = arith.constant 2 : i32
    %dma_wait3A_1322 = arith.constant 0 : i32
    %dma_wait3A_1323 = arith.constant 0 : i32
    %dma_wait3A_1324 = tpu.memref_slice %arg7[%dma_wait3A_1321, %dma_wait3A_1322, %dma_wait3A_1323] : memref<3x128x128xf32, #tpu.memory_space<vmem>> -> memref<1x128x128xf32, #tpu.memory_space<vmem>>
    %dma_wait3A_1325 = tpu.memref_squeeze %dma_wait3A_1324 : memref<1x128x128xf32, #tpu.memory_space<vmem>> -> memref<128x128xf32, #tpu.memory_space<vmem>>
    %dma_wait3A_1326 = arith.constant 0 : i32
    %dma_wait3A_1327 = tpu.memref_slice %arg4[%add3A_1320, %dma_wait3A_1326] : memref<819200x128xf32, #tpu.memory_space<hbm>> -> memref<128x128xf32, #tpu.memory_space<hbm>>
    %dma_wait3A_1328 = arith.constant 0 : i32
    %dma_wait3A_1329 = tpu.memref_slice %arg4[%add3A_1320, %dma_wait3A_1328] : memref<819200x128xf32, #tpu.memory_space<hbm>> -> memref<128x128xf32, #tpu.memory_space<hbm>>
    %dma_wait3A_1330 = arith.constant 0 : i32
    %dma_wait3A_1331 = arith.constant 0 : i32
    %dma_wait3A_1332 = tpu.memref_slice %arg7[%dma_wait3A_1321, %dma_wait3A_1330, %dma_wait3A_1331] : memref<3x128x128xf32, #tpu.memory_space<vmem>> -> memref<1x128x128xf32, #tpu.memory_space<vmem>>
    %dma_wait3A_1333 = tpu.memref_squeeze %dma_wait3A_1332 : memref<1x128x128xf32, #tpu.memory_space<vmem>> -> memref<128x128xf32, #tpu.memory_space<vmem>>
    tpu.wait_dma2 semaphore(%arg14 : memref<!tpu.dma_semaphore, #tpu.memory_space<semaphore_mem>>) src(%dma_wait3A_1333 : memref<128x128xf32, #tpu.memory_space<vmem>>) dst(%dma_wait3A_1329 : memref<128x128xf32, #tpu.memory_space<hbm>>)
    %add3A_1334 = arith.constant 25344 : i32
    %add3A_1335 = arith.addi %mul3A_2, %add3A_1334 : i32
    %dma_wait3A_1336 = arith.constant 0 : i32
    %dma_wait3A_1337 = arith.constant 0 : i32
    %dma_wait3A_1338 = arith.constant 0 : i32
    %dma_wait3A_1339 = tpu.memref_slice %arg7[%dma_wait3A_1336, %dma_wait3A_1337, %dma_wait3A_1338] : memref<3x128x128xf32, #tpu.memory_space<vmem>> -> memref<1x128x128xf32, #tpu.memory_space<vmem>>
    %dma_wait3A_1340 = tpu.memref_squeeze %dma_wait3A_1339 : memref<1x128x128xf32, #tpu.memory_space<vmem>> -> memref<128x128xf32, #tpu.memory_space<vmem>>
    %dma_wait3A_1341 = arith.constant 0 : i32
    %dma_wait3A_1342 = tpu.memref_slice %arg4[%add3A_1335, %dma_wait3A_1341] : memref<819200x128xf32, #tpu.memory_space<hbm>> -> memref<128x128xf32, #tpu.memory_space<hbm>>
    %dma_wait3A_1343 = arith.constant 0 : i32
    %dma_wait3A_1344 = tpu.memref_slice %arg4[%add3A_1335, %dma_wait3A_1343] : memref<819200x128xf32, #tpu.memory_space<hbm>> -> memref<128x128xf32, #tpu.memory_space<hbm>>
    %dma_wait3A_1345 = arith.constant 0 : i32
    %dma_wait3A_1346 = arith.constant 0 : i32
    %dma_wait3A_1347 = tpu.memref_slice %arg7[%dma_wait3A_1336, %dma_wait3A_1345, %dma_wait3A_1346] : memref<3x128x128xf32, #tpu.memory_space<vmem>> -> memref<1x128x128xf32, #tpu.memory_space<vmem>>
    %dma_wait3A_1348 = tpu.memref_squeeze %dma_wait3A_1347 : memref<1x128x128xf32, #tpu.memory_space<vmem>> -> memref<128x128xf32, #tpu.memory_space<vmem>>
    tpu.wait_dma2 semaphore(%arg12 : memref<!tpu.dma_semaphore, #tpu.memory_space<semaphore_mem>>) src(%dma_wait3A_1348 : memref<128x128xf32, #tpu.memory_space<vmem>>) dst(%dma_wait3A_1344 : memref<128x128xf32, #tpu.memory_space<hbm>>)
    %add3A_1349 = arith.constant 25472 : i32
    %add3A_1350 = arith.addi %mul3A_2, %add3A_1349 : i32
    %dma_wait3A_1351 = arith.constant 1 : i32
    %dma_wait3A_1352 = arith.constant 0 : i32
    %dma_wait3A_1353 = arith.constant 0 : i32
    %dma_wait3A_1354 = tpu.memref_slice %arg7[%dma_wait3A_1351, %dma_wait3A_1352, %dma_wait3A_1353] : memref<3x128x128xf32, #tpu.memory_space<vmem>> -> memref<1x128x128xf32, #tpu.memory_space<vmem>>
    %dma_wait3A_1355 = tpu.memref_squeeze %dma_wait3A_1354 : memref<1x128x128xf32, #tpu.memory_space<vmem>> -> memref<128x128xf32, #tpu.memory_space<vmem>>
    %dma_wait3A_1356 = arith.constant 0 : i32
    %dma_wait3A_1357 = tpu.memref_slice %arg4[%add3A_1350, %dma_wait3A_1356] : memref<819200x128xf32, #tpu.memory_space<hbm>> -> memref<128x128xf32, #tpu.memory_space<hbm>>
    %dma_wait3A_1358 = arith.constant 0 : i32
    %dma_wait3A_1359 = tpu.memref_slice %arg4[%add3A_1350, %dma_wait3A_1358] : memref<819200x128xf32, #tpu.memory_space<hbm>> -> memref<128x128xf32, #tpu.memory_space<hbm>>
    %dma_wait3A_1360 = arith.constant 0 : i32
    %dma_wait3A_1361 = arith.constant 0 : i32
    %dma_wait3A_1362 = tpu.memref_slice %arg7[%dma_wait3A_1351, %dma_wait3A_1360, %dma_wait3A_1361] : memref<3x128x128xf32, #tpu.memory_space<vmem>> -> memref<1x128x128xf32, #tpu.memory_space<vmem>>
    %dma_wait3A_1363 = tpu.memref_squeeze %dma_wait3A_1362 : memref<1x128x128xf32, #tpu.memory_space<vmem>> -> memref<128x128xf32, #tpu.memory_space<vmem>>
    tpu.wait_dma2 semaphore(%arg13 : memref<!tpu.dma_semaphore, #tpu.memory_space<semaphore_mem>>) src(%dma_wait3A_1363 : memref<128x128xf32, #tpu.memory_space<vmem>>) dst(%dma_wait3A_1359 : memref<128x128xf32, #tpu.memory_space<hbm>>)
    return
  }
}

</mosaic_0001>

<sc_bundles>
// kernel: kernel.3.cloned.1.call-start
scs
__scs_entry_jumppad:
0x0: {  	(pc) =	sbr.rel $0x88, $3  }
0x1: {  	(tag) =	ssettag $0x0;
	lr =	simm.s32 $0x1  }
0x2: {  	[smem:$0x3F9F] =	sst lr;
	_ =	strace $0xD0000000  }
0x3: {  	_ = 	snop  }
0x4: {  	_ = 	snop  }
0x5: {  	_ = 	snop  }
0x6: {  	_ = 	snop  }
0x7: {  	_ = 	snop  }
__scs_overlays_trampoline_lowered:
0x8: {  	[smem:$0x3FAE] =	sst s0  }
0x9: {  	[smem:$0x3FAF] =	sst s1  }
0xa: {  	[smem:$0x3FB0] =	sst s2  }
0xb: {  	[smem:$0x3FB1] =	sst s3  }
0xc: {  	[smem:$0x3FB2] =	sst s4  }
0xd: {  	[smem:$0x3FB3] =	sst s5  }
0xe: {  	[smem:$0x3FB4] =	sst s6  }
0xf: {  	[smem:$0x3FB5] =	sst s7  }
0x10: {  	[smem:$0x3FB6] =	sst s8  }
0x11: {  	[smem:$0x3FB7] =	sst s9;
	s0 =	simm.s32 @!p0 $0x0  }
0x12: {  	s1 =	sld [smem:$0x3F9D];
	s0 =	simm.s32 @p0 $0x1  }
0x13: {  	[smem:$0x3FB8] =	sst s0;
	s0 =	simm.s32 @!p1 $0x0  }
0x14: {  	s2 =	sld [smem:$0x3F9C];
	s0 =	simm.s32 @p1 $0x1  }
0x15: {  	[smem:$0x3FB9] =	sst s0;
	s0 =	simm.s32 @!p2 $0x0  }
0x16: {  	s3 =	sld [smem:$0x3FDB];
	s0 =	simm.s32 @p2 $0x1  }
0x17: {  	s4 =	simm.s32 $0x1BF5;
	[smem:$0x3FBB] =	sst s0  }
0x18: {  	s0 =	sld [smem:$0x3F9E];
	_ =	swait.ge [sflag:s4], $0x0  }
0x19: {  	s7 =	sld [smem:$0x3F9F]  }
0x1a: {  	s8 =	sadd.s32 $0xFFFFE003, lr  }
0x1b: {  	s9 =	sadd.s32 $0xFFFFFEF7, lr;
	s5 =	simm.s32 $0xFFFFFFFF;
	p2 =	slt.u32 s8, $0xFFFFF086  }
0x1c: {  	p1 =	slt.u32 s9, $0xF7A;
	s5 =	simm.s32 @!p2 $0x0  }
0x1d: {  	s5 =	simm.s32 @p1 $0x1;
	p0 =	seq.s32 s7, s2  }
0x1e: {  	s7 =	smul.u32 @!p0 $0xF7A, s2;
	p2 =	seq.s32 @!p0 s5, $0x0  }
0x1f: {  	s9 =	smul.u32 $0xF7A, s1;
	s8 =	simm.s32 @!p0 $0x1BF5;
	p2 =	por !p2, p0  }
0x20: {  	[sflag:s8] =	ssyncset.s32 @!p0 $0xFFFFF086;
	s6 =	sadd.s32 @!p0 s3, s7;
	s7 =	simm.s32 @!p0 $0x108  }
0x21: {  	s3 =	sadd.s32 s3, s9;
	s6 =	sadd.s32 @!p0 $0x88, s6;
	s7 =	simm.s32 @p2 $0x1082  }
0x22: {  	[simem:s7], [sflag:s8] =	dma.local @!p0 [hbm:s6], $0xF7A  }
0x23: {  	s9 =	sor.u32 $0xD0000000, s2;
	s6 =	simm.s32 $0x108;
	_ =	swait.ge @!p0 [sflag:s8], $0x0  }
0x24: {  	s3 =	sadd.s32 $0x88, s3;
	s6 =	simm.s32 @!p1 $0x1082;
	[sflag:s4] =	ssyncset.s32 $0xFFFFF086  }
0x25: {  	[simem:s6], [sflag:s4] =	dma.local [hbm:s3], $0xF7A  }
0x26: {  	[smem:$0x3F9F] =	sst s1;
	(tag) =	ssettag s2;
	_ =	strace s9  }
0x27: {  	s1 =	sld [smem:$0x3FAF]  }
0x28: {  	s2 =	sld [smem:$0x3FB0]  }
0x29: {  	s4 =	sld [smem:$0x3FB2]  }
0x2a: {  	p0 =	seq.s32 s5, $0x0;
	s5 =	sld [smem:$0x3FB3]  }
0x2b: {  	s6 =	sld [smem:$0x3FB4]  }
0x2c: {  	s7 =	sld [smem:$0x3FB5]  }
0x2d: {  	s3 =	simm.s32 $0x108;
	s8 =	sld [smem:$0x3FB6]  }
0x2e: {  	s3 =	simm.s32 @!p0 $0x1082;
	s9 =	sld [smem:$0x3FB7]  }
0x2f: {  	lr =	sadd.s32 s0, s3;
	s0 =	sld [smem:$0x3FAE]  }
0x30: {  	s3 =	sld [smem:$0x3FB1]  }
0x31: {  	[smem:$0x3FBA] =	sst s10  }
0x32: {  	s10 =	sld [smem:$0x3FB8];
	_ =	sdelay $0x3  }
0x33: {  	p0 =	seq.s32 s10, $0x1;
	s10 =	sld [smem:$0x3FBA];
	_ =	sdelay $0x3  }
0x34: {  	[smem:$0x3FBA] =	sst s10  }
0x35: {  	s10 =	sld [smem:$0x3FB9];
	_ =	sdelay $0x3  }
0x36: {  	p1 =	seq.s32 s10, $0x1;
	s10 =	sld [smem:$0x3FBA];
	_ =	sdelay $0x3  }
0x37: {  	[smem:$0x3FBA] =	sst s10  }
0x38: {  	s10 =	sld [smem:$0x3FBB]  }
0x39: {  	_ = 	snop;
	(pc) =	sbr.ind lr, $3  }
0x3a: {  	_ = 	snop  }
0x3b: {  	_ = 	snop  }
0x3c: {  	p2 =	seq.s32 s10, $0x1;
	s10 =	sld [smem:$0x3FBA]  }
0x3d: {  	_ =	shalt  }
0x3e: {  	_ =	shalt  }
0x3f: {  	_ =	shalt  }
0x40: {  	_ =	shalt  }
0x41: {  	_ =	shalt  }
0x42: {  	_ =	shalt  }
0x43: {  	_ =	shalt  }
0x44: {  	_ =	shalt  }
0x45: {  	_ =	shalt  }
0x46: {  	_ =	shalt  }
0x47: {  	_ =	shalt  }
0x48: {  	_ =	shalt  }
0x49: {  	_ =	shalt  }
0x4a: {  	_ =	shalt  }
0x4b: {  	_ =	shalt  }
0x4c: {  	_ =	shalt  }
0x4d: {  	_ =	shalt  }
0x4e: {  	_ =	shalt  }
0x4f: {  	_ =	shalt  }
0x50: {  	_ =	shalt  }
0x51: {  	_ =	shalt  }
0x52: {  	_ =	shalt  }
0x53: {  	_ =	shalt  }
0x54: {  	_ =	shalt  }
0x55: {  	_ =	shalt  }
0x56: {  	_ =	shalt  }
0x57: {  	_ =	shalt  }
0x58: {  	_ =	shalt  }
0x59: {  	_ =	shalt  }
0x5a: {  	_ =	shalt  }
0x5b: {  	_ =	shalt  }
0x5c: {  	_ =	shalt  }
0x5d: {  	_ =	shalt  }
0x5e: {  	_ =	shalt  }
0x5f: {  	_ =	shalt  }
0x60: {  	_ =	shalt  }
0x61: {  	_ =	shalt  }
0x62: {  	_ =	shalt  }
0x63: {  	_ =	shalt  }
0x64: {  	_ =	shalt  }
0x65: {  	_ =	shalt  }
0x66: {  	_ =	shalt  }
0x67: {  	_ =	shalt  }
0x68: {  	_ =	shalt  }
0x69: {  	_ =	shalt  }
0x6a: {  	_ =	shalt  }
0x6b: {  	_ =	shalt  }
0x6c: {  	_ =	shalt  }
0x6d: {  	_ =	shalt  }
0x6e: {  	_ =	shalt  }
0x6f: {  	_ =	shalt  }
0x70: {  	_ =	shalt  }
0x71: {  	_ =	shalt  }
0x72: {  	_ =	shalt  }
0x73: {  	_ =	shalt  }
0x74: {  	_ =	shalt  }
0x75: {  	_ =	shalt  }
0x76: {  	_ =	shalt  }
0x77: {  	_ =	shalt  }
0x78: {  	_ =	shalt  }
0x79: {  	_ =	shalt  }
0x7a: {  	_ =	shalt  }
0x7b: {  	_ =	shalt  }
0x7c: {  	_ =	shalt  }
0x7d: {  	_ =	shalt  }
0x7e: {  	_ =	shalt  }
0x7f: {  	_ =	shalt  }
0x80: {  	_ =	shalt  }
0x81: {  	_ =	shalt  }
0x82: {  	_ =	shalt  }
0x83: {  	_ =	shalt  }
0x84: {  	_ =	shalt  }
0x85: {  	_ =	shalt  }
0x86: {  	_ =	shalt  }
0x87: {  	_ =	shalt  }
.Lfunc_end0:
.L_simem_size_0:
called_computation_lowered:
.L_overlay_start_0:
0x88: {  	s2 =	sld [smem:$0x3FD9]  }
0x89: {  	s3 =	sld [smem:$0x3FFE];
	_ =	sdelay $0x1  }
0x8a: {  	s1 =	srdreg.scid  }
0x8b: {  	s0 =	sand.u32 $0x1, s1  }
0x8c: {  	s17 =	sshll.u32 s0, $0xA;
	s2 =	sadd.s32 s3, s2  }
0x8d: {  	s2 =	sadd.s32 s2, s17  }
0x8e: {  	[smem:$0x3FC6] =	sst s2  }
0x8f: {  	_ = 	snop  }
0x90: {  	s2 =	sld [smem:$0x3FC8]  }
0x91: {  	s18 =	sld [smem:$0x3FD0];
	(tm) =	ssettm $0x1  }
0x92: {  	s4 =	sld [smem:$0x3FFB];
	_ =	sdelay $0x3  }
0x93: {  	_ =	strace s4  }
0x94: {  	s4 =	sld [smem:$0x3FFC];
	_ =	sdelay $0x3  }
0x95: {  	_ =	strace s4  }
0x96: {  	s4 =	sld [smem:$0x3FFD];
	_ =	sdelay $0x3  }
0x97: {  	_ =	strace s4  }
0x98: {  	_ =	strace $0x8FFFFFFF  }
0x99: {  	s19 =	sld [smem:$0x3FDB];
	_ =	sdelay $0x1  }
0x9a: {  	s5 =	simm.s32 $_scs_section_size  }
0x9b: {  	s6 =	simm.s32 $_size__tile_overlayer_lowered;
	s7 =	simm.s32 $_tile_overlayer_lowered  }
0x9c: {  	s22 =	simm.s32 $0x1BFF;
	s21 =	sshll.u32 s7, $0x1;
	s4 =	sadd.s32 s5, s19  }
0x9d: {  	s8 =	simm.s32 $0x0;
	s20 =	sshll.u32 s6, $0x1;
	s6 =	sadd.s32 s21, s4  }
0x9e: {  	[timem:s8], [sflag:s22] =	dma.local [hbm:s6], s20  }
0x9f: {  	_ =	swait.ge [sflag:s22], s20  }
0xa0: {  	s5 =	ssub.s32 $0x0, s20;
	[sflag:s22] =	ssyncset.done $0x0  }
0xa1: {  	[sflag:s22] =	ssyncadd.s32 s5;
	_ =	sdelay $0x1  }
0xa2: {  	s23 =	simm.s32 $0x1B8B  }
0xa3: {  	_ =	swait.ge [sflag:s23], $0x1  }
0xa4: {  	[sflag:s23] =	ssyncset.done $0x0  }
0xa5: {  	s25 =	simm.s32 $0x1B8E;
	s24 =	sld [smem:$0x3FFE];
	[sflag:s23] =	ssyncadd.s32 $0xFFFFFFFF  }
0xa6: {  	s26 =	simm.s32 $execute0_lowered;
	[smem:$0x3FD2] =	sst s25  }
0xa7: {  	s6 =	sshll.u32 s26, $0x1;
	_ =	strace $0x80000046;
	[dreg:$0x1] =	wrdreg $0xFFFFFFFF  }
0xa8: {  	s28 =	simm.s32 $_size_execute0_lowered;
	s4 =	sadd.s32 s4, s6;
	[dreg:$0x0] =	wrdreg $0x0  }
0xa9: {  	s6 =	sshll.u32 s28, $0x1;
	[dreg:$0x2] =	wrdreg s4  }
0xaa: {  	[dreg:$0x3] =	wrdreg s6  }
0xab: {  	[dreg:$0x4] =	wrdreg $0xC0  }
0xac: {  	_ =	task [dreg:s8], $0x5FFFF  }
0xad: {  	[dreg:$0x1] =	wrdreg $0xFFFFFFFF  }
0xae: {  	[dreg:$0x0] =	wrdreg $0x60  }
0xaf: {  	[dreg:$0x2] =	wrdreg s24  }
0xb0: {  	[dreg:$0x3] =	wrdreg s2  }
0xb1: {  	[dreg:$0x4] =	wrdreg s18  }
0xb2: {  	[dreg:$0x5] =	wrdreg $0x125800  }
0xb3: {  	[dreg:$0x6] =	wrdreg $0x9  }
0xb4: {  	_ =	task.clear_ibuf [dreg:s8], $0x7FFFF;
	_ =	strace $0x90000046  }
0xb5: {  	s29 =	simm.s32 $0x9;
	_ =	strace $0x80000048  }
0xb6: {  	_ =	swait.ge [sflag:s29], $0x1  }
0xb7: {  	[sflag:s29] =	ssyncadd.s32 $0xFFFFFFFF  }
0xb8: {  	_ =	strace $0x90000048  }
0xb9: {  	_ =	sfence  }
0xba: {  	s30 =	sld [smem:$0x0];
	_ =	sdelay $0x2  }
0xbb: {  	s31 =	sshll.u32 s1, $0xD;
	s1 =	sshrl.u32 s1, $0x2  }
0xbc: {  	s3 =	sand.u32 $0x4000, s31;
	s1 =	sadd.s32 s1, s30  }
0xbd: {  	s0 =	sor.u32 s3, s0;
	s1 =	sshll.u32 s1, $0x11  }
0xbe: {  	s0 =	sor.u32 s1, s0  }
0xbf: {  	s0 =	sadd.s32 $0x8F2B, s0  }
0xc0: {  	[sflag:s0] =	ssyncadd.remote.s32 $0x1  }
0xc1: {  	_ =	sfence.sel $0xFFFF  }
0xc2: {  	[dreg:$0x0] =	wrdreg $0xFFFFFFFF;
	(pc) =	sbr.abs _section_cstart, $3  }
0xc3: {  	[dreg:$0x1] =	wrdreg $0xFFFFFFFF  }
0xc4: {  	_ =	task.clear_ibuf [dreg:s8], $0x2FFFF;
	_ =	strace $0x9FFFFFFF  }
0xc5: {  	(tm) =	ssettm $0x7FFFFFFF  }
tec
execute0_lowered:
.L_overlay_start_1:
0x0: {  	(tag) =	ssettag $0x1  }
0x1: {  	s3 =	rddreg [dreg:$0x0]  }
0x2: {  	s0 =	rddreg [dreg:$0x1]  }
0x3: {  	s1 =	srdreg.scid;
	s10 =	rddreg [dreg:$0x2]  }
0x4: {  	s9 =	stileid.u32;
	s11 =	rddreg [dreg:$0x3]  }
0x5: {  	s2 =	simm.s32 $0x0;
	s16 =	simm.s32 $0x1;
	s17 =	simm.s32 $0x6480  }
0x6: {  	s18 =	simm.s32 $0xA580;
	s19 =	simm.s32 $0x2;
	s20 =	simm.s32 $0x6500  }
0x7: {  	s21 =	simm.s32 $0xE580;
	s22 =	simm.s32 $0x3;
	s23 =	simm.s32 $0x4  }
0x8: {  	s24 =	simm.s32 $0x5;
	s25 =	simm.s32 $0x6;
	s26 =	simm.s32 $0x0  }
0x9: {  	s8 =	sand.u32 $0x1, s1;
	s30 =	sshll.u32 s9, $0x1;
	s14 =	smul.u32 $0xC8000, s9  }
0xa: {  	s1 =	rddreg [dreg:$0x4];
	s4 =	sor.u32 s8, s30;
	s15 =	smul.u32 $0x64000, s8  }
0xb: {  	[smem:$0x7FF] =	sst s2;
	p0 =	sne.s32 s9, $0x0;
	s5 =	smul.u32 $0x6400, s4  }
0xc: {  	s6 =	ssub.s32 $0x2, s8;
	_ =	strace $0x80000047;
	s7 =	smul.u32 $0x64000, s4  }
0xd: {  	s11 =	sshrl.u32 @!p0 s11, $0x3;
	s12 =	sshrl.u32 s6, $0x1;
	s13 =	smul.u32 $0x320000, s4  }
0xe: {  	s12 =	ssub.s32 s6, s12;
	s5 =	sshrl.u32 s5, $0x3;
	s4 =	sadd.s32 s10, s7  }
0xf: {  	s31 =	sshrl.u32 s13, $0x3;
	s9 =	smax.u32 s12, $0x1;
	s12 =	simm.s32 $0x7  }
0x10: {  	s3 =	sadd.s32 s5, s3;
	s5 =	sadd.s32 $0x800, s4;
	s13 =	sadd.s32 s10, s31  }
0x11: {  	s10 =	sadd.s32 s14, s10;
	s14 =	simm.s32 $0x6400;
	s3 =	sadd.s32 $0x400, s3  }
0x12: {  	s6 =	sadd.s32 $0x62800, s13;
	s7 =	sadd.s32 $0x63000, s13;
	s8 =	sadd.s32 $0x63800, s13  }
0x13: {  	s10 =	sadd.s32 s15, s10;
	s13 =	simm.s32 $0x80;
	s15 =	simm.s32 $0x6580  }
.LBB2_1:
0x14: {  	s28 =	simm.s32 @!p0 $0x1C07  }
0x15: {  	[spmem:s11], [sflag:s28] =	dma.local @!p0 [hbm:s0], $0x13880  }
0x16: {  	s28 =	simm.s32 @!p0 $0x7  }
0x17: {  	_ =	swait.ge @!p0 [sflag:s28], $0x13880  }
0x18: {  	[sflag:s28] =	ssyncset.done @!p0 $0x0  }
0x19: {  	[sflag:s28] =	ssyncadd.s32 @!p0 $0xFFFEC780  }
0x1a: {  	[tilespmem:s2], [sflag:$0x7] =	stream.linear.gather [hbm4b:s3+s2], $0x6400, $0x38;
	[tilespmem:$0x1C1C0] =	vst v63  }
0x1b: {  	_ =	swait.ge [sflag:s12], $0x6400  }
0x1c: {  	[sflag:s12] =	ssyncset.done $0x0  }
0x1d: {  	[sflag:s12] =	ssyncadd.s32 $0xFFFF9C00  }
0x1e: {  	[bflag:$0x0] =	sbarrier.arrive $0xFFFF  }
0x1f: {  	v0 =	vld [tilespmem:$0x0]  }
0x20: {  	v1 =	vld [tilespmem:$0x10]  }
0x21: {  	v2 =	vld [tilespmem:$0x20]  }
0x22: {  	v3 =	vld [tilespmem:$0x30]  }
0x23: {  	v4 =	vld [tilespmem:$0x40]  }
0x24: {  	v5 =	vld [tilespmem:$0x50]  }
0x25: {  	v6 =	vld [tilespmem:$0x60]  }
0x26: {  	v7 =	vld [tilespmem:$0x70]  }
0x27: {  	v0 =	vmax.f32 v0, $1.999999950e-04;
	v1 =	vmax.f32 v1, $1.999999950e-04  }
0x28: {  	v2 =	vmax.f32 v2, $1.999999950e-04;
	v3 =	vmax.f32 v3, $1.999999950e-04;
	v4 =	vmax.f32 v4, $1.999999950e-04  }
0x29: {  	v5 =	vmax.f32 v5, $1.999999950e-04;
	v0 =	vmul.f32 $5.000000000e+03, v0;
	v1 =	vmul.f32 $5.000000000e+03, v1  }
0x2a: {  	v6 =	vmax.f32 v6, $1.999999950e-04;
	v2 =	vmul.f32 $5.000000000e+03, v2;
	v3 =	vmul.f32 $5.000000000e+03, v3  }
0x2b: {  	v7 =	vmax.f32 v7, $1.999999950e-04;
	v4 =	vmul.f32 $5.000000000e+03, v4;
	v5 =	vmul.f32 $5.000000000e+03, v5  }
0x2c: {  	v6 =	vmul.f32 $5.000000000e+03, v6;
	v0 =	vadd.f32 $1.258291200e+07, v0;
	v1 =	vadd.f32 $1.258291200e+07, v1  }
0x2d: {  	v7 =	vmul.f32 $5.000000000e+03, v7;
	v2 =	vadd.f32 $1.258291200e+07, v2;
	v3 =	vadd.f32 $1.258291200e+07, v3  }
0x2e: {  	v4 =	vadd.f32 $1.258291200e+07, v4;
	v5 =	vadd.f32 $1.258291200e+07, v5  }
0x2f: {  	v6 =	vadd.f32 $1.258291200e+07, v6;
	v7 =	vadd.f32 $1.258291200e+07, v7  }
0x30: {  	v0 =	vadd.f32 $-1.258291200e+07, v0;
	v1 =	vadd.f32 $-1.258291200e+07, v1  }
0x31: {  	v2 =	vadd.f32 $-1.258291200e+07, v2;
	v3 =	vadd.f32 $-1.258291200e+07, v3  }
0x32: {  	v4 =	vadd.f32 $-1.258291200e+07, v4;
	v5 =	vadd.f32 $-1.258291200e+07, v5;
	v0 =	vtrunc.f32 v0  }
0x33: {  	v61 =	vadd.f32 $-1.258291200e+07, v6;
	v1 =	vtrunc.f32 v1;
	v0 =	vcvt.f32.s32 v0  }
0x34: {  	v8 =	vadd.f32 $-1.258291200e+07, v7;
	v2 =	vtrunc.f32 v2;
	v1 =	vcvt.f32.s32 v1  }
0x35: {  	v60 =	vtrunc.f32 v4;
	v2 =	vcvt.f32.s32 v2;
	v0 =	vadd.s32 $0xFFFFFFFF, v0  }
0x36: {  	v63 =	vtrunc.f32 v5;
	v62 =	vcvt.f32.s32 v60;
	v1 =	vadd.s32 $0xFFFFFFFF, v1;
	[tilespmem:$0x6400] =	vst v0  }
0x37: {  	v10 =	vtrunc.f32 v61;
	v9 =	vcvt.f32.s32 v63;
	v2 =	vadd.s32 $0xFFFFFFFF, v2;
	[tilespmem:$0x6410] =	vst v1  }
0x38: {  	v13 =	vtrunc.f32 v8;
	v12 =	vcvt.f32.s32 v10;
	v11 =	vadd.s32 $0xFFFFFFFF, v62;
	[tilespmem:$0x6420] =	vst v2  }
0x39: {  	v3 =	vtrunc.f32 v3;
	v15 =	vcvt.f32.s32 v13;
	v14 =	vadd.s32 $0xFFFFFFFF, v9;
	[tilespmem:$0x6440] =	vst v11  }
0x3a: {  	v59 =	vcvt.f32.s32 v3;
	v16 =	vadd.s32 $0xFFFFFFFF, v12;
	[tilespmem:$0x6450] =	vst v14  }
0x3b: {  	v17 =	vadd.s32 $0xFFFFFFFF, v15;
	[tilespmem:$0x6460] =	vst v16  }
0x3c: {  	v0 =	vadd.s32 $0xFFFFFFFF, v59;
	[tilespmem:$0x6470] =	vst v17  }
0x3d: {  	[tilespmem:$0x6430] =	vst v0  }
0x3e: {  	[tilespmem:s15], [sflag:$0x1] =	stream.indirect.gather [hbm4b:s0+s13], $0x80, s14, s13, $0xb8;
	[tilespmem:$0x1C1C0] =	vst v63  }
0x3f: {  	_ =	swait.ge [sflag:s16], $0x4000  }
0x40: {  	[sflag:s16] =	ssyncset.done $0x0  }
0x41: {  	[sflag:s16] =	ssyncadd.s32 $0xFFFFC000  }
0x42: {  	[hbm4b:s4+s2] =	stream.linear.scatter [tilespmem:s15], [sflag:$0x4], $0x4000, $0x38;
	[tilespmem:$0x1C1C0] =	vst v63  }
0x43: {  	v18 =	vld [tilespmem:$0x80]  }
0x44: {  	v19 =	vld [tilespmem:$0x90]  }
0x45: {  	v20 =	vld [tilespmem:$0xA0]  }
0x46: {  	v21 =	vld [tilespmem:$0xB0]  }
0x47: {  	v22 =	vld [tilespmem:$0xC0]  }
0x48: {  	v23 =	vld [tilespmem:$0xD0]  }
0x49: {  	v24 =	vld [tilespmem:$0xE0]  }
0x4a: {  	v25 =	vld [tilespmem:$0xF0]  }
0x4b: {  	v0 =	vmax.f32 v18, $1.999999950e-04;
	v1 =	vmax.f32 v19, $1.999999950e-04  }
0x4c: {  	v2 =	vmax.f32 v20, $1.999999950e-04;
	v3 =	vmax.f32 v21, $1.999999950e-04;
	v4 =	vmax.f32 v22, $1.999999950e-04  }
0x4d: {  	v5 =	vmax.f32 v23, $1.999999950e-04;
	v0 =	vmul.f32 $5.000000000e+03, v0;
	v1 =	vmul.f32 $5.000000000e+03, v1  }
0x4e: {  	v6 =	vmax.f32 v24, $1.999999950e-04;
	v2 =	vmul.f32 $5.000000000e+03, v2;
	v3 =	vmul.f32 $5.000000000e+03, v3  }
0x4f: {  	v7 =	vmax.f32 v25, $1.999999950e-04;
	v4 =	vmul.f32 $5.000000000e+03, v4;
	v5 =	vmul.f32 $5.000000000e+03, v5  }
0x50: {  	v6 =	vmul.f32 $5.000000000e+03, v6;
	v0 =	vadd.f32 $1.258291200e+07, v0;
	v1 =	vadd.f32 $1.258291200e+07, v1  }
0x51: {  	v7 =	vmul.f32 $5.000000000e+03, v7;
	v2 =	vadd.f32 $1.258291200e+07, v2;
	v3 =	vadd.f32 $1.258291200e+07, v3  }
0x52: {  	v4 =	vadd.f32 $1.258291200e+07, v4;
	v5 =	vadd.f32 $1.258291200e+07, v5  }
0x53: {  	v6 =	vadd.f32 $1.258291200e+07, v6;
	v7 =	vadd.f32 $1.258291200e+07, v7  }
0x54: {  	v0 =	vadd.f32 $-1.258291200e+07, v0;
	v1 =	vadd.f32 $-1.258291200e+07, v1  }
0x55: {  	v2 =	vadd.f32 $-1.258291200e+07, v2;
	v3 =	vadd.f32 $-1.258291200e+07, v3  }
0x56: {  	v4 =	vadd.f32 $-1.258291200e+07, v4;
	v5 =	vadd.f32 $-1.258291200e+07, v5;
	v0 =	vtrunc.f32 v0  }
0x57: {  	v28 =	vadd.f32 $-1.258291200e+07, v6;
	v1 =	vtrunc.f32 v1;
	v0 =	vcvt.f32.s32 v0  }
0x58: {  	v31 =	vadd.f32 $-1.258291200e+07, v7;
	v2 =	vtrunc.f32 v2;
	v1 =	vcvt.f32.s32 v1  }
0x59: {  	v27 =	vtrunc.f32 v4;
	v2 =	vcvt.f32.s32 v2;
	v0 =	vadd.s32 $0xFFFFFFFF, v0  }
0x5a: {  	v30 =	vtrunc.f32 v5;
	v29 =	vcvt.f32.s32 v27;
	v1 =	vadd.s32 $0xFFFFFFFF, v1;
	[tilespmem:$0x6480] =	vst v0  }
0x5b: {  	v33 =	vtrunc.f32 v28;
	v32 =	vcvt.f32.s32 v30;
	v2 =	vadd.s32 $0xFFFFFFFF, v2;
	[tilespmem:$0x6490] =	vst v1  }
0x5c: {  	v36 =	vtrunc.f32 v31;
	v35 =	vcvt.f32.s32 v33;
	v34 =	vadd.s32 $0xFFFFFFFF, v29;
	[tilespmem:$0x64A0] =	vst v2  }
0x5d: {  	v3 =	vtrunc.f32 v3;
	v38 =	vcvt.f32.s32 v36;
	v37 =	vadd.s32 $0xFFFFFFFF, v32;
	[tilespmem:$0x64C0] =	vst v34  }
0x5e: {  	v26 =	vcvt.f32.s32 v3;
	v39 =	vadd.s32 $0xFFFFFFFF, v35;
	[tilespmem:$0x64D0] =	vst v37  }
0x5f: {  	v40 =	vadd.s32 $0xFFFFFFFF, v38;
	[tilespmem:$0x64E0] =	vst v39  }
0x60: {  	v0 =	vadd.s32 $0xFFFFFFFF, v26;
	[tilespmem:$0x64F0] =	vst v40  }
0x61: {  	[tilespmem:$0x64B0] =	vst v0  }
0x62: {  	[tilespmem:s18], [sflag:$0x2] =	stream.indirect.gather [hbm4b:s0+s13], $0x80, s17, s13, $0xb8;
	[tilespmem:$0x1C1C0] =	vst v63  }
0x63: {  	_ =	swait.ge [sflag:s19], $0x4000  }
0x64: {  	[sflag:s19] =	ssyncset.done $0x0  }
0x65: {  	[sflag:s19] =	ssyncadd.s32 $0xFFFFC000  }
0x66: {  	[hbm4b:s5+s2] =	stream.linear.scatter [tilespmem:s18], [sflag:$0x5], $0x4000, $0x38;
	[tilespmem:$0x1C1C0] =	vst v63  }
0x67: {  	v41 =	vld [tilespmem:$0x100]  }
0x68: {  	v42 =	vld [tilespmem:$0x110]  }
0x69: {  	v43 =	vld [tilespmem:$0x120]  }
0x6a: {  	v44 =	vld [tilespmem:$0x130]  }
0x6b: {  	v45 =	vld [tilespmem:$0x140]  }
0x6c: {  	v46 =	vld [tilespmem:$0x150]  }
0x6d: {  	v47 =	vld [tilespmem:$0x160]  }
0x6e: {  	v48 =	vld [tilespmem:$0x170]  }
0x6f: {  	v0 =	vmax.f32 v41, $1.999999950e-04;
	v1 =	vmax.f32 v42, $1.999999950e-04  }
0x70: {  	v2 =	vmax.f32 v43, $1.999999950e-04;
	v3 =	vmax.f32 v44, $1.999999950e-04;
	v4 =	vmax.f32 v45, $1.999999950e-04  }
0x71: {  	v5 =	vmax.f32 v46, $1.999999950e-04;
	v0 =	vmul.f32 $5.000000000e+03, v0;
	v1 =	vmul.f32 $5.000000000e+03, v1  }
0x72: {  	v6 =	vmax.f32 v47, $1.999999950e-04;
	v2 =	vmul.f32 $5.000000000e+03, v2;
	v3 =	vmul.f32 $5.000000000e+03, v3  }
0x73: {  	v7 =	vmax.f32 v48, $1.999999950e-04;
	v4 =	vmul.f32 $5.000000000e+03, v4;
	v5 =	vmul.f32 $5.000000000e+03, v5  }
0x74: {  	v6 =	vmul.f32 $5.000000000e+03, v6;
	v0 =	vadd.f32 $1.258291200e+07, v0;
	v1 =	vadd.f32 $1.258291200e+07, v1  }
0x75: {  	v7 =	vmul.f32 $5.000000000e+03, v7;
	v2 =	vadd.f32 $1.258291200e+07, v2;
	v3 =	vadd.f32 $1.258291200e+07, v3  }
0x76: {  	v4 =	vadd.f32 $1.258291200e+07, v4;
	v5 =	vadd.f32 $1.258291200e+07, v5  }
0x77: {  	v6 =	vadd.f32 $1.258291200e+07, v6;
	v7 =	vadd.f32 $1.258291200e+07, v7  }
0x78: {  	v0 =	vadd.f32 $-1.258291200e+07, v0;
	v1 =	vadd.f32 $-1.258291200e+07, v1  }
0x79: {  	v2 =	vadd.f32 $-1.258291200e+07, v2;
	v3 =	vadd.f32 $-1.258291200e+07, v3  }
0x7a: {  	v4 =	vadd.f32 $-1.258291200e+07, v4;
	v5 =	vadd.f32 $-1.258291200e+07, v5;
	v0 =	vtrunc.f32 v0  }
0x7b: {  	v51 =	vadd.f32 $-1.258291200e+07, v6;
	v1 =	vtrunc.f32 v1;
	v0 =	vcvt.f32.s32 v0  }
0x7c: {  	v54 =	vadd.f32 $-1.258291200e+07, v7;
	v2 =	vtrunc.f32 v2;
	v1 =	vcvt.f32.s32 v1  }
0x7d: {  	v50 =	vtrunc.f32 v4;
	v2 =	vcvt.f32.s32 v2;
	v0 =	vadd.s32 $0xFFFFFFFF, v0  }
0x7e: {  	v53 =	vtrunc.f32 v5;
	v52 =	vcvt.f32.s32 v50;
	v1 =	vadd.s32 $0xFFFFFFFF, v1;
	[tilespmem:$0x6500] =	vst v0  }
0x7f: {  	v56 =	vtrunc.f32 v51;
	v55 =	vcvt.f32.s32 v53;
	v2 =	vadd.s32 $0xFFFFFFFF, v2;
	[tilespmem:$0x6510] =	vst v1  }
0x80: {  	v59 =	vtrunc.f32 v54;
	v58 =	vcvt.f32.s32 v56;
	v57 =	vadd.s32 $0xFFFFFFFF, v52;
	[tilespmem:$0x6520] =	vst v2  }
0x81: {  	v3 =	vtrunc.f32 v3;
	v61 =	vcvt.f32.s32 v59;
	v60 =	vadd.s32 $0xFFFFFFFF, v55;
	[tilespmem:$0x6540] =	vst v57  }
0x82: {  	v49 =	vcvt.f32.s32 v3;
	v62 =	vadd.s32 $0xFFFFFFFF, v58;
	[tilespmem:$0x6550] =	vst v60  }
0x83: {  	v63 =	vadd.s32 $0xFFFFFFFF, v61;
	[tilespmem:$0x6560] =	vst v62  }
0x84: {  	v0 =	vadd.s32 $0xFFFFFFFF, v49;
	[tilespmem:$0x6570] =	vst v63  }
0x85: {  	s29 =	simm.s32 $0x0;
	s28 =	simm.s32 $0x2F0;
	[tilespmem:$0x6530] =	vst v0  }
0x86: {  	[tilespmem:s21], [sflag:$0x3] =	stream.indirect.gather [hbm4b:s0+s13], $0x80, s20, s13, $0xb8;
	[tilespmem:$0x1C1C0] =	vst v63  }
.LBB2_2:
0x87: {  	_ =	swait.ge [sflag:s22], $0x4000  }
0x88: {  	s30 =	sadd.s32 s29, s10;
	[sflag:s22] =	ssyncset.done $0x0  }
0x89: {  	s31 =	sadd.s32 $0x1000, s30;
	[sflag:s22] =	ssyncadd.s32 $0xFFFFC000  }
0x8a: {  	[hbm4b:s31+s2] =	stream.linear.scatter [tilespmem:s21], [sflag:$0x6], $0x4000, $0x38;
	[tilespmem:$0x1C1C0] =	vst v63  }
0x8b: {  	_ =	swait.ge [sflag:s23], $0x4000  }
0x8c: {  	[sflag:s23] =	ssyncset.done $0x0  }
0x8d: {  	[sflag:s23] =	ssyncadd.s32 $0xFFFFC000  }
0x8e: {  	v0 =	vld [tilespmem:s28+$0xFFFFFE90];
	_ =	sdelay $0x4  }
0x8f: {  	v0 =	vmax.f32 v0, $1.999999950e-04  }
0x90: {  	v0 =	vmul.f32 $5.000000000e+03, v0;
	_ =	sdelay $0x1  }
0x91: {  	v0 =	vadd.f32 $1.258291200e+07, v0;
	_ =	sdelay $0x1  }
0x92: {  	v0 =	vadd.f32 $-1.258291200e+07, v0;
	_ =	sdelay $0x1  }
0x93: {  	v0 =	vtrunc.f32 v0  }
0x94: {  	v0 =	vcvt.f32.s32 v0;
	_ =	sdelay $0x1  }
0x95: {  	v0 =	vadd.s32 $0xFFFFFFFF, v0  }
0x96: {  	[tilespmem:$0x6400] =	vst v0  }
0x97: {  	v0 =	vld [tilespmem:s28+$0xFFFFFEA0];
	_ =	sdelay $0x4  }
0x98: {  	v0 =	vmax.f32 v0, $1.999999950e-04  }
0x99: {  	v0 =	vmul.f32 $5.000000000e+03, v0;
	_ =	sdelay $0x1  }
0x9a: {  	v0 =	vadd.f32 $1.258291200e+07, v0;
	_ =	sdelay $0x1  }
0x9b: {  	v0 =	vadd.f32 $-1.258291200e+07, v0;
	_ =	sdelay $0x1  }
0x9c: {  	v0 =	vtrunc.f32 v0  }
0x9d: {  	v0 =	vcvt.f32.s32 v0;
	_ =	sdelay $0x1  }
0x9e: {  	v0 =	vadd.s32 $0xFFFFFFFF, v0  }
0x9f: {  	[tilespmem:$0x6410] =	vst v0  }
0xa0: {  	v0 =	vld [tilespmem:s28+$0xFFFFFEB0];
	_ =	sdelay $0x4  }
0xa1: {  	v0 =	vmax.f32 v0, $1.999999950e-04  }
0xa2: {  	v0 =	vmul.f32 $5.000000000e+03, v0;
	_ =	sdelay $0x1  }
0xa3: {  	v0 =	vadd.f32 $1.258291200e+07, v0;
	_ =	sdelay $0x1  }
0xa4: {  	v0 =	vadd.f32 $-1.258291200e+07, v0;
	_ =	sdelay $0x1  }
0xa5: {  	v0 =	vtrunc.f32 v0  }
0xa6: {  	v0 =	vcvt.f32.s32 v0;
	_ =	sdelay $0x1  }
0xa7: {  	v0 =	vadd.s32 $0xFFFFFFFF, v0  }
0xa8: {  	[tilespmem:$0x6420] =	vst v0  }
0xa9: {  	v0 =	vld [tilespmem:s28+$0xFFFFFEC0];
	_ =	sdelay $0x4  }
0xaa: {  	v0 =	vmax.f32 v0, $1.999999950e-04  }
0xab: {  	v0 =	vmul.f32 $5.000000000e+03, v0;
	_ =	sdelay $0x1  }
0xac: {  	v0 =	vadd.f32 $1.258291200e+07, v0;
	_ =	sdelay $0x1  }
0xad: {  	v0 =	vadd.f32 $-1.258291200e+07, v0;
	_ =	sdelay $0x1  }
0xae: {  	v0 =	vtrunc.f32 v0  }
0xaf: {  	v0 =	vcvt.f32.s32 v0;
	_ =	sdelay $0x1  }
0xb0: {  	v0 =	vadd.s32 $0xFFFFFFFF, v0  }
0xb1: {  	[tilespmem:$0x6430] =	vst v0  }
0xb2: {  	v0 =	vld [tilespmem:s28+$0xFFFFFED0];
	_ =	sdelay $0x4  }
0xb3: {  	v0 =	vmax.f32 v0, $1.999999950e-04  }
0xb4: {  	v0 =	vmul.f32 $5.000000000e+03, v0;
	_ =	sdelay $0x1  }
0xb5: {  	v0 =	vadd.f32 $1.258291200e+07, v0;
	_ =	sdelay $0x1  }
0xb6: {  	v0 =	vadd.f32 $-1.258291200e+07, v0;
	_ =	sdelay $0x1  }
0xb7: {  	v0 =	vtrunc.f32 v0  }
0xb8: {  	v0 =	vcvt.f32.s32 v0;
	_ =	sdelay $0x1  }
0xb9: {  	v0 =	vadd.s32 $0xFFFFFFFF, v0  }
0xba: {  	[tilespmem:$0x6440] =	vst v0  }
0xbb: {  	v0 =	vld [tilespmem:s28+$0xFFFFFEE0];
	_ =	sdelay $0x4  }
0xbc: {  	v0 =	vmax.f32 v0, $1.999999950e-04  }
0xbd: {  	v0 =	vmul.f32 $5.000000000e+03, v0;
	_ =	sdelay $0x1  }
0xbe: {  	v0 =	vadd.f32 $1.258291200e+07, v0;
	_ =	sdelay $0x1  }
0xbf: {  	v0 =	vadd.f32 $-1.258291200e+07, v0;
	_ =	sdelay $0x1  }
0xc0: {  	v0 =	vtrunc.f32 v0  }
0xc1: {  	v0 =	vcvt.f32.s32 v0;
	_ =	sdelay $0x1  }
0xc2: {  	v0 =	vadd.s32 $0xFFFFFFFF, v0  }
0xc3: {  	[tilespmem:$0x6450] =	vst v0  }
0xc4: {  	v0 =	vld [tilespmem:s28+$0xFFFFFEF0];
	_ =	sdelay $0x4  }
0xc5: {  	v0 =	vmax.f32 v0, $1.999999950e-04  }
0xc6: {  	v0 =	vmul.f32 $5.000000000e+03, v0;
	_ =	sdelay $0x1  }
0xc7: {  	v0 =	vadd.f32 $1.258291200e+07, v0;
	_ =	sdelay $0x1  }
0xc8: {  	v0 =	vadd.f32 $-1.258291200e+07, v0;
	_ =	sdelay $0x1  }
0xc9: {  	v0 =	vtrunc.f32 v0  }
0xca: {  	v0 =	vcvt.f32.s32 v0;
	_ =	sdelay $0x1  }
0xcb: {  	v0 =	vadd.s32 $0xFFFFFFFF, v0  }
0xcc: {  	[tilespmem:$0x6460] =	vst v0  }
0xcd: {  	v0 =	vld [tilespmem:s28+$0xFFFFFF00];
	_ =	sdelay $0x4  }
0xce: {  	v0 =	vmax.f32 v0, $1.999999950e-04  }
0xcf: {  	v0 =	vmul.f32 $5.000000000e+03, v0;
	_ =	sdelay $0x1  }
0xd0: {  	v0 =	vadd.f32 $1.258291200e+07, v0;
	_ =	sdelay $0x1  }
0xd1: {  	v0 =	vadd.f32 $-1.258291200e+07, v0;
	_ =	sdelay $0x1  }
0xd2: {  	v0 =	vtrunc.f32 v0  }
0xd3: {  	v0 =	vcvt.f32.s32 v0;
	_ =	sdelay $0x1  }
0xd4: {  	v0 =	vadd.s32 $0xFFFFFFFF, v0  }
0xd5: {  	[tilespmem:$0x6470] =	vst v0  }
0xd6: {  	[tilespmem:s15], [sflag:$0x1] =	stream.indirect.gather [hbm4b:s0+s13], $0x80, s14, s13, $0xb8;
	[tilespmem:$0x1C1C0] =	vst v63  }
0xd7: {  	_ =	swait.ge [sflag:s16], $0x4000  }
0xd8: {  	[sflag:s16] =	ssyncset.done $0x0  }
0xd9: {  	s31 =	sadd.s32 $0x1800, s30;
	[sflag:s16] =	ssyncadd.s32 $0xFFFFC000  }
0xda: {  	[hbm4b:s31+s2] =	stream.linear.scatter [tilespmem:s15], [sflag:$0x4], $0x4000, $0x38;
	[tilespmem:$0x1C1C0] =	vst v63  }
0xdb: {  	_ =	swait.ge [sflag:s24], $0x4000  }
0xdc: {  	[sflag:s24] =	ssyncset.done $0x0  }
0xdd: {  	[sflag:s24] =	ssyncadd.s32 $0xFFFFC000  }
0xde: {  	v62 =	vld [tilespmem:s28+$0xFFFFFF10];
	_ =	sdelay $0x4  }
0xdf: {  	v0 =	vmax.f32 v62, $1.999999950e-04  }
0xe0: {  	v0 =	vmul.f32 $5.000000000e+03, v0;
	_ =	sdelay $0x1  }
0xe1: {  	v0 =	vadd.f32 $1.258291200e+07, v0;
	_ =	sdelay $0x1  }
0xe2: {  	v0 =	vadd.f32 $-1.258291200e+07, v0;
	_ =	sdelay $0x1  }
0xe3: {  	v0 =	vtrunc.f32 v0  }
0xe4: {  	v0 =	vcvt.f32.s32 v0;
	_ =	sdelay $0x1  }
0xe5: {  	v0 =	vadd.s32 $0xFFFFFFFF, v0  }
0xe6: {  	[tilespmem:$0x6480] =	vst v0  }
0xe7: {  	v0 =	vld [tilespmem:s28+$0xFFFFFF20];
	_ =	sdelay $0x4  }
0xe8: {  	v0 =	vmax.f32 v0, $1.999999950e-04  }
0xe9: {  	v0 =	vmul.f32 $5.000000000e+03, v0;
	_ =	sdelay $0x1  }
0xea: {  	v0 =	vadd.f32 $1.258291200e+07, v0;
	_ =	sdelay $0x1  }
0xeb: {  	v0 =	vadd.f32 $-1.258291200e+07, v0;
	_ =	sdelay $0x1  }
0xec: {  	v0 =	vtrunc.f32 v0  }
0xed: {  	v0 =	vcvt.f32.s32 v0;
	_ =	sdelay $0x1  }
0xee: {  	v0 =	vadd.s32 $0xFFFFFFFF, v0  }
0xef: {  	[tilespmem:$0x6490] =	vst v0  }
0xf0: {  	v0 =	vld [tilespmem:s28+$0xFFFFFF30];
	_ =	sdelay $0x4  }
0xf1: {  	v0 =	vmax.f32 v0, $1.999999950e-04  }
0xf2: {  	v0 =	vmul.f32 $5.000000000e+03, v0;
	_ =	sdelay $0x1  }
0xf3: {  	v0 =	vadd.f32 $1.258291200e+07, v0;
	_ =	sdelay $0x1  }
0xf4: {  	v0 =	vadd.f32 $-1.258291200e+07, v0;
	_ =	sdelay $0x1  }
0xf5: {  	v0 =	vtrunc.f32 v0  }
0xf6: {  	v0 =	vcvt.f32.s32 v0;
	_ =	sdelay $0x1  }
0xf7: {  	v0 =	vadd.s32 $0xFFFFFFFF, v0  }
0xf8: {  	[tilespmem:$0x64A0] =	vst v0  }
0xf9: {  	v0 =	vld [tilespmem:s28+$0xFFFFFF40];
	_ =	sdelay $0x4  }
0xfa: {  	v0 =	vmax.f32 v0, $1.999999950e-04  }
0xfb: {  	v0 =	vmul.f32 $5.000000000e+03, v0;
	_ =	sdelay $0x1  }
0xfc: {  	v0 =	vadd.f32 $1.258291200e+07, v0;
	_ =	sdelay $0x1  }
0xfd: {  	v0 =	vadd.f32 $-1.258291200e+07, v0;
	_ =	sdelay $0x1  }
0xfe: {  	v0 =	vtrunc.f32 v0  }
0xff: {  	v0 =	vcvt.f32.s32 v0;
	_ =	sdelay $0x1  }
0x100: {  	v0 =	vadd.s32 $0xFFFFFFFF, v0  }
0x101: {  	[tilespmem:$0x64B0] =	vst v0  }
0x102: {  	v0 =	vld [tilespmem:s28+$0xFFFFFF50];
	_ =	sdelay $0x4  }
0x103: {  	v0 =	vmax.f32 v0, $1.999999950e-04  }
0x104: {  	v0 =	vmul.f32 $5.000000000e+03, v0;
	_ =	sdelay $0x1  }
0x105: {  	v0 =	vadd.f32 $1.258291200e+07, v0;
	_ =	sdelay $0x1  }
0x106: {  	v0 =	vadd.f32 $-1.258291200e+07, v0;
	_ =	sdelay $0x1  }
0x107: {  	v0 =	vtrunc.f32 v0  }
0x108: {  	v0 =	vcvt.f32.s32 v0;
	_ =	sdelay $0x1  }
0x109: {  	v0 =	vadd.s32 $0xFFFFFFFF, v0  }
0x10a: {  	[tilespmem:$0x64C0] =	vst v0  }
0x10b: {  	v0 =	vld [tilespmem:s28+$0xFFFFFF60];
	_ =	sdelay $0x4  }
0x10c: {  	v0 =	vmax.f32 v0, $1.999999950e-04  }
0x10d: {  	v0 =	vmul.f32 $5.000000000e+03, v0;
	_ =	sdelay $0x1  }
0x10e: {  	v0 =	vadd.f32 $1.258291200e+07, v0;
	_ =	sdelay $0x1  }
0x10f: {  	v0 =	vadd.f32 $-1.258291200e+07, v0;
	_ =	sdelay $0x1  }
0x110: {  	v0 =	vtrunc.f32 v0  }
0x111: {  	v0 =	vcvt.f32.s32 v0;
	_ =	sdelay $0x1  }
0x112: {  	v0 =	vadd.s32 $0xFFFFFFFF, v0  }
0x113: {  	[tilespmem:$0x64D0] =	vst v0  }
0x114: {  	v0 =	vld [tilespmem:s28+$0xFFFFFF70];
	_ =	sdelay $0x4  }
0x115: {  	v0 =	vmax.f32 v0, $1.999999950e-04  }
0x116: {  	v0 =	vmul.f32 $5.000000000e+03, v0;
	_ =	sdelay $0x1  }
0x117: {  	v0 =	vadd.f32 $1.258291200e+07, v0;
	_ =	sdelay $0x1  }
0x118: {  	v0 =	vadd.f32 $-1.258291200e+07, v0;
	_ =	sdelay $0x1  }
0x119: {  	v0 =	vtrunc.f32 v0  }
0x11a: {  	v0 =	vcvt.f32.s32 v0;
	_ =	sdelay $0x1  }
0x11b: {  	v0 =	vadd.s32 $0xFFFFFFFF, v0  }
0x11c: {  	[tilespmem:$0x64E0] =	vst v0  }
0x11d: {  	v0 =	vld [tilespmem:s28+$0xFFFFFF80];
	_ =	sdelay $0x4  }
0x11e: {  	v0 =	vmax.f32 v0, $1.999999950e-04  }
0x11f: {  	v0 =	vmul.f32 $5.000000000e+03, v0;
	_ =	sdelay $0x1  }
0x120: {  	v0 =	vadd.f32 $1.258291200e+07, v0;
	_ =	sdelay $0x1  }
0x121: {  	v0 =	vadd.f32 $-1.258291200e+07, v0;
	_ =	sdelay $0x1  }
0x122: {  	v0 =	vtrunc.f32 v0  }
0x123: {  	v0 =	vcvt.f32.s32 v0;
	_ =	sdelay $0x1  }
0x124: {  	v0 =	vadd.s32 $0xFFFFFFFF, v0  }
0x125: {  	[tilespmem:$0x64F0] =	vst v0  }
0x126: {  	[tilespmem:s18], [sflag:$0x2] =	stream.indirect.gather [hbm4b:s0+s13], $0x80, s17, s13, $0xb8;
	[tilespmem:$0x1C1C0] =	vst v63  }
0x127: {  	_ =	swait.ge [sflag:s19], $0x4000  }
0x128: {  	[sflag:s19] =	ssyncset.done $0x0  }
0x129: {  	s30 =	sadd.s32 $0x2000, s30;
	[sflag:s19] =	ssyncadd.s32 $0xFFFFC000  }
0x12a: {  	[hbm4b:s30+s2] =	stream.linear.scatter [tilespmem:s18], [sflag:$0x5], $0x4000, $0x38;
	[tilespmem:$0x1C1C0] =	vst v63  }
0x12b: {  	_ =	swait.ge [sflag:s25], $0x4000  }
0x12c: {  	[sflag:s25] =	ssyncset.done $0x0  }
0x12d: {  	[sflag:s25] =	ssyncadd.s32 $0xFFFFC000  }
0x12e: {  	v63 =	vld [tilespmem:s28+$0xFFFFFF90];
	_ =	sdelay $0x4  }
0x12f: {  	v0 =	vmax.f32 v63, $1.999999950e-04  }
0x130: {  	v0 =	vmul.f32 $5.000000000e+03, v0;
	_ =	sdelay $0x1  }
0x131: {  	v0 =	vadd.f32 $1.258291200e+07, v0;
	_ =	sdelay $0x1  }
0x132: {  	v0 =	vadd.f32 $-1.258291200e+07, v0;
	_ =	sdelay $0x1  }
0x133: {  	v0 =	vtrunc.f32 v0  }
0x134: {  	v0 =	vcvt.f32.s32 v0;
	_ =	sdelay $0x1  }
0x135: {  	v0 =	vadd.s32 $0xFFFFFFFF, v0  }
0x136: {  	[tilespmem:$0x6500] =	vst v0  }
0x137: {  	v0 =	vld [tilespmem:s28+$0xFFFFFFA0];
	_ =	sdelay $0x4  }
0x138: {  	v0 =	vmax.f32 v0, $1.999999950e-04  }
0x139: {  	v0 =	vmul.f32 $5.000000000e+03, v0;
	_ =	sdelay $0x1  }
0x13a: {  	v0 =	vadd.f32 $1.258291200e+07, v0;
	_ =	sdelay $0x1  }
0x13b: {  	v0 =	vadd.f32 $-1.258291200e+07, v0;
	_ =	sdelay $0x1  }
0x13c: {  	v0 =	vtrunc.f32 v0  }
0x13d: {  	v0 =	vcvt.f32.s32 v0;
	_ =	sdelay $0x1  }
0x13e: {  	v0 =	vadd.s32 $0xFFFFFFFF, v0  }
0x13f: {  	[tilespmem:$0x6510] =	vst v0  }
0x140: {  	v0 =	vld [tilespmem:s28+$0xFFFFFFB0];
	_ =	sdelay $0x4  }
0x141: {  	v0 =	vmax.f32 v0, $1.999999950e-04  }
0x142: {  	v0 =	vmul.f32 $5.000000000e+03, v0;
	_ =	sdelay $0x1  }
0x143: {  	v0 =	vadd.f32 $1.258291200e+07, v0;
	_ =	sdelay $0x1  }
0x144: {  	v0 =	vadd.f32 $-1.258291200e+07, v0;
	_ =	sdelay $0x1  }
0x145: {  	v0 =	vtrunc.f32 v0  }
0x146: {  	v0 =	vcvt.f32.s32 v0;
	_ =	sdelay $0x1  }
0x147: {  	v0 =	vadd.s32 $0xFFFFFFFF, v0  }
0x148: {  	[tilespmem:$0x6520] =	vst v0  }
0x149: {  	v0 =	vld [tilespmem:s28+$0xFFFFFFC0];
	_ =	sdelay $0x4  }
0x14a: {  	v0 =	vmax.f32 v0, $1.999999950e-04  }
0x14b: {  	v0 =	vmul.f32 $5.000000000e+03, v0;
	_ =	sdelay $0x1  }
0x14c: {  	v0 =	vadd.f32 $1.258291200e+07, v0;
	_ =	sdelay $0x1  }
0x14d: {  	v0 =	vadd.f32 $-1.258291200e+07, v0;
	_ =	sdelay $0x1  }
0x14e: {  	v0 =	vtrunc.f32 v0  }
0x14f: {  	v0 =	vcvt.f32.s32 v0;
	_ =	sdelay $0x1  }
0x150: {  	v0 =	vadd.s32 $0xFFFFFFFF, v0  }
0x151: {  	[tilespmem:$0x6530] =	vst v0  }
0x152: {  	v0 =	vld [tilespmem:s28+$0xFFFFFFD0];
	_ =	sdelay $0x4  }
0x153: {  	v0 =	vmax.f32 v0, $1.999999950e-04  }
0x154: {  	v0 =	vmul.f32 $5.000000000e+03, v0;
	_ =	sdelay $0x1  }
0x155: {  	v0 =	vadd.f32 $1.258291200e+07, v0;
	_ =	sdelay $0x1  }
0x156: {  	v0 =	vadd.f32 $-1.258291200e+07, v0;
	_ =	sdelay $0x1  }
0x157: {  	v0 =	vtrunc.f32 v0  }
0x158: {  	v0 =	vcvt.f32.s32 v0;
	_ =	sdelay $0x1  }
0x159: {  	v0 =	vadd.s32 $0xFFFFFFFF, v0  }
0x15a: {  	[tilespmem:$0x6540] =	vst v0  }
0x15b: {  	v0 =	vld [tilespmem:s28+$0xFFFFFFE0];
	_ =	sdelay $0x4  }
0x15c: {  	v0 =	vmax.f32 v0, $1.999999950e-04  }
0x15d: {  	v0 =	vmul.f32 $5.000000000e+03, v0;
	_ =	sdelay $0x1  }
0x15e: {  	v0 =	vadd.f32 $1.258291200e+07, v0;
	_ =	sdelay $0x1  }
0x15f: {  	v0 =	vadd.f32 $-1.258291200e+07, v0;
	_ =	sdelay $0x1  }
0x160: {  	v0 =	vtrunc.f32 v0  }
0x161: {  	v0 =	vcvt.f32.s32 v0;
	_ =	sdelay $0x1  }
0x162: {  	v0 =	vadd.s32 $0xFFFFFFFF, v0  }
0x163: {  	[tilespmem:$0x6550] =	vst v0  }
0x164: {  	v0 =	vld [tilespmem:s28+$0xFFFFFFF0];
	_ =	sdelay $0x4  }
0x165: {  	v0 =	vmax.f32 v0, $1.999999950e-04  }
0x166: {  	v0 =	vmul.f32 $5.000000000e+03, v0;
	_ =	sdelay $0x1  }
0x167: {  	v0 =	vadd.f32 $1.258291200e+07, v0;
	_ =	sdelay $0x1  }
0x168: {  	v0 =	vadd.f32 $-1.258291200e+07, v0;
	_ =	sdelay $0x1  }
0x169: {  	v0 =	vtrunc.f32 v0  }
0x16a: {  	v0 =	vcvt.f32.s32 v0;
	_ =	sdelay $0x1  }
0x16b: {  	v0 =	vadd.s32 $0xFFFFFFFF, v0  }
0x16c: {  	[tilespmem:$0x6560] =	vst v0  }
0x16d: {  	v0 =	vld [tilespmem:s28+$0x0];
	_ =	sdelay $0x4  }
0x16e: {  	v0 =	vmax.f32 v0, $1.999999950e-04  }
0x16f: {  	v0 =	vmul.f32 $5.000000000e+03, v0;
	_ =	sdelay $0x1  }
0x170: {  	v0 =	vadd.f32 $1.258291200e+07, v0;
	_ =	sdelay $0x1  }
0x171: {  	v0 =	vadd.f32 $-1.258291200e+07, v0;
	_ =	sdelay $0x1  }
0x172: {  	p1 =	sne.s32 s29, $0x60000;
	v0 =	vtrunc.f32 v0  }
.Ltmp0:
0x173: {  	v0 =	vcvt.f32.s32 v0;
	(pc) =	sbr.rel @p1 .LBB2_2-.Ltmp0, $4  }
0x174: {  	_ = 	snop  }
0x175: {  	v0 =	vadd.s32 $0xFFFFFFFF, v0  }
0x176: {  	s29 =	sadd.s32 $0x1800, s29;
	s28 =	sadd.s32 $0x180, s28;
	[tilespmem:$0x6570] =	vst v0  }
0x177: {  	[tilespmem:s21], [sflag:$0x3] =	stream.indirect.gather [hbm4b:s0+s13], $0x80, s20, s13, $0xb8;
	[tilespmem:$0x1C1C0] =	vst v63  }
0x178: {  	_ =	swait.ge [sflag:s22], $0x4000  }
0x179: {  	[sflag:s22] =	ssyncset.done $0x0  }
0x17a: {  	[sflag:s22] =	ssyncadd.s32 $0xFFFFC000  }
0x17b: {  	[hbm4b:s6+s2] =	stream.linear.scatter [tilespmem:s21], [sflag:$0x6], $0x4000, $0x38;
	[tilespmem:$0x1C1C0] =	vst v63  }
0x17c: {  	_ =	swait.ge [sflag:s23], $0x4000  }
0x17d: {  	[sflag:s23] =	ssyncset.done $0x0  }
0x17e: {  	[sflag:s23] =	ssyncadd.s32 $0xFFFFC000  }
0x17f: {  	v0 =	vld [tilespmem:$0x6300]  }
0x180: {  	v1 =	vld [tilespmem:$0x6310]  }
0x181: {  	v2 =	vld [tilespmem:$0x6320]  }
0x182: {  	v3 =	vld [tilespmem:$0x6330]  }
0x183: {  	v4 =	vld [tilespmem:$0x6340]  }
0x184: {  	v5 =	vld [tilespmem:$0x6350]  }
0x185: {  	v6 =	vld [tilespmem:$0x6360]  }
0x186: {  	v7 =	vld [tilespmem:$0x6370]  }
0x187: {  	v0 =	vmax.f32 v0, $1.999999950e-04;
	v1 =	vmax.f32 v1, $1.999999950e-04  }
0x188: {  	v2 =	vmax.f32 v2, $1.999999950e-04;
	v3 =	vmax.f32 v3, $1.999999950e-04;
	v4 =	vmax.f32 v4, $1.999999950e-04  }
0x189: {  	v5 =	vmax.f32 v5, $1.999999950e-04;
	v0 =	vmul.f32 $5.000000000e+03, v0;
	v1 =	vmul.f32 $5.000000000e+03, v1  }
0x18a: {  	v6 =	vmax.f32 v6, $1.999999950e-04;
	v2 =	vmul.f32 $5.000000000e+03, v2;
	v3 =	vmul.f32 $5.000000000e+03, v3  }
0x18b: {  	v7 =	vmax.f32 v7, $1.999999950e-04;
	v4 =	vmul.f32 $5.000000000e+03, v4;
	v5 =	vmul.f32 $5.000000000e+03, v5  }
0x18c: {  	v6 =	vmul.f32 $5.000000000e+03, v6;
	v0 =	vadd.f32 $1.258291200e+07, v0;
	v1 =	vadd.f32 $1.258291200e+07, v1  }
0x18d: {  	v7 =	vmul.f32 $5.000000000e+03, v7;
	v2 =	vadd.f32 $1.258291200e+07, v2;
	v3 =	vadd.f32 $1.258291200e+07, v3  }
0x18e: {  	v4 =	vadd.f32 $1.258291200e+07, v4;
	v5 =	vadd.f32 $1.258291200e+07, v5  }
0x18f: {  	v6 =	vadd.f32 $1.258291200e+07, v6;
	v7 =	vadd.f32 $1.258291200e+07, v7  }
0x190: {  	v0 =	vadd.f32 $-1.258291200e+07, v0;
	v1 =	vadd.f32 $-1.258291200e+07, v1  }
0x191: {  	v2 =	vadd.f32 $-1.258291200e+07, v2;
	v3 =	vadd.f32 $-1.258291200e+07, v3  }
0x192: {  	v4 =	vadd.f32 $-1.258291200e+07, v4;
	v5 =	vadd.f32 $-1.258291200e+07, v5;
	v0 =	vtrunc.f32 v0  }
0x193: {  	v28 =	vadd.f32 $-1.258291200e+07, v6;
	v1 =	vtrunc.f32 v1;
	v0 =	vcvt.f32.s32 v0  }
0x194: {  	v31 =	vadd.f32 $-1.258291200e+07, v7;
	v2 =	vtrunc.f32 v2;
	v1 =	vcvt.f32.s32 v1  }
0x195: {  	v27 =	vtrunc.f32 v4;
	v2 =	vcvt.f32.s32 v2;
	v0 =	vadd.s32 $0xFFFFFFFF, v0  }
0x196: {  	v30 =	vtrunc.f32 v5;
	v29 =	vcvt.f32.s32 v27;
	v1 =	vadd.s32 $0xFFFFFFFF, v1;
	[tilespmem:$0x6400] =	vst v0  }
0x197: {  	v33 =	vtrunc.f32 v28;
	v32 =	vcvt.f32.s32 v30;
	v2 =	vadd.s32 $0xFFFFFFFF, v2;
	[tilespmem:$0x6410] =	vst v1  }
0x198: {  	v36 =	vtrunc.f32 v31;
	v35 =	vcvt.f32.s32 v33;
	v34 =	vadd.s32 $0xFFFFFFFF, v29;
	[tilespmem:$0x6420] =	vst v2  }
0x199: {  	v3 =	vtrunc.f32 v3;
	v38 =	vcvt.f32.s32 v36;
	v37 =	vadd.s32 $0xFFFFFFFF, v32;
	[tilespmem:$0x6440] =	vst v34  }
0x19a: {  	v26 =	vcvt.f32.s32 v3;
	v39 =	vadd.s32 $0xFFFFFFFF, v35;
	[tilespmem:$0x6450] =	vst v37  }
0x19b: {  	v40 =	vadd.s32 $0xFFFFFFFF, v38;
	[tilespmem:$0x6460] =	vst v39  }
0x19c: {  	v0 =	vadd.s32 $0xFFFFFFFF, v26;
	[tilespmem:$0x6470] =	vst v40  }
0x19d: {  	[tilespmem:$0x6430] =	vst v0  }
0x19e: {  	[tilespmem:s15], [sflag:$0x1] =	stream.indirect.gather [hbm4b:s0+s13], $0x80, s14, s13, $0xb8;
	[tilespmem:$0x1C1C0] =	vst v63  }
0x19f: {  	_ =	swait.ge [sflag:s16], $0x4000  }
0x1a0: {  	[sflag:s16] =	ssyncset.done $0x0  }
0x1a1: {  	[sflag:s16] =	ssyncadd.s32 $0xFFFFC000  }
0x1a2: {  	[hbm4b:s7+s2] =	stream.linear.scatter [tilespmem:s15], [sflag:$0x4], $0x4000, $0x38;
	[tilespmem:$0x1C1C0] =	vst v63  }
0x1a3: {  	_ =	swait.ge [sflag:s24], $0x4000  }
0x1a4: {  	[sflag:s24] =	ssyncset.done $0x0  }
0x1a5: {  	[sflag:s24] =	ssyncadd.s32 $0xFFFFC000  }
0x1a6: {  	v41 =	vld [tilespmem:$0x6380]  }
0x1a7: {  	v42 =	vld [tilespmem:$0x6390]  }
0x1a8: {  	v43 =	vld [tilespmem:$0x63A0]  }
0x1a9: {  	v44 =	vld [tilespmem:$0x63B0]  }
0x1aa: {  	v45 =	vld [tilespmem:$0x63C0]  }
0x1ab: {  	v46 =	vld [tilespmem:$0x63D0]  }
0x1ac: {  	v47 =	vld [tilespmem:$0x63E0]  }
0x1ad: {  	v48 =	vld [tilespmem:$0x63F0]  }
0x1ae: {  	v0 =	vmax.f32 v41, $1.999999950e-04;
	v1 =	vmax.f32 v42, $1.999999950e-04  }
0x1af: {  	v2 =	vmax.f32 v43, $1.999999950e-04;
	v3 =	vmax.f32 v44, $1.999999950e-04;
	v4 =	vmax.f32 v45, $1.999999950e-04  }
0x1b0: {  	v5 =	vmax.f32 v46, $1.999999950e-04;
	v0 =	vmul.f32 $5.000000000e+03, v0;
	v1 =	vmul.f32 $5.000000000e+03, v1  }
0x1b1: {  	v6 =	vmax.f32 v47, $1.999999950e-04;
	v2 =	vmul.f32 $5.000000000e+03, v2;
	v3 =	vmul.f32 $5.000000000e+03, v3  }
0x1b2: {  	v7 =	vmax.f32 v48, $1.999999950e-04;
	v4 =	vmul.f32 $5.000000000e+03, v4;
	v5 =	vmul.f32 $5.000000000e+03, v5  }
0x1b3: {  	v6 =	vmul.f32 $5.000000000e+03, v6;
	v0 =	vadd.f32 $1.258291200e+07, v0;
	v1 =	vadd.f32 $1.258291200e+07, v1  }
0x1b4: {  	v7 =	vmul.f32 $5.000000000e+03, v7;
	v2 =	vadd.f32 $1.258291200e+07, v2;
	v3 =	vadd.f32 $1.258291200e+07, v3  }
0x1b5: {  	v4 =	vadd.f32 $1.258291200e+07, v4;
	v5 =	vadd.f32 $1.258291200e+07, v5  }
0x1b6: {  	v6 =	vadd.f32 $1.258291200e+07, v6;
	v7 =	vadd.f32 $1.258291200e+07, v7  }
0x1b7: {  	v0 =	vadd.f32 $-1.258291200e+07, v0;
	v1 =	vadd.f32 $-1.258291200e+07, v1  }
0x1b8: {  	v2 =	vadd.f32 $-1.258291200e+07, v2;
	v3 =	vadd.f32 $-1.258291200e+07, v3  }
0x1b9: {  	v4 =	vadd.f32 $-1.258291200e+07, v4;
	v5 =	vadd.f32 $-1.258291200e+07, v5;
	v0 =	vtrunc.f32 v0  }
0x1ba: {  	v51 =	vadd.f32 $-1.258291200e+07, v6;
	v1 =	vtrunc.f32 v1;
	v0 =	vcvt.f32.s32 v0  }
0x1bb: {  	v54 =	vadd.f32 $-1.258291200e+07, v7;
	v2 =	vtrunc.f32 v2;
	v1 =	vcvt.f32.s32 v1  }
0x1bc: {  	v50 =	vtrunc.f32 v4;
	v2 =	vcvt.f32.s32 v2;
	v0 =	vadd.s32 $0xFFFFFFFF, v0  }
0x1bd: {  	v53 =	vtrunc.f32 v5;
	v52 =	vcvt.f32.s32 v50;
	v1 =	vadd.s32 $0xFFFFFFFF, v1;
	[tilespmem:$0x6480] =	vst v0  }
0x1be: {  	v56 =	vtrunc.f32 v51;
	v55 =	vcvt.f32.s32 v53;
	v2 =	vadd.s32 $0xFFFFFFFF, v2;
	[tilespmem:$0x6490] =	vst v1  }
0x1bf: {  	v59 =	vtrunc.f32 v54;
	v58 =	vcvt.f32.s32 v56;
	v57 =	vadd.s32 $0xFFFFFFFF, v52;
	[tilespmem:$0x64A0] =	vst v2  }
0x1c0: {  	v3 =	vtrunc.f32 v3;
	v61 =	vcvt.f32.s32 v59;
	v60 =	vadd.s32 $0xFFFFFFFF, v55;
	[tilespmem:$0x64C0] =	vst v57  }
0x1c1: {  	v49 =	vcvt.f32.s32 v3;
	v62 =	vadd.s32 $0xFFFFFFFF, v58;
	[tilespmem:$0x64D0] =	vst v60  }
0x1c2: {  	v63 =	vadd.s32 $0xFFFFFFFF, v61;
	[tilespmem:$0x64E0] =	vst v62  }
0x1c3: {  	v0 =	vadd.s32 $0xFFFFFFFF, v49;
	[tilespmem:$0x64F0] =	vst v63  }
0x1c4: {  	[tilespmem:$0x64B0] =	vst v0  }
0x1c5: {  	[tilespmem:s18], [sflag:$0x2] =	stream.indirect.gather [hbm4b:s0+s13], $0x80, s17, s13, $0xb8;
	[tilespmem:$0x1C1C0] =	vst v63  }
0x1c6: {  	_ =	swait.ge [sflag:s19], $0x4000  }
0x1c7: {  	[sflag:s19] =	ssyncset.done $0x0  }
0x1c8: {  	[sflag:s19] =	ssyncadd.s32 $0xFFFFC000  }
0x1c9: {  	[hbm4b:s8+s2] =	stream.linear.scatter [tilespmem:s18], [sflag:$0x5], $0x4000, $0x38;
	[tilespmem:$0x1C1C0] =	vst v63  }
0x1ca: {  	_ =	swait.ge [sflag:s25], $0x4000  }
0x1cb: {  	[sflag:s25] =	ssyncset.done $0x0  }
0x1cc: {  	s26 =	sadd.s32 $0x1, s26;
	[sflag:s25] =	ssyncadd.s32 $0xFFFFC000  }
0x1cd: {  	p1 =	sne.s32 s26, s9;
	_ =	swait.ge [sflag:s23], $0x4000  }
.Ltmp1:
0x1ce: {  	[sflag:s23] =	ssyncset.done $0x0;
	(pc) =	sbr.rel @p1 .LBB2_1-.Ltmp1, $4  }
0x1cf: {  	[sflag:s23] =	ssyncadd.s32 $0xFFFFC000  }
0x1d0: {  	_ =	swait.ge [sflag:s24], $0x4000  }
0x1d1: {  	[sflag:s24] =	ssyncset.done $0x0  }
0x1d2: {  	[sflag:s24] =	ssyncadd.s32 $0xFFFFC000  }
0x1d3: {  	_ =	sfence.sel $0x180000  }
0x1d4: {  	[bflag:$0x0] =	sbarrier.arrive $0xFFFF  }
0x1d5: {  	_ =	strace $0x90000047  }
0x1d6: {  	s0 =	sadd.s32 @!p0 $0x100000, s1;
	[bflag:$0x2] =	sbarrier.arrive $0xFFFF  }
0x1d7: {  	[sflag:s0] =	ssyncadd.tile.s32 @!p0 $0x1;
	_ =	shalt  }
.Lfunc_end2:
_tile_overlayer_lowered:
.L_overlay_start_2:
0x1d8: {  	(tag) =	ssettag $0x2  }
0x1d9: {  	s0 =	rddreg [dreg:$0x0];
	s2 =	stileid.u32  }
0x1da: {  	s1 =	rddreg [dreg:$0x1];
	p0 =	sne.s32 s2, $0x0  }
0x1db: {  	s3 =	rddreg [dreg:$0x2];
	[bflag:$0x3] =	sbarrier.arrive $0xFFFF;
	s2 =	simm.s32 @!p0 $0x1C07  }
0x1dc: {  	[timem:s3], [sflag:s2] =	dma.local @!p0 [hbm:s0], s1  }
0x1dd: {  	s0 =	simm.s32 @!p0 $0x7  }
0x1de: {  	_ =	swait.ge @!p0 [sflag:s0], s1  }
0x1df: {  	s1 =	ssub.s32 @!p0 $0x0, s1;
	[sflag:s0] =	ssyncset.done @!p0 $0x0  }
0x1e0: {  	[sflag:s0] =	ssyncadd.s32 @!p0 s1  }
0x1e1: {  	[bflag:$0x3] =	sbarrier.arrive $0xFFFF  }
0x1e2: {  	_ =	shalt  }

</sc_bundles>
